<compile_context>
chip_gen: v7x
topology: tpu7x:2x2x1
jax: 0.10.2.dev20260603
libtpu: 0.0.44.dev20260713+nightly
codegen_flags: <defaults>
</compile_context>

<pallas_src>
import functools

import jax
import jax.numpy as jnp
from jax import lax
from jax.experimental import pallas as pl
from jax.experimental.pallas import tpu as pltpu
from jax.experimental.pallas import tpu_sc as plsc

NX, NY = 16, 8
NBINS = NX * NY
N = 100000
L = 16
NS = 16
NCORES = 2
NW = NCORES * NS
HT = 128
NTILES = N // HT
BASE_T = NTILES // NW
EXTRA_W = NTILES - BASE_T * NW
TAILBASE = NTILES * HT
NTAIL = N - TAILBASE
CHUNKS_MAIN = BASE_T * (HT // L)
NGROUPS = NBINS // L
UNROLL = 8


def _hist_body(pt_hbm, xt_hbm, yt_hbm, out_hbm, buf, tailx, taily, cntflat,
               localcnt, gbuf, tmpv, shared_pub, sem):
    cid = lax.axis_index("c")
    sid = lax.axis_index("s")
    wid = sid * NCORES + cid

    lanes = lax.iota(jnp.int32, L)
    lanebase = lanes * NBINS
    zero = jnp.zeros((L,), jnp.int32)
    ones = jnp.ones((L,), jnp.int32)

    t0 = wid * BASE_T + jnp.minimum(wid, EXTRA_W)
    has_extra = wid < EXTRA_W

    descs = []
    for k in range(BASE_T):
        descs.append(pltpu.async_copy(
            pt_hbm.at[:, pl.ds((t0 + k) * HT, HT)],
            buf.at[pl.ds(2 * k, 2), :], sem))

    def zbody(i, c):
        cntflat[pl.ds(i * L, L)] = zero
        return c
    lax.fori_loop(0, (L * NBINS) // L, zbody, 0)

    for d in descs:
        d.wait()

    def scatter_bins(xv, yv):
        bx = (xv * float(NX)).astype(jnp.int32)
        by = (yv * float(NY)).astype(jnp.int32)
        bins = bx * NY + by
        plsc.addupdate_scatter(cntflat, [lanebase + bins], ones)

    @plsc.parallel_loop(0, CHUNKS_MAIN, unroll=UNROLL)
    def _(c):
        t = lax.shift_right_logical(c, 3)
        j = lax.bitwise_and(c, 7)
        xv = buf[2 * t, pl.ds(j * L, L)]
        yv = buf[2 * t + 1, pl.ds(j * L, L)]
        scatter_bins(xv, yv)

    @pl.when(has_extra)
    def _():
        pltpu.sync_copy(pt_hbm.at[:, pl.ds((t0 + BASE_T) * HT, HT)],
                        buf.at[pl.ds(2 * BASE_T, 2), :])
        for j in range(HT // L):
            xv = buf[2 * BASE_T, pl.ds(j * L, L)]
            yv = buf[2 * BASE_T + 1, pl.ds(j * L, L)]
            scatter_bins(xv, yv)

    is_tail = jnp.logical_and(wid >= EXTRA_W, wid < EXTRA_W + NTAIL // L)

    @pl.when(is_tail)
    def _():
        toff = (wid - EXTRA_W) * L
        pltpu.sync_copy(xt_hbm.at[pl.ds(toff, L)], tailx)
        pltpu.sync_copy(yt_hbm.at[pl.ds(toff, L)], taily)
        scatter_bins(tailx[...], taily[...])

    for g in range(NGROUPS):
        acc = zero
        for lane in range(L):
            acc = acc + cntflat[pl.ds(lane * NBINS + g * L, L)]
        localcnt[pl.ds(g * L, L)] = acc

    pltpu.sync_copy(localcnt, shared_pub.at[sid])
    plsc.subcore_barrier()

    @pl.when(sid < NGROUPS)
    def _():
        for s in range(NS):
            pltpu.sync_copy(shared_pub.at[s, pl.ds(sid * L, L)], gbuf.at[s])
        acc = zero
        for s in range(NS):
            acc = acc + gbuf[s]
        tmpv[...] = acc
        pltpu.sync_copy(tmpv, out_hbm.at[cid, pl.ds(sid * L, L)])


_hist = functools.partial(
    pl.kernel,
    out_type=jax.ShapeDtypeStruct((NCORES, NBINS), jnp.int32),
    mesh=plsc.VectorSubcoreMesh(core_axis_name="c", subcore_axis_name="s",
                                num_cores=NCORES, num_subcores=NS),
    scratch_types=[
        pltpu.VMEM((2 * (BASE_T + 1), HT), jnp.float32),
        pltpu.VMEM((L,), jnp.float32),
        pltpu.VMEM((L,), jnp.float32),
        pltpu.VMEM((L * NBINS,), jnp.int32),
        pltpu.VMEM((NBINS,), jnp.int32),
        pltpu.VMEM((NS, L), jnp.int32),
        pltpu.VMEM((L,), jnp.int32),
        pltpu.VMEM_SHARED((NS, NBINS), jnp.int32),
        pltpu.SemaphoreType.DMA,
    ],
    compiler_params=pltpu.CompilerParams(needs_layout_passes=False),
)(_hist_body)


@jax.jit
def kernel(particles, cell_min, cell_max):
    del cell_min, cell_max
    pt = particles.T
    partials = _hist(pt, particles[TAILBASE:, 0], particles[TAILBASE:, 1])
    return (partials[0] + partials[1]).reshape(NX, NY)

# --- scband reference (transcript-rebuilt; emitter-appended) ---
"""Pipeline reference for scband-observation-model2-d-76055280878227 (READ-ONLY COPY).

The authoritative reference and input builder live on the scoring server;
editing this copy changes nothing except your own understanding.
"""

import jax, jax.numpy as jnp
import numpy as np

NX, NY = 16, 8
MIN_C = (0.0, 0.0)
MAX_C = (1.0, 1.0)


def _build_grid():
    x = jnp.linspace(MIN_C[0], MAX_C[0], NX + 1)
    y = jnp.linspace(MIN_C[1], MAX_C[1], NY + 1)
    X, Y = jnp.meshgrid(x, y, indexing='ij')
    cell_min = jnp.stack((X[:-1, :-1], Y[:-1, :-1])).reshape(2, -1)
    cell_max = jnp.stack((X[1:, 1:], Y[1:, 1:])).reshape(2, -1)
    return cell_min.astype(jnp.float32), cell_max.astype(jnp.float32)


def setup_inputs(seed: int = 0) -> dict:
    key = jax.random.key(seed)
    particles = jax.random.uniform(key, (100000, 2), dtype=jnp.float32)
    cell_min, cell_max = _build_grid()
    return {"particles": particles, "cell_min": cell_min, "cell_max": cell_max}


def reference(particles, cell_min, cell_max):
    # left[i, d, c] = particles[i, d] - cell_min[d, c]
    left = particles[:, :, None] - cell_min[None, :, :]
    right = cell_max[None, :, :] - particles[:, :, None]
    inside = jnp.all(jnp.logical_and(left >= 0, right > 0), axis=1)
    counts = jnp.sum(inside, axis=0).reshape(NX, NY)
    return counts

if __name__ == "__main__":
    import jax
    _d = setup_inputs()
    print(jax.jit(kernel)(*tuple(_d.values())))

</pallas_src>

<mosaic_0001>
#map = affine_map<(d0, d1) -> (0, 0)>
#map1 = affine_map<(d0, d1) -> (0)>
module attributes {stable_mosaic.version = 14 : i64} {
  func.func @_hist_body(%arg0: i32, %arg1: i32, %arg2: memref<2x100000xf32, #tpu.memory_space<hbm>>, %arg3: memref<32xf32, #tpu.memory_space<hbm>>, %arg4: memref<32xf32, #tpu.memory_space<hbm>>, %arg5: memref<2x128xi32, #tpu.memory_space<hbm>>, %arg6: memref<50x128xf32, #tpu.memory_space<vmem>>, %arg7: memref<16xf32, #tpu.memory_space<vmem>>, %arg8: memref<16xf32, #tpu.memory_space<vmem>>, %arg9: memref<2048xi32, #tpu.memory_space<vmem>>, %arg10: memref<128xi32, #tpu.memory_space<vmem>>, %arg11: memref<16x16xi32, #tpu.memory_space<vmem>>, %arg12: memref<16xi32, #tpu.memory_space<vmem>>, %arg13: memref<16x128xi32, #tpu.memory_space<vmem_shared>>, %arg14: memref<!tpu.dma_semaphore, #tpu.memory_space<semaphore_mem>>) attributes {dimension_semantics = [#tpu.dimension_semantics<core_parallel>, #tpu.dimension_semantics<subcore_parallel>], iteration_bounds = array<i64: 2, 16>, scalar_prefetch = 0 : i64, scratch_operands = 9 : i64, tpu.core_type = #tpu.core_type<sc_vector_subcore>, window_params = [{transform_indices = #map}, {transform_indices = #map1}, {transform_indices = #map1}, {transform_indices = #map}]} {
    %mul3A = arith.constant 2 : i32
    %mul3A_0 = arith.muli %arg1, %mul3A : i32
    %add3A = arith.addi %mul3A_0, %arg0 : i32
    %iota3A = tpu.iota {dimensions = array<i32: 0>} : vector<16xi32>
    %mul3A_1 = arith.constant 128 : i32
    %mul3A_2 = vector.broadcast %mul3A_1 : i32 to vector<16xi32>
    %mul3A_3 = arith.muli %iota3A, %mul3A_2 : vector<16xi32>
    %broadcast_in_dim3A = arith.constant 0 : i32
    %broadcast_in_dim3A_4 = vector.broadcast %broadcast_in_dim3A : i32 to vector<16xi32>
    %broadcast_in_dim3A_5 = arith.constant 1 : i32
    %broadcast_in_dim3A_6 = vector.broadcast %broadcast_in_dim3A_5 : i32 to vector<16xi32>
    %mul3A_7 = arith.constant 24 : i32
    %mul3A_8 = arith.muli %add3A, %mul3A_7 : i32
    %min3A = arith.constant 13 : i32
    %min3A_9 = arith.minsi %add3A, %min3A : i32
    %add3A_10 = arith.addi %mul3A_8, %min3A_9 : i32
    %lt3A = arith.constant 13 : i32
    %lt3A_11 = arith.cmpi slt, %add3A, %lt3A : i32
    %add3A_12 = arith.constant 0 : i32
    %add3A_13 = arith.addi %add3A_10, %add3A_12 : i32
    %mul3A_14 = arith.constant 128 : i32
    %mul3A_15 = arith.muli %add3A_13, %mul3A_14 : i32
    %dma_start3A = arith.constant 0 : i32
    %dma_start3A_16 = arith.constant 0 : i32
    %dma_start3A_17 = tpu.memref_slice %arg6[%dma_start3A, %dma_start3A_16] : memref<50x128xf32, #tpu.memory_space<vmem>> -> memref<2x128xf32, #tpu.memory_space<vmem>>
    %dma_start3A_18 = arith.constant 0 : i32
    %dma_start3A_19 = tpu.memref_slice %arg2[%dma_start3A_18, %mul3A_15] : memref<2x100000xf32, #tpu.memory_space<hbm>> -> memref<2x128xf32, #tpu.memory_space<hbm>>
    %dma_start3A_20 = arith.constant 0 : i32
    %dma_start3A_21 = arith.constant 0 : i32
    %dma_start3A_22 = tpu.memref_slice %arg6[%dma_start3A_20, %dma_start3A_21] : memref<50x128xf32, #tpu.memory_space<vmem>> -> memref<2x128xf32, #tpu.memory_space<vmem>>
    %dma_start3A_23 = arith.constant 0 : i32
    %dma_start3A_24 = tpu.memref_slice %arg2[%dma_start3A_23, %mul3A_15] : memref<2x100000xf32, #tpu.memory_space<hbm>> -> memref<2x128xf32, #tpu.memory_space<hbm>>
    tpu.enqueue_dma source(%dma_start3A_24 : memref<2x128xf32, #tpu.memory_space<hbm>>) target(%dma_start3A_22 : memref<2x128xf32, #tpu.memory_space<vmem>>) target_semaphore(%arg14 : memref<!tpu.dma_semaphore, #tpu.memory_space<semaphore_mem>>)
    %add3A_25 = arith.constant 1 : i32
    %add3A_26 = arith.addi %add3A_10, %add3A_25 : i32
    %mul3A_27 = arith.constant 128 : i32
    %mul3A_28 = arith.muli %add3A_26, %mul3A_27 : i32
    %dma_start3A_29 = arith.constant 2 : i32
    %dma_start3A_30 = arith.constant 0 : i32
    %dma_start3A_31 = tpu.memref_slice %arg6[%dma_start3A_29, %dma_start3A_30] : memref<50x128xf32, #tpu.memory_space<vmem>> -> memref<2x128xf32, #tpu.memory_space<vmem>>
    %dma_start3A_32 = arith.constant 0 : i32
    %dma_start3A_33 = tpu.memref_slice %arg2[%dma_start3A_32, %mul3A_28] : memref<2x100000xf32, #tpu.memory_space<hbm>> -> memref<2x128xf32, #tpu.memory_space<hbm>>
    %dma_start3A_34 = arith.constant 2 : i32
    %dma_start3A_35 = arith.constant 0 : i32
    %dma_start3A_36 = tpu.memref_slice %arg6[%dma_start3A_34, %dma_start3A_35] : memref<50x128xf32, #tpu.memory_space<vmem>> -> memref<2x128xf32, #tpu.memory_space<vmem>>
    %dma_start3A_37 = arith.constant 0 : i32
    %dma_start3A_38 = tpu.memref_slice %arg2[%dma_start3A_37, %mul3A_28] : memref<2x100000xf32, #tpu.memory_space<hbm>> -> memref<2x128xf32, #tpu.memory_space<hbm>>
    tpu.enqueue_dma source(%dma_start3A_38 : memref<2x128xf32, #tpu.memory_space<hbm>>) target(%dma_start3A_36 : memref<2x128xf32, #tpu.memory_space<vmem>>) target_semaphore(%arg14 : memref<!tpu.dma_semaphore, #tpu.memory_space<semaphore_mem>>)
    %add3A_39 = arith.constant 2 : i32
    %add3A_40 = arith.addi %add3A_10, %add3A_39 : i32
    %mul3A_41 = arith.constant 128 : i32
    %mul3A_42 = arith.muli %add3A_40, %mul3A_41 : i32
    %dma_start3A_43 = arith.constant 4 : i32
    %dma_start3A_44 = arith.constant 0 : i32
    %dma_start3A_45 = tpu.memref_slice %arg6[%dma_start3A_43, %dma_start3A_44] : memref<50x128xf32, #tpu.memory_space<vmem>> -> memref<2x128xf32, #tpu.memory_space<vmem>>
    %dma_start3A_46 = arith.constant 0 : i32
    %dma_start3A_47 = tpu.memref_slice %arg2[%dma_start3A_46, %mul3A_42] : memref<2x100000xf32, #tpu.memory_space<hbm>> -> memref<2x128xf32, #tpu.memory_space<hbm>>
    %dma_start3A_48 = arith.constant 4 : i32
    %dma_start3A_49 = arith.constant 0 : i32
    %dma_start3A_50 = tpu.memref_slice %arg6[%dma_start3A_48, %dma_start3A_49] : memref<50x128xf32, #tpu.memory_space<vmem>> -> memref<2x128xf32, #tpu.memory_space<vmem>>
    %dma_start3A_51 = arith.constant 0 : i32
    %dma_start3A_52 = tpu.memref_slice %arg2[%dma_start3A_51, %mul3A_42] : memref<2x100000xf32, #tpu.memory_space<hbm>> -> memref<2x128xf32, #tpu.memory_space<hbm>>
    tpu.enqueue_dma source(%dma_start3A_52 : memref<2x128xf32, #tpu.memory_space<hbm>>) target(%dma_start3A_50 : memref<2x128xf32, #tpu.memory_space<vmem>>) target_semaphore(%arg14 : memref<!tpu.dma_semaphore, #tpu.memory_space<semaphore_mem>>)
    %add3A_53 = arith.constant 3 : i32
    %add3A_54 = arith.addi %add3A_10, %add3A_53 : i32
    %mul3A_55 = arith.constant 128 : i32
    %mul3A_56 = arith.muli %add3A_54, %mul3A_55 : i32
    %dma_start3A_57 = arith.constant 6 : i32
    %dma_start3A_58 = arith.constant 0 : i32
    %dma_start3A_59 = tpu.memref_slice %arg6[%dma_start3A_57, %dma_start3A_58] : memref<50x128xf32, #tpu.memory_space<vmem>> -> memref<2x128xf32, #tpu.memory_space<vmem>>
    %dma_start3A_60 = arith.constant 0 : i32
    %dma_start3A_61 = tpu.memref_slice %arg2[%dma_start3A_60, %mul3A_56] : memref<2x100000xf32, #tpu.memory_space<hbm>> -> memref<2x128xf32, #tpu.memory_space<hbm>>
    %dma_start3A_62 = arith.constant 6 : i32
    %dma_start3A_63 = arith.constant 0 : i32
    %dma_start3A_64 = tpu.memref_slice %arg6[%dma_start3A_62, %dma_start3A_63] : memref<50x128xf32, #tpu.memory_space<vmem>> -> memref<2x128xf32, #tpu.memory_space<vmem>>
    %dma_start3A_65 = arith.constant 0 : i32
    %dma_start3A_66 = tpu.memref_slice %arg2[%dma_start3A_65, %mul3A_56] : memref<2x100000xf32, #tpu.memory_space<hbm>> -> memref<2x128xf32, #tpu.memory_space<hbm>>
    tpu.enqueue_dma source(%dma_start3A_66 : memref<2x128xf32, #tpu.memory_space<hbm>>) target(%dma_start3A_64 : memref<2x128xf32, #tpu.memory_space<vmem>>) target_semaphore(%arg14 : memref<!tpu.dma_semaphore, #tpu.memory_space<semaphore_mem>>)
    %add3A_67 = arith.constant 4 : i32
    %add3A_68 = arith.addi %add3A_10, %add3A_67 : i32
    %mul3A_69 = arith.constant 128 : i32
    %mul3A_70 = arith.muli %add3A_68, %mul3A_69 : i32
    %dma_start3A_71 = arith.constant 8 : i32
    %dma_start3A_72 = arith.constant 0 : i32
    %dma_start3A_73 = tpu.memref_slice %arg6[%dma_start3A_71, %dma_start3A_72] : memref<50x128xf32, #tpu.memory_space<vmem>> -> memref<2x128xf32, #tpu.memory_space<vmem>>
    %dma_start3A_74 = arith.constant 0 : i32
    %dma_start3A_75 = tpu.memref_slice %arg2[%dma_start3A_74, %mul3A_70] : memref<2x100000xf32, #tpu.memory_space<hbm>> -> memref<2x128xf32, #tpu.memory_space<hbm>>
    %dma_start3A_76 = arith.constant 8 : i32
    %dma_start3A_77 = arith.constant 0 : i32
    %dma_start3A_78 = tpu.memref_slice %arg6[%dma_start3A_76, %dma_start3A_77] : memref<50x128xf32, #tpu.memory_space<vmem>> -> memref<2x128xf32, #tpu.memory_space<vmem>>
    %dma_start3A_79 = arith.constant 0 : i32
    %dma_start3A_80 = tpu.memref_slice %arg2[%dma_start3A_79, %mul3A_70] : memref<2x100000xf32, #tpu.memory_space<hbm>> -> memref<2x128xf32, #tpu.memory_space<hbm>>
    tpu.enqueue_dma source(%dma_start3A_80 : memref<2x128xf32, #tpu.memory_space<hbm>>) target(%dma_start3A_78 : memref<2x128xf32, #tpu.memory_space<vmem>>) target_semaphore(%arg14 : memref<!tpu.dma_semaphore, #tpu.memory_space<semaphore_mem>>)
    %add3A_81 = arith.constant 5 : i32
    %add3A_82 = arith.addi %add3A_10, %add3A_81 : i32
    %mul3A_83 = arith.constant 128 : i32
    %mul3A_84 = arith.muli %add3A_82, %mul3A_83 : i32
    %dma_start3A_85 = arith.constant 10 : i32
    %dma_start3A_86 = arith.constant 0 : i32
    %dma_start3A_87 = tpu.memref_slice %arg6[%dma_start3A_85, %dma_start3A_86] : memref<50x128xf32, #tpu.memory_space<vmem>> -> memref<2x128xf32, #tpu.memory_space<vmem>>
    %dma_start3A_88 = arith.constant 0 : i32
    %dma_start3A_89 = tpu.memref_slice %arg2[%dma_start3A_88, %mul3A_84] : memref<2x100000xf32, #tpu.memory_space<hbm>> -> memref<2x128xf32, #tpu.memory_space<hbm>>
    %dma_start3A_90 = arith.constant 10 : i32
    %dma_start3A_91 = arith.constant 0 : i32
    %dma_start3A_92 = tpu.memref_slice %arg6[%dma_start3A_90, %dma_start3A_91] : memref<50x128xf32, #tpu.memory_space<vmem>> -> memref<2x128xf32, #tpu.memory_space<vmem>>
    %dma_start3A_93 = arith.constant 0 : i32
    %dma_start3A_94 = tpu.memref_slice %arg2[%dma_start3A_93, %mul3A_84] : memref<2x100000xf32, #tpu.memory_space<hbm>> -> memref<2x128xf32, #tpu.memory_space<hbm>>
    tpu.enqueue_dma source(%dma_start3A_94 : memref<2x128xf32, #tpu.memory_space<hbm>>) target(%dma_start3A_92 : memref<2x128xf32, #tpu.memory_space<vmem>>) target_semaphore(%arg14 : memref<!tpu.dma_semaphore, #tpu.memory_space<semaphore_mem>>)
    %add3A_95 = arith.constant 6 : i32
    %add3A_96 = arith.addi %add3A_10, %add3A_95 : i32
    %mul3A_97 = arith.constant 128 : i32
    %mul3A_98 = arith.muli %add3A_96, %mul3A_97 : i32
    %dma_start3A_99 = arith.constant 12 : i32
    %dma_start3A_100 = arith.constant 0 : i32
    %dma_start3A_101 = tpu.memref_slice %arg6[%dma_start3A_99, %dma_start3A_100] : memref<50x128xf32, #tpu.memory_space<vmem>> -> memref<2x128xf32, #tpu.memory_space<vmem>>
    %dma_start3A_102 = arith.constant 0 : i32
    %dma_start3A_103 = tpu.memref_slice %arg2[%dma_start3A_102, %mul3A_98] : memref<2x100000xf32, #tpu.memory_space<hbm>> -> memref<2x128xf32, #tpu.memory_space<hbm>>
    %dma_start3A_104 = arith.constant 12 : i32
    %dma_start3A_105 = arith.constant 0 : i32
    %dma_start3A_106 = tpu.memref_slice %arg6[%dma_start3A_104, %dma_start3A_105] : memref<50x128xf32, #tpu.memory_space<vmem>> -> memref<2x128xf32, #tpu.memory_space<vmem>>
    %dma_start3A_107 = arith.constant 0 : i32
    %dma_start3A_108 = tpu.memref_slice %arg2[%dma_start3A_107, %mul3A_98] : memref<2x100000xf32, #tpu.memory_space<hbm>> -> memref<2x128xf32, #tpu.memory_space<hbm>>
    tpu.enqueue_dma source(%dma_start3A_108 : memref<2x128xf32, #tpu.memory_space<hbm>>) target(%dma_start3A_106 : memref<2x128xf32, #tpu.memory_space<vmem>>) target_semaphore(%arg14 : memref<!tpu.dma_semaphore, #tpu.memory_space<semaphore_mem>>)
    %add3A_109 = arith.constant 7 : i32
    %add3A_110 = arith.addi %add3A_10, %add3A_109 : i32
    %mul3A_111 = arith.constant 128 : i32
    %mul3A_112 = arith.muli %add3A_110, %mul3A_111 : i32
    %dma_start3A_113 = arith.constant 14 : i32
    %dma_start3A_114 = arith.constant 0 : i32
    %dma_start3A_115 = tpu.memref_slice %arg6[%dma_start3A_113, %dma_start3A_114] : memref<50x128xf32, #tpu.memory_space<vmem>> -> memref<2x128xf32, #tpu.memory_space<vmem>>
    %dma_start3A_116 = arith.constant 0 : i32
    %dma_start3A_117 = tpu.memref_slice %arg2[%dma_start3A_116, %mul3A_112] : memref<2x100000xf32, #tpu.memory_space<hbm>> -> memref<2x128xf32, #tpu.memory_space<hbm>>
    %dma_start3A_118 = arith.constant 14 : i32
    %dma_start3A_119 = arith.constant 0 : i32
    %dma_start3A_120 = tpu.memref_slice %arg6[%dma_start3A_118, %dma_start3A_119] : memref<50x128xf32, #tpu.memory_space<vmem>> -> memref<2x128xf32, #tpu.memory_space<vmem>>
    %dma_start3A_121 = arith.constant 0 : i32
    %dma_start3A_122 = tpu.memref_slice %arg2[%dma_start3A_121, %mul3A_112] : memref<2x100000xf32, #tpu.memory_space<hbm>> -> memref<2x128xf32, #tpu.memory_space<hbm>>
    tpu.enqueue_dma source(%dma_start3A_122 : memref<2x128xf32, #tpu.memory_space<hbm>>) target(%dma_start3A_120 : memref<2x128xf32, #tpu.memory_space<vmem>>) target_semaphore(%arg14 : memref<!tpu.dma_semaphore, #tpu.memory_space<semaphore_mem>>)
    %add3A_123 = arith.constant 8 : i32
    %add3A_124 = arith.addi %add3A_10, %add3A_123 : i32
    %mul3A_125 = arith.constant 128 : i32
    %mul3A_126 = arith.muli %add3A_124, %mul3A_125 : i32
    %dma_start3A_127 = arith.constant 16 : i32
    %dma_start3A_128 = arith.constant 0 : i32
    %dma_start3A_129 = tpu.memref_slice %arg6[%dma_start3A_127, %dma_start3A_128] : memref<50x128xf32, #tpu.memory_space<vmem>> -> memref<2x128xf32, #tpu.memory_space<vmem>>
    %dma_start3A_130 = arith.constant 0 : i32
    %dma_start3A_131 = tpu.memref_slice %arg2[%dma_start3A_130, %mul3A_126] : memref<2x100000xf32, #tpu.memory_space<hbm>> -> memref<2x128xf32, #tpu.memory_space<hbm>>
    %dma_start3A_132 = arith.constant 16 : i32
    %dma_start3A_133 = arith.constant 0 : i32
    %dma_start3A_134 = tpu.memref_slice %arg6[%dma_start3A_132, %dma_start3A_133] : memref<50x128xf32, #tpu.memory_space<vmem>> -> memref<2x128xf32, #tpu.memory_space<vmem>>
    %dma_start3A_135 = arith.constant 0 : i32
    %dma_start3A_136 = tpu.memref_slice %arg2[%dma_start3A_135, %mul3A_126] : memref<2x100000xf32, #tpu.memory_space<hbm>> -> memref<2x128xf32, #tpu.memory_space<hbm>>
    tpu.enqueue_dma source(%dma_start3A_136 : memref<2x128xf32, #tpu.memory_space<hbm>>) target(%dma_start3A_134 : memref<2x128xf32, #tpu.memory_space<vmem>>) target_semaphore(%arg14 : memref<!tpu.dma_semaphore, #tpu.memory_space<semaphore_mem>>)
    %add3A_137 = arith.constant 9 : i32
    %add3A_138 = arith.addi %add3A_10, %add3A_137 : i32
    %mul3A_139 = arith.constant 128 : i32
    %mul3A_140 = arith.muli %add3A_138, %mul3A_139 : i32
    %dma_start3A_141 = arith.constant 18 : i32
    %dma_start3A_142 = arith.constant 0 : i32
    %dma_start3A_143 = tpu.memref_slice %arg6[%dma_start3A_141, %dma_start3A_142] : memref<50x128xf32, #tpu.memory_space<vmem>> -> memref<2x128xf32, #tpu.memory_space<vmem>>
    %dma_start3A_144 = arith.constant 0 : i32
    %dma_start3A_145 = tpu.memref_slice %arg2[%dma_start3A_144, %mul3A_140] : memref<2x100000xf32, #tpu.memory_space<hbm>> -> memref<2x128xf32, #tpu.memory_space<hbm>>
    %dma_start3A_146 = arith.constant 18 : i32
    %dma_start3A_147 = arith.constant 0 : i32
    %dma_start3A_148 = tpu.memref_slice %arg6[%dma_start3A_146, %dma_start3A_147] : memref<50x128xf32, #tpu.memory_space<vmem>> -> memref<2x128xf32, #tpu.memory_space<vmem>>
    %dma_start3A_149 = arith.constant 0 : i32
    %dma_start3A_150 = tpu.memref_slice %arg2[%dma_start3A_149, %mul3A_140] : memref<2x100000xf32, #tpu.memory_space<hbm>> -> memref<2x128xf32, #tpu.memory_space<hbm>>
    tpu.enqueue_dma source(%dma_start3A_150 : memref<2x128xf32, #tpu.memory_space<hbm>>) target(%dma_start3A_148 : memref<2x128xf32, #tpu.memory_space<vmem>>) target_semaphore(%arg14 : memref<!tpu.dma_semaphore, #tpu.memory_space<semaphore_mem>>)
    %add3A_151 = arith.constant 10 : i32
    %add3A_152 = arith.addi %add3A_10, %add3A_151 : i32
    %mul3A_153 = arith.constant 128 : i32
    %mul3A_154 = arith.muli %add3A_152, %mul3A_153 : i32
    %dma_start3A_155 = arith.constant 20 : i32
    %dma_start3A_156 = arith.constant 0 : i32
    %dma_start3A_157 = tpu.memref_slice %arg6[%dma_start3A_155, %dma_start3A_156] : memref<50x128xf32, #tpu.memory_space<vmem>> -> memref<2x128xf32, #tpu.memory_space<vmem>>
    %dma_start3A_158 = arith.constant 0 : i32
    %dma_start3A_159 = tpu.memref_slice %arg2[%dma_start3A_158, %mul3A_154] : memref<2x100000xf32, #tpu.memory_space<hbm>> -> memref<2x128xf32, #tpu.memory_space<hbm>>
    %dma_start3A_160 = arith.constant 20 : i32
    %dma_start3A_161 = arith.constant 0 : i32
    %dma_start3A_162 = tpu.memref_slice %arg6[%dma_start3A_160, %dma_start3A_161] : memref<50x128xf32, #tpu.memory_space<vmem>> -> memref<2x128xf32, #tpu.memory_space<vmem>>
    %dma_start3A_163 = arith.constant 0 : i32
    %dma_start3A_164 = tpu.memref_slice %arg2[%dma_start3A_163, %mul3A_154] : memref<2x100000xf32, #tpu.memory_space<hbm>> -> memref<2x128xf32, #tpu.memory_space<hbm>>
    tpu.enqueue_dma source(%dma_start3A_164 : memref<2x128xf32, #tpu.memory_space<hbm>>) target(%dma_start3A_162 : memref<2x128xf32, #tpu.memory_space<vmem>>) target_semaphore(%arg14 : memref<!tpu.dma_semaphore, #tpu.memory_space<semaphore_mem>>)
    %add3A_165 = arith.constant 11 : i32
    %add3A_166 = arith.addi %add3A_10, %add3A_165 : i32
    %mul3A_167 = arith.constant 128 : i32
    %mul3A_168 = arith.muli %add3A_166, %mul3A_167 : i32
    %dma_start3A_169 = arith.constant 22 : i32
    %dma_start3A_170 = arith.constant 0 : i32
    %dma_start3A_171 = tpu.memref_slice %arg6[%dma_start3A_169, %dma_start3A_170] : memref<50x128xf32, #tpu.memory_space<vmem>> -> memref<2x128xf32, #tpu.memory_space<vmem>>
    %dma_start3A_172 = arith.constant 0 : i32
    %dma_start3A_173 = tpu.memref_slice %arg2[%dma_start3A_172, %mul3A_168] : memref<2x100000xf32, #tpu.memory_space<hbm>> -> memref<2x128xf32, #tpu.memory_space<hbm>>
    %dma_start3A_174 = arith.constant 22 : i32
    %dma_start3A_175 = arith.constant 0 : i32
    %dma_start3A_176 = tpu.memref_slice %arg6[%dma_start3A_174, %dma_start3A_175] : memref<50x128xf32, #tpu.memory_space<vmem>> -> memref<2x128xf32, #tpu.memory_space<vmem>>
    %dma_start3A_177 = arith.constant 0 : i32
    %dma_start3A_178 = tpu.memref_slice %arg2[%dma_start3A_177, %mul3A_168] : memref<2x100000xf32, #tpu.memory_space<hbm>> -> memref<2x128xf32, #tpu.memory_space<hbm>>
    tpu.enqueue_dma source(%dma_start3A_178 : memref<2x128xf32, #tpu.memory_space<hbm>>) target(%dma_start3A_176 : memref<2x128xf32, #tpu.memory_space<vmem>>) target_semaphore(%arg14 : memref<!tpu.dma_semaphore, #tpu.memory_space<semaphore_mem>>)
    %add3A_179 = arith.constant 12 : i32
    %add3A_180 = arith.addi %add3A_10, %add3A_179 : i32
    %mul3A_181 = arith.constant 128 : i32
    %mul3A_182 = arith.muli %add3A_180, %mul3A_181 : i32
    %dma_start3A_183 = arith.constant 24 : i32
    %dma_start3A_184 = arith.constant 0 : i32
    %dma_start3A_185 = tpu.memref_slice %arg6[%dma_start3A_183, %dma_start3A_184] : memref<50x128xf32, #tpu.memory_space<vmem>> -> memref<2x128xf32, #tpu.memory_space<vmem>>
    %dma_start3A_186 = arith.constant 0 : i32
    %dma_start3A_187 = tpu.memref_slice %arg2[%dma_start3A_186, %mul3A_182] : memref<2x100000xf32, #tpu.memory_space<hbm>> -> memref<2x128xf32, #tpu.memory_space<hbm>>
    %dma_start3A_188 = arith.constant 24 : i32
    %dma_start3A_189 = arith.constant 0 : i32
    %dma_start3A_190 = tpu.memref_slice %arg6[%dma_start3A_188, %dma_start3A_189] : memref<50x128xf32, #tpu.memory_space<vmem>> -> memref<2x128xf32, #tpu.memory_space<vmem>>
    %dma_start3A_191 = arith.constant 0 : i32
    %dma_start3A_192 = tpu.memref_slice %arg2[%dma_start3A_191, %mul3A_182] : memref<2x100000xf32, #tpu.memory_space<hbm>> -> memref<2x128xf32, #tpu.memory_space<hbm>>
    tpu.enqueue_dma source(%dma_start3A_192 : memref<2x128xf32, #tpu.memory_space<hbm>>) target(%dma_start3A_190 : memref<2x128xf32, #tpu.memory_space<vmem>>) target_semaphore(%arg14 : memref<!tpu.dma_semaphore, #tpu.memory_space<semaphore_mem>>)
    %add3A_193 = arith.constant 13 : i32
    %add3A_194 = arith.addi %add3A_10, %add3A_193 : i32
    %mul3A_195 = arith.constant 128 : i32
    %mul3A_196 = arith.muli %add3A_194, %mul3A_195 : i32
    %dma_start3A_197 = arith.constant 26 : i32
    %dma_start3A_198 = arith.constant 0 : i32
    %dma_start3A_199 = tpu.memref_slice %arg6[%dma_start3A_197, %dma_start3A_198] : memref<50x128xf32, #tpu.memory_space<vmem>> -> memref<2x128xf32, #tpu.memory_space<vmem>>
    %dma_start3A_200 = arith.constant 0 : i32
    %dma_start3A_201 = tpu.memref_slice %arg2[%dma_start3A_200, %mul3A_196] : memref<2x100000xf32, #tpu.memory_space<hbm>> -> memref<2x128xf32, #tpu.memory_space<hbm>>
    %dma_start3A_202 = arith.constant 26 : i32
    %dma_start3A_203 = arith.constant 0 : i32
    %dma_start3A_204 = tpu.memref_slice %arg6[%dma_start3A_202, %dma_start3A_203] : memref<50x128xf32, #tpu.memory_space<vmem>> -> memref<2x128xf32, #tpu.memory_space<vmem>>
    %dma_start3A_205 = arith.constant 0 : i32
    %dma_start3A_206 = tpu.memref_slice %arg2[%dma_start3A_205, %mul3A_196] : memref<2x100000xf32, #tpu.memory_space<hbm>> -> memref<2x128xf32, #tpu.memory_space<hbm>>
    tpu.enqueue_dma source(%dma_start3A_206 : memref<2x128xf32, #tpu.memory_space<hbm>>) target(%dma_start3A_204 : memref<2x128xf32, #tpu.memory_space<vmem>>) target_semaphore(%arg14 : memref<!tpu.dma_semaphore, #tpu.memory_space<semaphore_mem>>)
    %add3A_207 = arith.constant 14 : i32
    %add3A_208 = arith.addi %add3A_10, %add3A_207 : i32
    %mul3A_209 = arith.constant 128 : i32
    %mul3A_210 = arith.muli %add3A_208, %mul3A_209 : i32
    %dma_start3A_211 = arith.constant 28 : i32
    %dma_start3A_212 = arith.constant 0 : i32
    %dma_start3A_213 = tpu.memref_slice %arg6[%dma_start3A_211, %dma_start3A_212] : memref<50x128xf32, #tpu.memory_space<vmem>> -> memref<2x128xf32, #tpu.memory_space<vmem>>
    %dma_start3A_214 = arith.constant 0 : i32
    %dma_start3A_215 = tpu.memref_slice %arg2[%dma_start3A_214, %mul3A_210] : memref<2x100000xf32, #tpu.memory_space<hbm>> -> memref<2x128xf32, #tpu.memory_space<hbm>>
    %dma_start3A_216 = arith.constant 28 : i32
    %dma_start3A_217 = arith.constant 0 : i32
    %dma_start3A_218 = tpu.memref_slice %arg6[%dma_start3A_216, %dma_start3A_217] : memref<50x128xf32, #tpu.memory_space<vmem>> -> memref<2x128xf32, #tpu.memory_space<vmem>>
    %dma_start3A_219 = arith.constant 0 : i32
    %dma_start3A_220 = tpu.memref_slice %arg2[%dma_start3A_219, %mul3A_210] : memref<2x100000xf32, #tpu.memory_space<hbm>> -> memref<2x128xf32, #tpu.memory_space<hbm>>
    tpu.enqueue_dma source(%dma_start3A_220 : memref<2x128xf32, #tpu.memory_space<hbm>>) target(%dma_start3A_218 : memref<2x128xf32, #tpu.memory_space<vmem>>) target_semaphore(%arg14 : memref<!tpu.dma_semaphore, #tpu.memory_space<semaphore_mem>>)
    %add3A_221 = arith.constant 15 : i32
    %add3A_222 = arith.addi %add3A_10, %add3A_221 : i32
    %mul3A_223 = arith.constant 128 : i32
    %mul3A_224 = arith.muli %add3A_222, %mul3A_223 : i32
    %dma_start3A_225 = arith.constant 30 : i32
    %dma_start3A_226 = arith.constant 0 : i32
    %dma_start3A_227 = tpu.memref_slice %arg6[%dma_start3A_225, %dma_start3A_226] : memref<50x128xf32, #tpu.memory_space<vmem>> -> memref<2x128xf32, #tpu.memory_space<vmem>>
    %dma_start3A_228 = arith.constant 0 : i32
    %dma_start3A_229 = tpu.memref_slice %arg2[%dma_start3A_228, %mul3A_224] : memref<2x100000xf32, #tpu.memory_space<hbm>> -> memref<2x128xf32, #tpu.memory_space<hbm>>
    %dma_start3A_230 = arith.constant 30 : i32
    %dma_start3A_231 = arith.constant 0 : i32
    %dma_start3A_232 = tpu.memref_slice %arg6[%dma_start3A_230, %dma_start3A_231] : memref<50x128xf32, #tpu.memory_space<vmem>> -> memref<2x128xf32, #tpu.memory_space<vmem>>
    %dma_start3A_233 = arith.constant 0 : i32
    %dma_start3A_234 = tpu.memref_slice %arg2[%dma_start3A_233, %mul3A_224] : memref<2x100000xf32, #tpu.memory_space<hbm>> -> memref<2x128xf32, #tpu.memory_space<hbm>>
    tpu.enqueue_dma source(%dma_start3A_234 : memref<2x128xf32, #tpu.memory_space<hbm>>) target(%dma_start3A_232 : memref<2x128xf32, #tpu.memory_space<vmem>>) target_semaphore(%arg14 : memref<!tpu.dma_semaphore, #tpu.memory_space<semaphore_mem>>)
    %add3A_235 = arith.constant 16 : i32
    %add3A_236 = arith.addi %add3A_10, %add3A_235 : i32
    %mul3A_237 = arith.constant 128 : i32
    %mul3A_238 = arith.muli %add3A_236, %mul3A_237 : i32
    %dma_start3A_239 = arith.constant 32 : i32
    %dma_start3A_240 = arith.constant 0 : i32
    %dma_start3A_241 = tpu.memref_slice %arg6[%dma_start3A_239, %dma_start3A_240] : memref<50x128xf32, #tpu.memory_space<vmem>> -> memref<2x128xf32, #tpu.memory_space<vmem>>
    %dma_start3A_242 = arith.constant 0 : i32
    %dma_start3A_243 = tpu.memref_slice %arg2[%dma_start3A_242, %mul3A_238] : memref<2x100000xf32, #tpu.memory_space<hbm>> -> memref<2x128xf32, #tpu.memory_space<hbm>>
    %dma_start3A_244 = arith.constant 32 : i32
    %dma_start3A_245 = arith.constant 0 : i32
    %dma_start3A_246 = tpu.memref_slice %arg6[%dma_start3A_244, %dma_start3A_245] : memref<50x128xf32, #tpu.memory_space<vmem>> -> memref<2x128xf32, #tpu.memory_space<vmem>>
    %dma_start3A_247 = arith.constant 0 : i32
    %dma_start3A_248 = tpu.memref_slice %arg2[%dma_start3A_247, %mul3A_238] : memref<2x100000xf32, #tpu.memory_space<hbm>> -> memref<2x128xf32, #tpu.memory_space<hbm>>
    tpu.enqueue_dma source(%dma_start3A_248 : memref<2x128xf32, #tpu.memory_space<hbm>>) target(%dma_start3A_246 : memref<2x128xf32, #tpu.memory_space<vmem>>) target_semaphore(%arg14 : memref<!tpu.dma_semaphore, #tpu.memory_space<semaphore_mem>>)
    %add3A_249 = arith.constant 17 : i32
    %add3A_250 = arith.addi %add3A_10, %add3A_249 : i32
    %mul3A_251 = arith.constant 128 : i32
    %mul3A_252 = arith.muli %add3A_250, %mul3A_251 : i32
    %dma_start3A_253 = arith.constant 34 : i32
    %dma_start3A_254 = arith.constant 0 : i32
    %dma_start3A_255 = tpu.memref_slice %arg6[%dma_start3A_253, %dma_start3A_254] : memref<50x128xf32, #tpu.memory_space<vmem>> -> memref<2x128xf32, #tpu.memory_space<vmem>>
    %dma_start3A_256 = arith.constant 0 : i32
    %dma_start3A_257 = tpu.memref_slice %arg2[%dma_start3A_256, %mul3A_252] : memref<2x100000xf32, #tpu.memory_space<hbm>> -> memref<2x128xf32, #tpu.memory_space<hbm>>
    %dma_start3A_258 = arith.constant 34 : i32
    %dma_start3A_259 = arith.constant 0 : i32
    %dma_start3A_260 = tpu.memref_slice %arg6[%dma_start3A_258, %dma_start3A_259] : memref<50x128xf32, #tpu.memory_space<vmem>> -> memref<2x128xf32, #tpu.memory_space<vmem>>
    %dma_start3A_261 = arith.constant 0 : i32
    %dma_start3A_262 = tpu.memref_slice %arg2[%dma_start3A_261, %mul3A_252] : memref<2x100000xf32, #tpu.memory_space<hbm>> -> memref<2x128xf32, #tpu.memory_space<hbm>>
    tpu.enqueue_dma source(%dma_start3A_262 : memref<2x128xf32, #tpu.memory_space<hbm>>) target(%dma_start3A_260 : memref<2x128xf32, #tpu.memory_space<vmem>>) target_semaphore(%arg14 : memref<!tpu.dma_semaphore, #tpu.memory_space<semaphore_mem>>)
    %add3A_263 = arith.constant 18 : i32
    %add3A_264 = arith.addi %add3A_10, %add3A_263 : i32
    %mul3A_265 = arith.constant 128 : i32
    %mul3A_266 = arith.muli %add3A_264, %mul3A_265 : i32
    %dma_start3A_267 = arith.constant 36 : i32
    %dma_start3A_268 = arith.constant 0 : i32
    %dma_start3A_269 = tpu.memref_slice %arg6[%dma_start3A_267, %dma_start3A_268] : memref<50x128xf32, #tpu.memory_space<vmem>> -> memref<2x128xf32, #tpu.memory_space<vmem>>
    %dma_start3A_270 = arith.constant 0 : i32
    %dma_start3A_271 = tpu.memref_slice %arg2[%dma_start3A_270, %mul3A_266] : memref<2x100000xf32, #tpu.memory_space<hbm>> -> memref<2x128xf32, #tpu.memory_space<hbm>>
    %dma_start3A_272 = arith.constant 36 : i32
    %dma_start3A_273 = arith.constant 0 : i32
    %dma_start3A_274 = tpu.memref_slice %arg6[%dma_start3A_272, %dma_start3A_273] : memref<50x128xf32, #tpu.memory_space<vmem>> -> memref<2x128xf32, #tpu.memory_space<vmem>>
    %dma_start3A_275 = arith.constant 0 : i32
    %dma_start3A_276 = tpu.memref_slice %arg2[%dma_start3A_275, %mul3A_266] : memref<2x100000xf32, #tpu.memory_space<hbm>> -> memref<2x128xf32, #tpu.memory_space<hbm>>
    tpu.enqueue_dma source(%dma_start3A_276 : memref<2x128xf32, #tpu.memory_space<hbm>>) target(%dma_start3A_274 : memref<2x128xf32, #tpu.memory_space<vmem>>) target_semaphore(%arg14 : memref<!tpu.dma_semaphore, #tpu.memory_space<semaphore_mem>>)
    %add3A_277 = arith.constant 19 : i32
    %add3A_278 = arith.addi %add3A_10, %add3A_277 : i32
    %mul3A_279 = arith.constant 128 : i32
    %mul3A_280 = arith.muli %add3A_278, %mul3A_279 : i32
    %dma_start3A_281 = arith.constant 38 : i32
    %dma_start3A_282 = arith.constant 0 : i32
    %dma_start3A_283 = tpu.memref_slice %arg6[%dma_start3A_281, %dma_start3A_282] : memref<50x128xf32, #tpu.memory_space<vmem>> -> memref<2x128xf32, #tpu.memory_space<vmem>>
    %dma_start3A_284 = arith.constant 0 : i32
    %dma_start3A_285 = tpu.memref_slice %arg2[%dma_start3A_284, %mul3A_280] : memref<2x100000xf32, #tpu.memory_space<hbm>> -> memref<2x128xf32, #tpu.memory_space<hbm>>
    %dma_start3A_286 = arith.constant 38 : i32
    %dma_start3A_287 = arith.constant 0 : i32
    %dma_start3A_288 = tpu.memref_slice %arg6[%dma_start3A_286, %dma_start3A_287] : memref<50x128xf32, #tpu.memory_space<vmem>> -> memref<2x128xf32, #tpu.memory_space<vmem>>
    %dma_start3A_289 = arith.constant 0 : i32
    %dma_start3A_290 = tpu.memref_slice %arg2[%dma_start3A_289, %mul3A_280] : memref<2x100000xf32, #tpu.memory_space<hbm>> -> memref<2x128xf32, #tpu.memory_space<hbm>>
    tpu.enqueue_dma source(%dma_start3A_290 : memref<2x128xf32, #tpu.memory_space<hbm>>) target(%dma_start3A_288 : memref<2x128xf32, #tpu.memory_space<vmem>>) target_semaphore(%arg14 : memref<!tpu.dma_semaphore, #tpu.memory_space<semaphore_mem>>)
    %add3A_291 = arith.constant 20 : i32
    %add3A_292 = arith.addi %add3A_10, %add3A_291 : i32
    %mul3A_293 = arith.constant 128 : i32
    %mul3A_294 = arith.muli %add3A_292, %mul3A_293 : i32
    %dma_start3A_295 = arith.constant 40 : i32
    %dma_start3A_296 = arith.constant 0 : i32
    %dma_start3A_297 = tpu.memref_slice %arg6[%dma_start3A_295, %dma_start3A_296] : memref<50x128xf32, #tpu.memory_space<vmem>> -> memref<2x128xf32, #tpu.memory_space<vmem>>
    %dma_start3A_298 = arith.constant 0 : i32
    %dma_start3A_299 = tpu.memref_slice %arg2[%dma_start3A_298, %mul3A_294] : memref<2x100000xf32, #tpu.memory_space<hbm>> -> memref<2x128xf32, #tpu.memory_space<hbm>>
    %dma_start3A_300 = arith.constant 40 : i32
    %dma_start3A_301 = arith.constant 0 : i32
    %dma_start3A_302 = tpu.memref_slice %arg6[%dma_start3A_300, %dma_start3A_301] : memref<50x128xf32, #tpu.memory_space<vmem>> -> memref<2x128xf32, #tpu.memory_space<vmem>>
    %dma_start3A_303 = arith.constant 0 : i32
    %dma_start3A_304 = tpu.memref_slice %arg2[%dma_start3A_303, %mul3A_294] : memref<2x100000xf32, #tpu.memory_space<hbm>> -> memref<2x128xf32, #tpu.memory_space<hbm>>
    tpu.enqueue_dma source(%dma_start3A_304 : memref<2x128xf32, #tpu.memory_space<hbm>>) target(%dma_start3A_302 : memref<2x128xf32, #tpu.memory_space<vmem>>) target_semaphore(%arg14 : memref<!tpu.dma_semaphore, #tpu.memory_space<semaphore_mem>>)
    %add3A_305 = arith.constant 21 : i32
    %add3A_306 = arith.addi %add3A_10, %add3A_305 : i32
    %mul3A_307 = arith.constant 128 : i32
    %mul3A_308 = arith.muli %add3A_306, %mul3A_307 : i32
    %dma_start3A_309 = arith.constant 42 : i32
    %dma_start3A_310 = arith.constant 0 : i32
    %dma_start3A_311 = tpu.memref_slice %arg6[%dma_start3A_309, %dma_start3A_310] : memref<50x128xf32, #tpu.memory_space<vmem>> -> memref<2x128xf32, #tpu.memory_space<vmem>>
    %dma_start3A_312 = arith.constant 0 : i32
    %dma_start3A_313 = tpu.memref_slice %arg2[%dma_start3A_312, %mul3A_308] : memref<2x100000xf32, #tpu.memory_space<hbm>> -> memref<2x128xf32, #tpu.memory_space<hbm>>
    %dma_start3A_314 = arith.constant 42 : i32
    %dma_start3A_315 = arith.constant 0 : i32
    %dma_start3A_316 = tpu.memref_slice %arg6[%dma_start3A_314, %dma_start3A_315] : memref<50x128xf32, #tpu.memory_space<vmem>> -> memref<2x128xf32, #tpu.memory_space<vmem>>
    %dma_start3A_317 = arith.constant 0 : i32
    %dma_start3A_318 = tpu.memref_slice %arg2[%dma_start3A_317, %mul3A_308] : memref<2x100000xf32, #tpu.memory_space<hbm>> -> memref<2x128xf32, #tpu.memory_space<hbm>>
    tpu.enqueue_dma source(%dma_start3A_318 : memref<2x128xf32, #tpu.memory_space<hbm>>) target(%dma_start3A_316 : memref<2x128xf32, #tpu.memory_space<vmem>>) target_semaphore(%arg14 : memref<!tpu.dma_semaphore, #tpu.memory_space<semaphore_mem>>)
    %add3A_319 = arith.constant 22 : i32
    %add3A_320 = arith.addi %add3A_10, %add3A_319 : i32
    %mul3A_321 = arith.constant 128 : i32
    %mul3A_322 = arith.muli %add3A_320, %mul3A_321 : i32
    %dma_start3A_323 = arith.constant 44 : i32
    %dma_start3A_324 = arith.constant 0 : i32
    %dma_start3A_325 = tpu.memref_slice %arg6[%dma_start3A_323, %dma_start3A_324] : memref<50x128xf32, #tpu.memory_space<vmem>> -> memref<2x128xf32, #tpu.memory_space<vmem>>
    %dma_start3A_326 = arith.constant 0 : i32
    %dma_start3A_327 = tpu.memref_slice %arg2[%dma_start3A_326, %mul3A_322] : memref<2x100000xf32, #tpu.memory_space<hbm>> -> memref<2x128xf32, #tpu.memory_space<hbm>>
    %dma_start3A_328 = arith.constant 44 : i32
    %dma_start3A_329 = arith.constant 0 : i32
    %dma_start3A_330 = tpu.memref_slice %arg6[%dma_start3A_328, %dma_start3A_329] : memref<50x128xf32, #tpu.memory_space<vmem>> -> memref<2x128xf32, #tpu.memory_space<vmem>>
    %dma_start3A_331 = arith.constant 0 : i32
    %dma_start3A_332 = tpu.memref_slice %arg2[%dma_start3A_331, %mul3A_322] : memref<2x100000xf32, #tpu.memory_space<hbm>> -> memref<2x128xf32, #tpu.memory_space<hbm>>
    tpu.enqueue_dma source(%dma_start3A_332 : memref<2x128xf32, #tpu.memory_space<hbm>>) target(%dma_start3A_330 : memref<2x128xf32, #tpu.memory_space<vmem>>) target_semaphore(%arg14 : memref<!tpu.dma_semaphore, #tpu.memory_space<semaphore_mem>>)
    %add3A_333 = arith.constant 23 : i32
    %add3A_334 = arith.addi %add3A_10, %add3A_333 : i32
    %mul3A_335 = arith.constant 128 : i32
    %mul3A_336 = arith.muli %add3A_334, %mul3A_335 : i32
    %dma_start3A_337 = arith.constant 46 : i32
    %dma_start3A_338 = arith.constant 0 : i32
    %dma_start3A_339 = tpu.memref_slice %arg6[%dma_start3A_337, %dma_start3A_338] : memref<50x128xf32, #tpu.memory_space<vmem>> -> memref<2x128xf32, #tpu.memory_space<vmem>>
    %dma_start3A_340 = arith.constant 0 : i32
    %dma_start3A_341 = tpu.memref_slice %arg2[%dma_start3A_340, %mul3A_336] : memref<2x100000xf32, #tpu.memory_space<hbm>> -> memref<2x128xf32, #tpu.memory_space<hbm>>
    %dma_start3A_342 = arith.constant 46 : i32
    %dma_start3A_343 = arith.constant 0 : i32
    %dma_start3A_344 = tpu.memref_slice %arg6[%dma_start3A_342, %dma_start3A_343] : memref<50x128xf32, #tpu.memory_space<vmem>> -> memref<2x128xf32, #tpu.memory_space<vmem>>
    %dma_start3A_345 = arith.constant 0 : i32
    %dma_start3A_346 = tpu.memref_slice %arg2[%dma_start3A_345, %mul3A_336] : memref<2x100000xf32, #tpu.memory_space<hbm>> -> memref<2x128xf32, #tpu.memory_space<hbm>>
    tpu.enqueue_dma source(%dma_start3A_346 : memref<2x128xf32, #tpu.memory_space<hbm>>) target(%dma_start3A_344 : memref<2x128xf32, #tpu.memory_space<vmem>>) target_semaphore(%arg14 : memref<!tpu.dma_semaphore, #tpu.memory_space<semaphore_mem>>)
    %scan3A = arith.constant 0 : i32
    %scan3A_347 = arith.constant 0 : i32
    %scan3A_348 = arith.constant 128 : i32
    %scan3A_349 = arith.addi %scan3A_347, %scan3A_348 : i32
    %scan3A_350 = arith.constant 1 : i32
    scf.for %scan3A_1003 = %scan3A_347 to %scan3A_349 step %scan3A_350  : i32 {
      %mul3A_1004 = arith.constant 16 : i32
      %mul3A_1005 = arith.muli %scan3A_1003, %mul3A_1004 : i32
      %swap3A_1006 = arith.index_cast %mul3A_1005 : i32 to index
      %swap3A_1007 = tpu.vector_load %arg9[%swap3A_1006] {strides = array<i32>} : memref<2048xi32, #tpu.memory_space<vmem>>, vector<16xi32>,
      tpu.vector_store %arg9[%swap3A_1006], %broadcast_in_dim3A_4 {strides = array<i32>} : memref<2048xi32, #tpu.memory_space<vmem>>, vector<16xi32>,
    }
    %scan3A_351 = arith.constant 128 : i32
    %dma_wait3A = arith.constant 0 : i32
    %dma_wait3A_352 = arith.constant 0 : i32
    %dma_wait3A_353 = tpu.memref_slice %arg6[%dma_wait3A, %dma_wait3A_352] : memref<50x128xf32, #tpu.memory_space<vmem>> -> memref<2x128xf32, #tpu.memory_space<vmem>>
    %dma_wait3A_354 = arith.constant 0 : i32
    %dma_wait3A_355 = tpu.memref_slice %arg2[%dma_wait3A_354, %mul3A_15] : memref<2x100000xf32, #tpu.memory_space<hbm>> -> memref<2x128xf32, #tpu.memory_space<hbm>>
    %dma_wait3A_356 = arith.constant 0 : i32
    %dma_wait3A_357 = arith.constant 0 : i32
    %dma_wait3A_358 = tpu.memref_slice %arg6[%dma_wait3A_356, %dma_wait3A_357] : memref<50x128xf32, #tpu.memory_space<vmem>> -> memref<2x128xf32, #tpu.memory_space<vmem>>
    %dma_wait3A_359 = arith.constant 0 : i32
    %dma_wait3A_360 = tpu.memref_slice %arg2[%dma_wait3A_359, %mul3A_15] : memref<2x100000xf32, #tpu.memory_space<hbm>> -> memref<2x128xf32, #tpu.memory_space<hbm>>
    tpu.wait_dma2 semaphore(%arg14 : memref<!tpu.dma_semaphore, #tpu.memory_space<semaphore_mem>>) src(%dma_wait3A_360 : memref<2x128xf32, #tpu.memory_space<hbm>>) dst(%dma_wait3A_358 : memref<2x128xf32, #tpu.memory_space<vmem>>)
    %dma_wait3A_361 = arith.constant 2 : i32
    %dma_wait3A_362 = arith.constant 0 : i32
    %dma_wait3A_363 = tpu.memref_slice %arg6[%dma_wait3A_361, %dma_wait3A_362] : memref<50x128xf32, #tpu.memory_space<vmem>> -> memref<2x128xf32, #tpu.memory_space<vmem>>
    %dma_wait3A_364 = arith.constant 0 : i32
    %dma_wait3A_365 = tpu.memref_slice %arg2[%dma_wait3A_364, %mul3A_28] : memref<2x100000xf32, #tpu.memory_space<hbm>> -> memref<2x128xf32, #tpu.memory_space<hbm>>
    %dma_wait3A_366 = arith.constant 2 : i32
    %dma_wait3A_367 = arith.constant 0 : i32
    %dma_wait3A_368 = tpu.memref_slice %arg6[%dma_wait3A_366, %dma_wait3A_367] : memref<50x128xf32, #tpu.memory_space<vmem>> -> memref<2x128xf32, #tpu.memory_space<vmem>>
    %dma_wait3A_369 = arith.constant 0 : i32
    %dma_wait3A_370 = tpu.memref_slice %arg2[%dma_wait3A_369, %mul3A_28] : memref<2x100000xf32, #tpu.memory_space<hbm>> -> memref<2x128xf32, #tpu.memory_space<hbm>>
    tpu.wait_dma2 semaphore(%arg14 : memref<!tpu.dma_semaphore, #tpu.memory_space<semaphore_mem>>) src(%dma_wait3A_370 : memref<2x128xf32, #tpu.memory_space<hbm>>) dst(%dma_wait3A_368 : memref<2x128xf32, #tpu.memory_space<vmem>>)
    %dma_wait3A_371 = arith.constant 4 : i32
    %dma_wait3A_372 = arith.constant 0 : i32
    %dma_wait3A_373 = tpu.memref_slice %arg6[%dma_wait3A_371, %dma_wait3A_372] : memref<50x128xf32, #tpu.memory_space<vmem>> -> memref<2x128xf32, #tpu.memory_space<vmem>>
    %dma_wait3A_374 = arith.constant 0 : i32
    %dma_wait3A_375 = tpu.memref_slice %arg2[%dma_wait3A_374, %mul3A_42] : memref<2x100000xf32, #tpu.memory_space<hbm>> -> memref<2x128xf32, #tpu.memory_space<hbm>>
    %dma_wait3A_376 = arith.constant 4 : i32
    %dma_wait3A_377 = arith.constant 0 : i32
    %dma_wait3A_378 = tpu.memref_slice %arg6[%dma_wait3A_376, %dma_wait3A_377] : memref<50x128xf32, #tpu.memory_space<vmem>> -> memref<2x128xf32, #tpu.memory_space<vmem>>
    %dma_wait3A_379 = arith.constant 0 : i32
    %dma_wait3A_380 = tpu.memref_slice %arg2[%dma_wait3A_379, %mul3A_42] : memref<2x100000xf32, #tpu.memory_space<hbm>> -> memref<2x128xf32, #tpu.memory_space<hbm>>
    tpu.wait_dma2 semaphore(%arg14 : memref<!tpu.dma_semaphore, #tpu.memory_space<semaphore_mem>>) src(%dma_wait3A_380 : memref<2x128xf32, #tpu.memory_space<hbm>>) dst(%dma_wait3A_378 : memref<2x128xf32, #tpu.memory_space<vmem>>)
    %dma_wait3A_381 = arith.constant 6 : i32
    %dma_wait3A_382 = arith.constant 0 : i32
    %dma_wait3A_383 = tpu.memref_slice %arg6[%dma_wait3A_381, %dma_wait3A_382] : memref<50x128xf32, #tpu.memory_space<vmem>> -> memref<2x128xf32, #tpu.memory_space<vmem>>
    %dma_wait3A_384 = arith.constant 0 : i32
    %dma_wait3A_385 = tpu.memref_slice %arg2[%dma_wait3A_384, %mul3A_56] : memref<2x100000xf32, #tpu.memory_space<hbm>> -> memref<2x128xf32, #tpu.memory_space<hbm>>
    %dma_wait3A_386 = arith.constant 6 : i32
    %dma_wait3A_387 = arith.constant 0 : i32
    %dma_wait3A_388 = tpu.memref_slice %arg6[%dma_wait3A_386, %dma_wait3A_387] : memref<50x128xf32, #tpu.memory_space<vmem>> -> memref<2x128xf32, #tpu.memory_space<vmem>>
    %dma_wait3A_389 = arith.constant 0 : i32
    %dma_wait3A_390 = tpu.memref_slice %arg2[%dma_wait3A_389, %mul3A_56] : memref<2x100000xf32, #tpu.memory_space<hbm>> -> memref<2x128xf32, #tpu.memory_space<hbm>>
    tpu.wait_dma2 semaphore(%arg14 : memref<!tpu.dma_semaphore, #tpu.memory_space<semaphore_mem>>) src(%dma_wait3A_390 : memref<2x128xf32, #tpu.memory_space<hbm>>) dst(%dma_wait3A_388 : memref<2x128xf32, #tpu.memory_space<vmem>>)
    %dma_wait3A_391 = arith.constant 8 : i32
    %dma_wait3A_392 = arith.constant 0 : i32
    %dma_wait3A_393 = tpu.memref_slice %arg6[%dma_wait3A_391, %dma_wait3A_392] : memref<50x128xf32, #tpu.memory_space<vmem>> -> memref<2x128xf32, #tpu.memory_space<vmem>>
    %dma_wait3A_394 = arith.constant 0 : i32
    %dma_wait3A_395 = tpu.memref_slice %arg2[%dma_wait3A_394, %mul3A_70] : memref<2x100000xf32, #tpu.memory_space<hbm>> -> memref<2x128xf32, #tpu.memory_space<hbm>>
    %dma_wait3A_396 = arith.constant 8 : i32
    %dma_wait3A_397 = arith.constant 0 : i32
    %dma_wait3A_398 = tpu.memref_slice %arg6[%dma_wait3A_396, %dma_wait3A_397] : memref<50x128xf32, #tpu.memory_space<vmem>> -> memref<2x128xf32, #tpu.memory_space<vmem>>
    %dma_wait3A_399 = arith.constant 0 : i32
    %dma_wait3A_400 = tpu.memref_slice %arg2[%dma_wait3A_399, %mul3A_70] : memref<2x100000xf32, #tpu.memory_space<hbm>> -> memref<2x128xf32, #tpu.memory_space<hbm>>
    tpu.wait_dma2 semaphore(%arg14 : memref<!tpu.dma_semaphore, #tpu.memory_space<semaphore_mem>>) src(%dma_wait3A_400 : memref<2x128xf32, #tpu.memory_space<hbm>>) dst(%dma_wait3A_398 : memref<2x128xf32, #tpu.memory_space<vmem>>)
    %dma_wait3A_401 = arith.constant 10 : i32
    %dma_wait3A_402 = arith.constant 0 : i32
    %dma_wait3A_403 = tpu.memref_slice %arg6[%dma_wait3A_401, %dma_wait3A_402] : memref<50x128xf32, #tpu.memory_space<vmem>> -> memref<2x128xf32, #tpu.memory_space<vmem>>
    %dma_wait3A_404 = arith.constant 0 : i32
    %dma_wait3A_405 = tpu.memref_slice %arg2[%dma_wait3A_404, %mul3A_84] : memref<2x100000xf32, #tpu.memory_space<hbm>> -> memref<2x128xf32, #tpu.memory_space<hbm>>
    %dma_wait3A_406 = arith.constant 10 : i32
    %dma_wait3A_407 = arith.constant 0 : i32
    %dma_wait3A_408 = tpu.memref_slice %arg6[%dma_wait3A_406, %dma_wait3A_407] : memref<50x128xf32, #tpu.memory_space<vmem>> -> memref<2x128xf32, #tpu.memory_space<vmem>>
    %dma_wait3A_409 = arith.constant 0 : i32
    %dma_wait3A_410 = tpu.memref_slice %arg2[%dma_wait3A_409, %mul3A_84] : memref<2x100000xf32, #tpu.memory_space<hbm>> -> memref<2x128xf32, #tpu.memory_space<hbm>>
    tpu.wait_dma2 semaphore(%arg14 : memref<!tpu.dma_semaphore, #tpu.memory_space<semaphore_mem>>) src(%dma_wait3A_410 : memref<2x128xf32, #tpu.memory_space<hbm>>) dst(%dma_wait3A_408 : memref<2x128xf32, #tpu.memory_space<vmem>>)
    %dma_wait3A_411 = arith.constant 12 : i32
    %dma_wait3A_412 = arith.constant 0 : i32
    %dma_wait3A_413 = tpu.memref_slice %arg6[%dma_wait3A_411, %dma_wait3A_412] : memref<50x128xf32, #tpu.memory_space<vmem>> -> memref<2x128xf32, #tpu.memory_space<vmem>>
    %dma_wait3A_414 = arith.constant 0 : i32
    %dma_wait3A_415 = tpu.memref_slice %arg2[%dma_wait3A_414, %mul3A_98] : memref<2x100000xf32, #tpu.memory_space<hbm>> -> memref<2x128xf32, #tpu.memory_space<hbm>>
    %dma_wait3A_416 = arith.constant 12 : i32
    %dma_wait3A_417 = arith.constant 0 : i32
    %dma_wait3A_418 = tpu.memref_slice %arg6[%dma_wait3A_416, %dma_wait3A_417] : memref<50x128xf32, #tpu.memory_space<vmem>> -> memref<2x128xf32, #tpu.memory_space<vmem>>
    %dma_wait3A_419 = arith.constant 0 : i32
    %dma_wait3A_420 = tpu.memref_slice %arg2[%dma_wait3A_419, %mul3A_98] : memref<2x100000xf32, #tpu.memory_space<hbm>> -> memref<2x128xf32, #tpu.memory_space<hbm>>
    tpu.wait_dma2 semaphore(%arg14 : memref<!tpu.dma_semaphore, #tpu.memory_space<semaphore_mem>>) src(%dma_wait3A_420 : memref<2x128xf32, #tpu.memory_space<hbm>>) dst(%dma_wait3A_418 : memref<2x128xf32, #tpu.memory_space<vmem>>)
    %dma_wait3A_421 = arith.constant 14 : i32
    %dma_wait3A_422 = arith.constant 0 : i32
    %dma_wait3A_423 = tpu.memref_slice %arg6[%dma_wait3A_421, %dma_wait3A_422] : memref<50x128xf32, #tpu.memory_space<vmem>> -> memref<2x128xf32, #tpu.memory_space<vmem>>
    %dma_wait3A_424 = arith.constant 0 : i32
    %dma_wait3A_425 = tpu.memref_slice %arg2[%dma_wait3A_424, %mul3A_112] : memref<2x100000xf32, #tpu.memory_space<hbm>> -> memref<2x128xf32, #tpu.memory_space<hbm>>
    %dma_wait3A_426 = arith.constant 14 : i32
    %dma_wait3A_427 = arith.constant 0 : i32
    %dma_wait3A_428 = tpu.memref_slice %arg6[%dma_wait3A_426, %dma_wait3A_427] : memref<50x128xf32, #tpu.memory_space<vmem>> -> memref<2x128xf32, #tpu.memory_space<vmem>>
    %dma_wait3A_429 = arith.constant 0 : i32
    %dma_wait3A_430 = tpu.memref_slice %arg2[%dma_wait3A_429, %mul3A_112] : memref<2x100000xf32, #tpu.memory_space<hbm>> -> memref<2x128xf32, #tpu.memory_space<hbm>>
    tpu.wait_dma2 semaphore(%arg14 : memref<!tpu.dma_semaphore, #tpu.memory_space<semaphore_mem>>) src(%dma_wait3A_430 : memref<2x128xf32, #tpu.memory_space<hbm>>) dst(%dma_wait3A_428 : memref<2x128xf32, #tpu.memory_space<vmem>>)
    %dma_wait3A_431 = arith.constant 16 : i32
    %dma_wait3A_432 = arith.constant 0 : i32
    %dma_wait3A_433 = tpu.memref_slice %arg6[%dma_wait3A_431, %dma_wait3A_432] : memref<50x128xf32, #tpu.memory_space<vmem>> -> memref<2x128xf32, #tpu.memory_space<vmem>>
    %dma_wait3A_434 = arith.constant 0 : i32
    %dma_wait3A_435 = tpu.memref_slice %arg2[%dma_wait3A_434, %mul3A_126] : memref<2x100000xf32, #tpu.memory_space<hbm>> -> memref<2x128xf32, #tpu.memory_space<hbm>>
    %dma_wait3A_436 = arith.constant 16 : i32
    %dma_wait3A_437 = arith.constant 0 : i32
    %dma_wait3A_438 = tpu.memref_slice %arg6[%dma_wait3A_436, %dma_wait3A_437] : memref<50x128xf32, #tpu.memory_space<vmem>> -> memref<2x128xf32, #tpu.memory_space<vmem>>
    %dma_wait3A_439 = arith.constant 0 : i32
    %dma_wait3A_440 = tpu.memref_slice %arg2[%dma_wait3A_439, %mul3A_126] : memref<2x100000xf32, #tpu.memory_space<hbm>> -> memref<2x128xf32, #tpu.memory_space<hbm>>
    tpu.wait_dma2 semaphore(%arg14 : memref<!tpu.dma_semaphore, #tpu.memory_space<semaphore_mem>>) src(%dma_wait3A_440 : memref<2x128xf32, #tpu.memory_space<hbm>>) dst(%dma_wait3A_438 : memref<2x128xf32, #tpu.memory_space<vmem>>)
    %dma_wait3A_441 = arith.constant 18 : i32
    %dma_wait3A_442 = arith.constant 0 : i32
    %dma_wait3A_443 = tpu.memref_slice %arg6[%dma_wait3A_441, %dma_wait3A_442] : memref<50x128xf32, #tpu.memory_space<vmem>> -> memref<2x128xf32, #tpu.memory_space<vmem>>
    %dma_wait3A_444 = arith.constant 0 : i32
    %dma_wait3A_445 = tpu.memref_slice %arg2[%dma_wait3A_444, %mul3A_140] : memref<2x100000xf32, #tpu.memory_space<hbm>> -> memref<2x128xf32, #tpu.memory_space<hbm>>
    %dma_wait3A_446 = arith.constant 18 : i32
    %dma_wait3A_447 = arith.constant 0 : i32
    %dma_wait3A_448 = tpu.memref_slice %arg6[%dma_wait3A_446, %dma_wait3A_447] : memref<50x128xf32, #tpu.memory_space<vmem>> -> memref<2x128xf32, #tpu.memory_space<vmem>>
    %dma_wait3A_449 = arith.constant 0 : i32
    %dma_wait3A_450 = tpu.memref_slice %arg2[%dma_wait3A_449, %mul3A_140] : memref<2x100000xf32, #tpu.memory_space<hbm>> -> memref<2x128xf32, #tpu.memory_space<hbm>>
    tpu.wait_dma2 semaphore(%arg14 : memref<!tpu.dma_semaphore, #tpu.memory_space<semaphore_mem>>) src(%dma_wait3A_450 : memref<2x128xf32, #tpu.memory_space<hbm>>) dst(%dma_wait3A_448 : memref<2x128xf32, #tpu.memory_space<vmem>>)
    %dma_wait3A_451 = arith.constant 20 : i32
    %dma_wait3A_452 = arith.constant 0 : i32
    %dma_wait3A_453 = tpu.memref_slice %arg6[%dma_wait3A_451, %dma_wait3A_452] : memref<50x128xf32, #tpu.memory_space<vmem>> -> memref<2x128xf32, #tpu.memory_space<vmem>>
    %dma_wait3A_454 = arith.constant 0 : i32
    %dma_wait3A_455 = tpu.memref_slice %arg2[%dma_wait3A_454, %mul3A_154] : memref<2x100000xf32, #tpu.memory_space<hbm>> -> memref<2x128xf32, #tpu.memory_space<hbm>>
    %dma_wait3A_456 = arith.constant 20 : i32
    %dma_wait3A_457 = arith.constant 0 : i32
    %dma_wait3A_458 = tpu.memref_slice %arg6[%dma_wait3A_456, %dma_wait3A_457] : memref<50x128xf32, #tpu.memory_space<vmem>> -> memref<2x128xf32, #tpu.memory_space<vmem>>
    %dma_wait3A_459 = arith.constant 0 : i32
    %dma_wait3A_460 = tpu.memref_slice %arg2[%dma_wait3A_459, %mul3A_154] : memref<2x100000xf32, #tpu.memory_space<hbm>> -> memref<2x128xf32, #tpu.memory_space<hbm>>
    tpu.wait_dma2 semaphore(%arg14 : memref<!tpu.dma_semaphore, #tpu.memory_space<semaphore_mem>>) src(%dma_wait3A_460 : memref<2x128xf32, #tpu.memory_space<hbm>>) dst(%dma_wait3A_458 : memref<2x128xf32, #tpu.memory_space<vmem>>)
    %dma_wait3A_461 = arith.constant 22 : i32
    %dma_wait3A_462 = arith.constant 0 : i32
    %dma_wait3A_463 = tpu.memref_slice %arg6[%dma_wait3A_461, %dma_wait3A_462] : memref<50x128xf32, #tpu.memory_space<vmem>> -> memref<2x128xf32, #tpu.memory_space<vmem>>
    %dma_wait3A_464 = arith.constant 0 : i32
    %dma_wait3A_465 = tpu.memref_slice %arg2[%dma_wait3A_464, %mul3A_168] : memref<2x100000xf32, #tpu.memory_space<hbm>> -> memref<2x128xf32, #tpu.memory_space<hbm>>
    %dma_wait3A_466 = arith.constant 22 : i32
    %dma_wait3A_467 = arith.constant 0 : i32
    %dma_wait3A_468 = tpu.memref_slice %arg6[%dma_wait3A_466, %dma_wait3A_467] : memref<50x128xf32, #tpu.memory_space<vmem>> -> memref<2x128xf32, #tpu.memory_space<vmem>>
    %dma_wait3A_469 = arith.constant 0 : i32
    %dma_wait3A_470 = tpu.memref_slice %arg2[%dma_wait3A_469, %mul3A_168] : memref<2x100000xf32, #tpu.memory_space<hbm>> -> memref<2x128xf32, #tpu.memory_space<hbm>>
    tpu.wait_dma2 semaphore(%arg14 : memref<!tpu.dma_semaphore, #tpu.memory_space<semaphore_mem>>) src(%dma_wait3A_470 : memref<2x128xf32, #tpu.memory_space<hbm>>) dst(%dma_wait3A_468 : memref<2x128xf32, #tpu.memory_space<vmem>>)
    %dma_wait3A_471 = arith.constant 24 : i32
    %dma_wait3A_472 = arith.constant 0 : i32
    %dma_wait3A_473 = tpu.memref_slice %arg6[%dma_wait3A_471, %dma_wait3A_472] : memref<50x128xf32, #tpu.memory_space<vmem>> -> memref<2x128xf32, #tpu.memory_space<vmem>>
    %dma_wait3A_474 = arith.constant 0 : i32
    %dma_wait3A_475 = tpu.memref_slice %arg2[%dma_wait3A_474, %mul3A_182] : memref<2x100000xf32, #tpu.memory_space<hbm>> -> memref<2x128xf32, #tpu.memory_space<hbm>>
    %dma_wait3A_476 = arith.constant 24 : i32
    %dma_wait3A_477 = arith.constant 0 : i32
    %dma_wait3A_478 = tpu.memref_slice %arg6[%dma_wait3A_476, %dma_wait3A_477] : memref<50x128xf32, #tpu.memory_space<vmem>> -> memref<2x128xf32, #tpu.memory_space<vmem>>
    %dma_wait3A_479 = arith.constant 0 : i32
    %dma_wait3A_480 = tpu.memref_slice %arg2[%dma_wait3A_479, %mul3A_182] : memref<2x100000xf32, #tpu.memory_space<hbm>> -> memref<2x128xf32, #tpu.memory_space<hbm>>
    tpu.wait_dma2 semaphore(%arg14 : memref<!tpu.dma_semaphore, #tpu.memory_space<semaphore_mem>>) src(%dma_wait3A_480 : memref<2x128xf32, #tpu.memory_space<hbm>>) dst(%dma_wait3A_478 : memref<2x128xf32, #tpu.memory_space<vmem>>)
    %dma_wait3A_481 = arith.constant 26 : i32
    %dma_wait3A_482 = arith.constant 0 : i32
    %dma_wait3A_483 = tpu.memref_slice %arg6[%dma_wait3A_481, %dma_wait3A_482] : memref<50x128xf32, #tpu.memory_space<vmem>> -> memref<2x128xf32, #tpu.memory_space<vmem>>
    %dma_wait3A_484 = arith.constant 0 : i32
    %dma_wait3A_485 = tpu.memref_slice %arg2[%dma_wait3A_484, %mul3A_196] : memref<2x100000xf32, #tpu.memory_space<hbm>> -> memref<2x128xf32, #tpu.memory_space<hbm>>
    %dma_wait3A_486 = arith.constant 26 : i32
    %dma_wait3A_487 = arith.constant 0 : i32
    %dma_wait3A_488 = tpu.memref_slice %arg6[%dma_wait3A_486, %dma_wait3A_487] : memref<50x128xf32, #tpu.memory_space<vmem>> -> memref<2x128xf32, #tpu.memory_space<vmem>>
    %dma_wait3A_489 = arith.constant 0 : i32
    %dma_wait3A_490 = tpu.memref_slice %arg2[%dma_wait3A_489, %mul3A_196] : memref<2x100000xf32, #tpu.memory_space<hbm>> -> memref<2x128xf32, #tpu.memory_space<hbm>>
    tpu.wait_dma2 semaphore(%arg14 : memref<!tpu.dma_semaphore, #tpu.memory_space<semaphore_mem>>) src(%dma_wait3A_490 : memref<2x128xf32, #tpu.memory_space<hbm>>) dst(%dma_wait3A_488 : memref<2x128xf32, #tpu.memory_space<vmem>>)
    %dma_wait3A_491 = arith.constant 28 : i32
    %dma_wait3A_492 = arith.constant 0 : i32
    %dma_wait3A_493 = tpu.memref_slice %arg6[%dma_wait3A_491, %dma_wait3A_492] : memref<50x128xf32, #tpu.memory_space<vmem>> -> memref<2x128xf32, #tpu.memory_space<vmem>>
    %dma_wait3A_494 = arith.constant 0 : i32
    %dma_wait3A_495 = tpu.memref_slice %arg2[%dma_wait3A_494, %mul3A_210] : memref<2x100000xf32, #tpu.memory_space<hbm>> -> memref<2x128xf32, #tpu.memory_space<hbm>>
    %dma_wait3A_496 = arith.constant 28 : i32
    %dma_wait3A_497 = arith.constant 0 : i32
    %dma_wait3A_498 = tpu.memref_slice %arg6[%dma_wait3A_496, %dma_wait3A_497] : memref<50x128xf32, #tpu.memory_space<vmem>> -> memref<2x128xf32, #tpu.memory_space<vmem>>
    %dma_wait3A_499 = arith.constant 0 : i32
    %dma_wait3A_500 = tpu.memref_slice %arg2[%dma_wait3A_499, %mul3A_210] : memref<2x100000xf32, #tpu.memory_space<hbm>> -> memref<2x128xf32, #tpu.memory_space<hbm>>
    tpu.wait_dma2 semaphore(%arg14 : memref<!tpu.dma_semaphore, #tpu.memory_space<semaphore_mem>>) src(%dma_wait3A_500 : memref<2x128xf32, #tpu.memory_space<hbm>>) dst(%dma_wait3A_498 : memref<2x128xf32, #tpu.memory_space<vmem>>)
    %dma_wait3A_501 = arith.constant 30 : i32
    %dma_wait3A_502 = arith.constant 0 : i32
    %dma_wait3A_503 = tpu.memref_slice %arg6[%dma_wait3A_501, %dma_wait3A_502] : memref<50x128xf32, #tpu.memory_space<vmem>> -> memref<2x128xf32, #tpu.memory_space<vmem>>
    %dma_wait3A_504 = arith.constant 0 : i32
    %dma_wait3A_505 = tpu.memref_slice %arg2[%dma_wait3A_504, %mul3A_224] : memref<2x100000xf32, #tpu.memory_space<hbm>> -> memref<2x128xf32, #tpu.memory_space<hbm>>
    %dma_wait3A_506 = arith.constant 30 : i32
    %dma_wait3A_507 = arith.constant 0 : i32
    %dma_wait3A_508 = tpu.memref_slice %arg6[%dma_wait3A_506, %dma_wait3A_507] : memref<50x128xf32, #tpu.memory_space<vmem>> -> memref<2x128xf32, #tpu.memory_space<vmem>>
    %dma_wait3A_509 = arith.constant 0 : i32
    %dma_wait3A_510 = tpu.memref_slice %arg2[%dma_wait3A_509, %mul3A_224] : memref<2x100000xf32, #tpu.memory_space<hbm>> -> memref<2x128xf32, #tpu.memory_space<hbm>>
    tpu.wait_dma2 semaphore(%arg14 : memref<!tpu.dma_semaphore, #tpu.memory_space<semaphore_mem>>) src(%dma_wait3A_510 : memref<2x128xf32, #tpu.memory_space<hbm>>) dst(%dma_wait3A_508 : memref<2x128xf32, #tpu.memory_space<vmem>>)
    %dma_wait3A_511 = arith.constant 32 : i32
    %dma_wait3A_512 = arith.constant 0 : i32
    %dma_wait3A_513 = tpu.memref_slice %arg6[%dma_wait3A_511, %dma_wait3A_512] : memref<50x128xf32, #tpu.memory_space<vmem>> -> memref<2x128xf32, #tpu.memory_space<vmem>>
    %dma_wait3A_514 = arith.constant 0 : i32
    %dma_wait3A_515 = tpu.memref_slice %arg2[%dma_wait3A_514, %mul3A_238] : memref<2x100000xf32, #tpu.memory_space<hbm>> -> memref<2x128xf32, #tpu.memory_space<hbm>>
    %dma_wait3A_516 = arith.constant 32 : i32
    %dma_wait3A_517 = arith.constant 0 : i32
    %dma_wait3A_518 = tpu.memref_slice %arg6[%dma_wait3A_516, %dma_wait3A_517] : memref<50x128xf32, #tpu.memory_space<vmem>> -> memref<2x128xf32, #tpu.memory_space<vmem>>
    %dma_wait3A_519 = arith.constant 0 : i32
    %dma_wait3A_520 = tpu.memref_slice %arg2[%dma_wait3A_519, %mul3A_238] : memref<2x100000xf32, #tpu.memory_space<hbm>> -> memref<2x128xf32, #tpu.memory_space<hbm>>
    tpu.wait_dma2 semaphore(%arg14 : memref<!tpu.dma_semaphore, #tpu.memory_space<semaphore_mem>>) src(%dma_wait3A_520 : memref<2x128xf32, #tpu.memory_space<hbm>>) dst(%dma_wait3A_518 : memref<2x128xf32, #tpu.memory_space<vmem>>)
    %dma_wait3A_521 = arith.constant 34 : i32
    %dma_wait3A_522 = arith.constant 0 : i32
    %dma_wait3A_523 = tpu.memref_slice %arg6[%dma_wait3A_521, %dma_wait3A_522] : memref<50x128xf32, #tpu.memory_space<vmem>> -> memref<2x128xf32, #tpu.memory_space<vmem>>
    %dma_wait3A_524 = arith.constant 0 : i32
    %dma_wait3A_525 = tpu.memref_slice %arg2[%dma_wait3A_524, %mul3A_252] : memref<2x100000xf32, #tpu.memory_space<hbm>> -> memref<2x128xf32, #tpu.memory_space<hbm>>
    %dma_wait3A_526 = arith.constant 34 : i32
    %dma_wait3A_527 = arith.constant 0 : i32
    %dma_wait3A_528 = tpu.memref_slice %arg6[%dma_wait3A_526, %dma_wait3A_527] : memref<50x128xf32, #tpu.memory_space<vmem>> -> memref<2x128xf32, #tpu.memory_space<vmem>>
    %dma_wait3A_529 = arith.constant 0 : i32
    %dma_wait3A_530 = tpu.memref_slice %arg2[%dma_wait3A_529, %mul3A_252] : memref<2x100000xf32, #tpu.memory_space<hbm>> -> memref<2x128xf32, #tpu.memory_space<hbm>>
    tpu.wait_dma2 semaphore(%arg14 : memref<!tpu.dma_semaphore, #tpu.memory_space<semaphore_mem>>) src(%dma_wait3A_530 : memref<2x128xf32, #tpu.memory_space<hbm>>) dst(%dma_wait3A_528 : memref<2x128xf32, #tpu.memory_space<vmem>>)
    %dma_wait3A_531 = arith.constant 36 : i32
    %dma_wait3A_532 = arith.constant 0 : i32
    %dma_wait3A_533 = tpu.memref_slice %arg6[%dma_wait3A_531, %dma_wait3A_532] : memref<50x128xf32, #tpu.memory_space<vmem>> -> memref<2x128xf32, #tpu.memory_space<vmem>>
    %dma_wait3A_534 = arith.constant 0 : i32
    %dma_wait3A_535 = tpu.memref_slice %arg2[%dma_wait3A_534, %mul3A_266] : memref<2x100000xf32, #tpu.memory_space<hbm>> -> memref<2x128xf32, #tpu.memory_space<hbm>>
    %dma_wait3A_536 = arith.constant 36 : i32
    %dma_wait3A_537 = arith.constant 0 : i32
    %dma_wait3A_538 = tpu.memref_slice %arg6[%dma_wait3A_536, %dma_wait3A_537] : memref<50x128xf32, #tpu.memory_space<vmem>> -> memref<2x128xf32, #tpu.memory_space<vmem>>
    %dma_wait3A_539 = arith.constant 0 : i32
    %dma_wait3A_540 = tpu.memref_slice %arg2[%dma_wait3A_539, %mul3A_266] : memref<2x100000xf32, #tpu.memory_space<hbm>> -> memref<2x128xf32, #tpu.memory_space<hbm>>
    tpu.wait_dma2 semaphore(%arg14 : memref<!tpu.dma_semaphore, #tpu.memory_space<semaphore_mem>>) src(%dma_wait3A_540 : memref<2x128xf32, #tpu.memory_space<hbm>>) dst(%dma_wait3A_538 : memref<2x128xf32, #tpu.memory_space<vmem>>)
    %dma_wait3A_541 = arith.constant 38 : i32
    %dma_wait3A_542 = arith.constant 0 : i32
    %dma_wait3A_543 = tpu.memref_slice %arg6[%dma_wait3A_541, %dma_wait3A_542] : memref<50x128xf32, #tpu.memory_space<vmem>> -> memref<2x128xf32, #tpu.memory_space<vmem>>
    %dma_wait3A_544 = arith.constant 0 : i32
    %dma_wait3A_545 = tpu.memref_slice %arg2[%dma_wait3A_544, %mul3A_280] : memref<2x100000xf32, #tpu.memory_space<hbm>> -> memref<2x128xf32, #tpu.memory_space<hbm>>
    %dma_wait3A_546 = arith.constant 38 : i32
    %dma_wait3A_547 = arith.constant 0 : i32
    %dma_wait3A_548 = tpu.memref_slice %arg6[%dma_wait3A_546, %dma_wait3A_547] : memref<50x128xf32, #tpu.memory_space<vmem>> -> memref<2x128xf32, #tpu.memory_space<vmem>>
    %dma_wait3A_549 = arith.constant 0 : i32
    %dma_wait3A_550 = tpu.memref_slice %arg2[%dma_wait3A_549, %mul3A_280] : memref<2x100000xf32, #tpu.memory_space<hbm>> -> memref<2x128xf32, #tpu.memory_space<hbm>>
    tpu.wait_dma2 semaphore(%arg14 : memref<!tpu.dma_semaphore, #tpu.memory_space<semaphore_mem>>) src(%dma_wait3A_550 : memref<2x128xf32, #tpu.memory_space<hbm>>) dst(%dma_wait3A_548 : memref<2x128xf32, #tpu.memory_space<vmem>>)
    %dma_wait3A_551 = arith.constant 40 : i32
    %dma_wait3A_552 = arith.constant 0 : i32
    %dma_wait3A_553 = tpu.memref_slice %arg6[%dma_wait3A_551, %dma_wait3A_552] : memref<50x128xf32, #tpu.memory_space<vmem>> -> memref<2x128xf32, #tpu.memory_space<vmem>>
    %dma_wait3A_554 = arith.constant 0 : i32
    %dma_wait3A_555 = tpu.memref_slice %arg2[%dma_wait3A_554, %mul3A_294] : memref<2x100000xf32, #tpu.memory_space<hbm>> -> memref<2x128xf32, #tpu.memory_space<hbm>>
    %dma_wait3A_556 = arith.constant 40 : i32
    %dma_wait3A_557 = arith.constant 0 : i32
    %dma_wait3A_558 = tpu.memref_slice %arg6[%dma_wait3A_556, %dma_wait3A_557] : memref<50x128xf32, #tpu.memory_space<vmem>> -> memref<2x128xf32, #tpu.memory_space<vmem>>
    %dma_wait3A_559 = arith.constant 0 : i32
    %dma_wait3A_560 = tpu.memref_slice %arg2[%dma_wait3A_559, %mul3A_294] : memref<2x100000xf32, #tpu.memory_space<hbm>> -> memref<2x128xf32, #tpu.memory_space<hbm>>
    tpu.wait_dma2 semaphore(%arg14 : memref<!tpu.dma_semaphore, #tpu.memory_space<semaphore_mem>>) src(%dma_wait3A_560 : memref<2x128xf32, #tpu.memory_space<hbm>>) dst(%dma_wait3A_558 : memref<2x128xf32, #tpu.memory_space<vmem>>)
    %dma_wait3A_561 = arith.constant 42 : i32
    %dma_wait3A_562 = arith.constant 0 : i32
    %dma_wait3A_563 = tpu.memref_slice %arg6[%dma_wait3A_561, %dma_wait3A_562] : memref<50x128xf32, #tpu.memory_space<vmem>> -> memref<2x128xf32, #tpu.memory_space<vmem>>
    %dma_wait3A_564 = arith.constant 0 : i32
    %dma_wait3A_565 = tpu.memref_slice %arg2[%dma_wait3A_564, %mul3A_308] : memref<2x100000xf32, #tpu.memory_space<hbm>> -> memref<2x128xf32, #tpu.memory_space<hbm>>
    %dma_wait3A_566 = arith.constant 42 : i32
    %dma_wait3A_567 = arith.constant 0 : i32
    %dma_wait3A_568 = tpu.memref_slice %arg6[%dma_wait3A_566, %dma_wait3A_567] : memref<50x128xf32, #tpu.memory_space<vmem>> -> memref<2x128xf32, #tpu.memory_space<vmem>>
    %dma_wait3A_569 = arith.constant 0 : i32
    %dma_wait3A_570 = tpu.memref_slice %arg2[%dma_wait3A_569, %mul3A_308] : memref<2x100000xf32, #tpu.memory_space<hbm>> -> memref<2x128xf32, #tpu.memory_space<hbm>>
    tpu.wait_dma2 semaphore(%arg14 : memref<!tpu.dma_semaphore, #tpu.memory_space<semaphore_mem>>) src(%dma_wait3A_570 : memref<2x128xf32, #tpu.memory_space<hbm>>) dst(%dma_wait3A_568 : memref<2x128xf32, #tpu.memory_space<vmem>>)
    %dma_wait3A_571 = arith.constant 44 : i32
    %dma_wait3A_572 = arith.constant 0 : i32
    %dma_wait3A_573 = tpu.memref_slice %arg6[%dma_wait3A_571, %dma_wait3A_572] : memref<50x128xf32, #tpu.memory_space<vmem>> -> memref<2x128xf32, #tpu.memory_space<vmem>>
    %dma_wait3A_574 = arith.constant 0 : i32
    %dma_wait3A_575 = tpu.memref_slice %arg2[%dma_wait3A_574, %mul3A_322] : memref<2x100000xf32, #tpu.memory_space<hbm>> -> memref<2x128xf32, #tpu.memory_space<hbm>>
    %dma_wait3A_576 = arith.constant 44 : i32
    %dma_wait3A_577 = arith.constant 0 : i32
    %dma_wait3A_578 = tpu.memref_slice %arg6[%dma_wait3A_576, %dma_wait3A_577] : memref<50x128xf32, #tpu.memory_space<vmem>> -> memref<2x128xf32, #tpu.memory_space<vmem>>
    %dma_wait3A_579 = arith.constant 0 : i32
    %dma_wait3A_580 = tpu.memref_slice %arg2[%dma_wait3A_579, %mul3A_322] : memref<2x100000xf32, #tpu.memory_space<hbm>> -> memref<2x128xf32, #tpu.memory_space<hbm>>
    tpu.wait_dma2 semaphore(%arg14 : memref<!tpu.dma_semaphore, #tpu.memory_space<semaphore_mem>>) src(%dma_wait3A_580 : memref<2x128xf32, #tpu.memory_space<hbm>>) dst(%dma_wait3A_578 : memref<2x128xf32, #tpu.memory_space<vmem>>)
    %dma_wait3A_581 = arith.constant 46 : i32
    %dma_wait3A_582 = arith.constant 0 : i32
    %dma_wait3A_583 = tpu.memref_slice %arg6[%dma_wait3A_581, %dma_wait3A_582] : memref<50x128xf32, #tpu.memory_space<vmem>> -> memref<2x128xf32, #tpu.memory_space<vmem>>
    %dma_wait3A_584 = arith.constant 0 : i32
    %dma_wait3A_585 = tpu.memref_slice %arg2[%dma_wait3A_584, %mul3A_336] : memref<2x100000xf32, #tpu.memory_space<hbm>> -> memref<2x128xf32, #tpu.memory_space<hbm>>
    %dma_wait3A_586 = arith.constant 46 : i32
    %dma_wait3A_587 = arith.constant 0 : i32
    %dma_wait3A_588 = tpu.memref_slice %arg6[%dma_wait3A_586, %dma_wait3A_587] : memref<50x128xf32, #tpu.memory_space<vmem>> -> memref<2x128xf32, #tpu.memory_space<vmem>>
    %dma_wait3A_589 = arith.constant 0 : i32
    %dma_wait3A_590 = tpu.memref_slice %arg2[%dma_wait3A_589, %mul3A_336] : memref<2x100000xf32, #tpu.memory_space<hbm>> -> memref<2x128xf32, #tpu.memory_space<hbm>>
    tpu.wait_dma2 semaphore(%arg14 : memref<!tpu.dma_semaphore, #tpu.memory_space<semaphore_mem>>) src(%dma_wait3A_590 : memref<2x128xf32, #tpu.memory_space<hbm>>) dst(%dma_wait3A_588 : memref<2x128xf32, #tpu.memory_space<vmem>>)
    %parallel_loop3A = arith.constant 0 : i32
    %parallel_loop3A_591 = arith.constant 192 : i32
    %parallel_loop3A_592 = arith.constant 1 : i32
    scf.for %parallel_loop3A_1003 = %parallel_loop3A to %parallel_loop3A_591 step %parallel_loop3A_592  : i32 {
      %parallel_loop3A_1004 = arith.constant 3 : i32
      %parallel_loop3A_1005 = arith.shrui %parallel_loop3A_1003, %parallel_loop3A_1004 : i32
      %parallel_loop3A_1006 = arith.constant 7 : i32
      %parallel_loop3A_1007 = arith.andi %parallel_loop3A_1003, %parallel_loop3A_1006 : i32
      %parallel_loop3A_1008 = arith.constant 2 : i32
      %parallel_loop3A_1009 = arith.muli %parallel_loop3A_1008, %parallel_loop3A_1005 : i32
      %parallel_loop3A_1010 = arith.constant 16 : i32
      %parallel_loop3A_1011 = arith.muli %parallel_loop3A_1007, %parallel_loop3A_1010 : i32
      %parallel_loop3A_1012 = arith.index_cast %parallel_loop3A_1009 : i32 to index
      %parallel_loop3A_1013 = arith.index_cast %parallel_loop3A_1011 : i32 to index
      %parallel_loop3A_1014 = tpu.vector_load %arg6[%parallel_loop3A_1012, %parallel_loop3A_1013] {strides = array<i32>} : memref<50x128xf32, #tpu.memory_space<vmem>>, vector<16xf32>,
      %parallel_loop3A_1015 = arith.constant 2 : i32
      %parallel_loop3A_1016 = arith.muli %parallel_loop3A_1015, %parallel_loop3A_1005 : i32
      %parallel_loop3A_1017 = arith.constant 1 : i32
      %parallel_loop3A_1018 = arith.addi %parallel_loop3A_1016, %parallel_loop3A_1017 : i32
      %parallel_loop3A_1019 = arith.constant 16 : i32
      %parallel_loop3A_1020 = arith.muli %parallel_loop3A_1007, %parallel_loop3A_1019 : i32
      %parallel_loop3A_1021 = arith.index_cast %parallel_loop3A_1018 : i32 to index
      %parallel_loop3A_1022 = arith.index_cast %parallel_loop3A_1020 : i32 to index
      %parallel_loop3A_1023 = tpu.vector_load %arg6[%parallel_loop3A_1021, %parallel_loop3A_1022] {strides = array<i32>} : memref<50x128xf32, #tpu.memory_space<vmem>>, vector<16xf32>,
      %parallel_loop3A_1024 = arith.constant 1.600000e+01 : f32
      %parallel_loop3A_1025 = vector.broadcast %parallel_loop3A_1024 : f32 to vector<16xf32>
      %parallel_loop3A_1026 = arith.mulf %parallel_loop3A_1014, %parallel_loop3A_1025 : vector<16xf32>
      %parallel_loop3A_1027 = arith.fptosi %parallel_loop3A_1026 : vector<16xf32> to vector<16xi32>
      %parallel_loop3A_1028 = arith.constant 8.000000e+00 : f32
      %parallel_loop3A_1029 = vector.broadcast %parallel_loop3A_1028 : f32 to vector<16xf32>
      %parallel_loop3A_1030 = arith.mulf %parallel_loop3A_1023, %parallel_loop3A_1029 : vector<16xf32>
      %parallel_loop3A_1031 = arith.fptosi %parallel_loop3A_1030 : vector<16xf32> to vector<16xi32>
      %parallel_loop3A_1032 = arith.constant 8 : i32
      %parallel_loop3A_1033 = vector.broadcast %parallel_loop3A_1032 : i32 to vector<16xi32>
      %parallel_loop3A_1034 = arith.muli %parallel_loop3A_1027, %parallel_loop3A_1033 : vector<16xi32>
      %parallel_loop3A_1035 = arith.addi %parallel_loop3A_1034, %parallel_loop3A_1031 : vector<16xi32>
      %parallel_loop3A_1036 = arith.addi %mul3A_3, %parallel_loop3A_1035 : vector<16xi32>
      tpu.vector_store_idx %arg9[%parallel_loop3A_1036], %broadcast_in_dim3A_6 {add = true} : memref<2048xi32, #tpu.memory_space<vmem>>[vector<16xi32>], vector<16xi32>,
    } {sc.loop_unroll_factor = 8 : i64, sc.parallel_access}
    %convert_element_type3A = arith.extui %lt3A_11 : i1 to i32
    %cond3A = arith.constant 0 : i32
    %cond3A_593 = arith.cmpi ne, %convert_element_type3A, %cond3A : i32
    scf.if %cond3A_593 {
      %add3A_1003 = arith.constant 24 : i32
      %add3A_1004 = arith.addi %add3A_10, %add3A_1003 : i32
      %mul3A_1005 = arith.constant 128 : i32
      %mul3A_1006 = arith.muli %add3A_1004, %mul3A_1005 : i32
      "tpu.region"() ({
        %run_scoped3A = tpu.sem_alloc : memref<!tpu.dma_semaphore, #tpu.memory_space<semaphore_mem>>
        %dma_start3A_1175 = arith.constant 48 : i32
        %dma_start3A_1176 = arith.constant 0 : i32
        %dma_start3A_1177 = tpu.memref_slice %arg6[%dma_start3A_1175, %dma_start3A_1176] : memref<50x128xf32, #tpu.memory_space<vmem>> -> memref<2x128xf32, #tpu.memory_space<vmem>>
        %dma_start3A_1178 = arith.constant 0 : i32
        %dma_start3A_1179 = tpu.memref_slice %arg2[%dma_start3A_1178, %mul3A_1006] : memref<2x100000xf32, #tpu.memory_space<hbm>> -> memref<2x128xf32, #tpu.memory_space<hbm>>
        %dma_start3A_1180 = arith.constant 48 : i32
        %dma_start3A_1181 = arith.constant 0 : i32
        %dma_start3A_1182 = tpu.memref_slice %arg6[%dma_start3A_1180, %dma_start3A_1181] : memref<50x128xf32, #tpu.memory_space<vmem>> -> memref<2x128xf32, #tpu.memory_space<vmem>>
        %dma_start3A_1183 = arith.constant 0 : i32
        %dma_start3A_1184 = tpu.memref_slice %arg2[%dma_start3A_1183, %mul3A_1006] : memref<2x100000xf32, #tpu.memory_space<hbm>> -> memref<2x128xf32, #tpu.memory_space<hbm>>
        tpu.enqueue_dma source(%dma_start3A_1184 : memref<2x128xf32, #tpu.memory_space<hbm>>) target(%dma_start3A_1182 : memref<2x128xf32, #tpu.memory_space<vmem>>) target_semaphore(%run_scoped3A : memref<!tpu.dma_semaphore, #tpu.memory_space<semaphore_mem>>)
        %dma_wait3A_1185 = arith.constant 48 : i32
        %dma_wait3A_1186 = arith.constant 0 : i32
        %dma_wait3A_1187 = tpu.memref_slice %arg6[%dma_wait3A_1185, %dma_wait3A_1186] : memref<50x128xf32, #tpu.memory_space<vmem>> -> memref<2x128xf32, #tpu.memory_space<vmem>>
        %dma_wait3A_1188 = arith.constant 0 : i32
        %dma_wait3A_1189 = tpu.memref_slice %arg2[%dma_wait3A_1188, %mul3A_1006] : memref<2x100000xf32, #tpu.memory_space<hbm>> -> memref<2x128xf32, #tpu.memory_space<hbm>>
        %dma_wait3A_1190 = arith.constant 48 : i32
        %dma_wait3A_1191 = arith.constant 0 : i32
        %dma_wait3A_1192 = tpu.memref_slice %arg6[%dma_wait3A_1190, %dma_wait3A_1191] : memref<50x128xf32, #tpu.memory_space<vmem>> -> memref<2x128xf32, #tpu.memory_space<vmem>>
        %dma_wait3A_1193 = arith.constant 0 : i32
        %dma_wait3A_1194 = tpu.memref_slice %arg2[%dma_wait3A_1193, %mul3A_1006] : memref<2x100000xf32, #tpu.memory_space<hbm>> -> memref<2x128xf32, #tpu.memory_space<hbm>>
        tpu.wait_dma2 semaphore(%run_scoped3A : memref<!tpu.dma_semaphore, #tpu.memory_space<semaphore_mem>>) src(%dma_wait3A_1194 : memref<2x128xf32, #tpu.memory_space<hbm>>) dst(%dma_wait3A_1192 : memref<2x128xf32, #tpu.memory_space<vmem>>)
        tpu.yield
      }) : () -> ()
      %get3A_1007 = arith.constant 48 : i32
      %get3A_1008 = arith.index_cast %get3A_1007 : i32 to index
      %get3A_1009 = arith.constant 0 : index
      %get3A_1010 = tpu.vector_load %arg6[%get3A_1008, %get3A_1009] {strides = array<i32>} : memref<50x128xf32, #tpu.memory_space<vmem>>, vector<16xf32>,
      %get3A_1011 = arith.constant 49 : i32
      %get3A_1012 = arith.index_cast %get3A_1011 : i32 to index
      %get3A_1013 = arith.constant 0 : index
      %get3A_1014 = tpu.vector_load %arg6[%get3A_1012, %get3A_1013] {strides = array<i32>} : memref<50x128xf32, #tpu.memory_space<vmem>>, vector<16xf32>,
      %mul3A_1015 = arith.constant 1.600000e+01 : f32
      %mul3A_1016 = vector.broadcast %mul3A_1015 : f32 to vector<16xf32>
      %mul3A_1017 = arith.mulf %get3A_1010, %mul3A_1016 : vector<16xf32>
      %convert_element_type3A_1018 = arith.fptosi %mul3A_1017 : vector<16xf32> to vector<16xi32>
      %mul3A_1019 = arith.constant 8.000000e+00 : f32
      %mul3A_1020 = vector.broadcast %mul3A_1019 : f32 to vector<16xf32>
      %mul3A_1021 = arith.mulf %get3A_1014, %mul3A_1020 : vector<16xf32>
      %convert_element_type3A_1022 = arith.fptosi %mul3A_1021 : vector<16xf32> to vector<16xi32>
      %mul3A_1023 = arith.constant 8 : i32
      %mul3A_1024 = vector.broadcast %mul3A_1023 : i32 to vector<16xi32>
      %mul3A_1025 = arith.muli %convert_element_type3A_1018, %mul3A_1024 : vector<16xi32>
      %add3A_1026 = arith.addi %mul3A_1025, %convert_element_type3A_1022 : vector<16xi32>
      %add3A_1027 = arith.addi %mul3A_3, %add3A_1026 : vector<16xi32>
      tpu.vector_store_idx %arg9[%add3A_1027], %broadcast_in_dim3A_6 {add = true} : memref<2048xi32, #tpu.memory_space<vmem>>[vector<16xi32>], vector<16xi32>,
      %get3A_1028 = arith.constant 48 : i32
      %get3A_1029 = arith.index_cast %get3A_1028 : i32 to index
      %get3A_1030 = arith.constant 16 : index
      %get3A_1031 = tpu.vector_load %arg6[%get3A_1029, %get3A_1030] {strides = array<i32>} : memref<50x128xf32, #tpu.memory_space<vmem>>, vector<16xf32>,
      %get3A_1032 = arith.constant 49 : i32
      %get3A_1033 = arith.index_cast %get3A_1032 : i32 to index
      %get3A_1034 = arith.constant 16 : index
      %get3A_1035 = tpu.vector_load %arg6[%get3A_1033, %get3A_1034] {strides = array<i32>} : memref<50x128xf32, #tpu.memory_space<vmem>>, vector<16xf32>,
      %mul3A_1036 = arith.constant 1.600000e+01 : f32
      %mul3A_1037 = vector.broadcast %mul3A_1036 : f32 to vector<16xf32>
      %mul3A_1038 = arith.mulf %get3A_1031, %mul3A_1037 : vector<16xf32>
      %convert_element_type3A_1039 = arith.fptosi %mul3A_1038 : vector<16xf32> to vector<16xi32>
      %mul3A_1040 = arith.constant 8.000000e+00 : f32
      %mul3A_1041 = vector.broadcast %mul3A_1040 : f32 to vector<16xf32>
      %mul3A_1042 = arith.mulf %get3A_1035, %mul3A_1041 : vector<16xf32>
      %convert_element_type3A_1043 = arith.fptosi %mul3A_1042 : vector<16xf32> to vector<16xi32>
      %mul3A_1044 = arith.constant 8 : i32
      %mul3A_1045 = vector.broadcast %mul3A_1044 : i32 to vector<16xi32>
      %mul3A_1046 = arith.muli %convert_element_type3A_1039, %mul3A_1045 : vector<16xi32>
      %add3A_1047 = arith.addi %mul3A_1046, %convert_element_type3A_1043 : vector<16xi32>
      %add3A_1048 = arith.addi %mul3A_3, %add3A_1047 : vector<16xi32>
      tpu.vector_store_idx %arg9[%add3A_1048], %broadcast_in_dim3A_6 {add = true} : memref<2048xi32, #tpu.memory_space<vmem>>[vector<16xi32>], vector<16xi32>,
      %get3A_1049 = arith.constant 48 : i32
      %get3A_1050 = arith.index_cast %get3A_1049 : i32 to index
      %get3A_1051 = arith.constant 32 : index
      %get3A_1052 = tpu.vector_load %arg6[%get3A_1050, %get3A_1051] {strides = array<i32>} : memref<50x128xf32, #tpu.memory_space<vmem>>, vector<16xf32>,
      %get3A_1053 = arith.constant 49 : i32
      %get3A_1054 = arith.index_cast %get3A_1053 : i32 to index
      %get3A_1055 = arith.constant 32 : index
      %get3A_1056 = tpu.vector_load %arg6[%get3A_1054, %get3A_1055] {strides = array<i32>} : memref<50x128xf32, #tpu.memory_space<vmem>>, vector<16xf32>,
      %mul3A_1057 = arith.constant 1.600000e+01 : f32
      %mul3A_1058 = vector.broadcast %mul3A_1057 : f32 to vector<16xf32>
      %mul3A_1059 = arith.mulf %get3A_1052, %mul3A_1058 : vector<16xf32>
      %convert_element_type3A_1060 = arith.fptosi %mul3A_1059 : vector<16xf32> to vector<16xi32>
      %mul3A_1061 = arith.constant 8.000000e+00 : f32
      %mul3A_1062 = vector.broadcast %mul3A_1061 : f32 to vector<16xf32>
      %mul3A_1063 = arith.mulf %get3A_1056, %mul3A_1062 : vector<16xf32>
      %convert_element_type3A_1064 = arith.fptosi %mul3A_1063 : vector<16xf32> to vector<16xi32>
      %mul3A_1065 = arith.constant 8 : i32
      %mul3A_1066 = vector.broadcast %mul3A_1065 : i32 to vector<16xi32>
      %mul3A_1067 = arith.muli %convert_element_type3A_1060, %mul3A_1066 : vector<16xi32>
      %add3A_1068 = arith.addi %mul3A_1067, %convert_element_type3A_1064 : vector<16xi32>
      %add3A_1069 = arith.addi %mul3A_3, %add3A_1068 : vector<16xi32>
      tpu.vector_store_idx %arg9[%add3A_1069], %broadcast_in_dim3A_6 {add = true} : memref<2048xi32, #tpu.memory_space<vmem>>[vector<16xi32>], vector<16xi32>,
      %get3A_1070 = arith.constant 48 : i32
      %get3A_1071 = arith.index_cast %get3A_1070 : i32 to index
      %get3A_1072 = arith.constant 48 : index
      %get3A_1073 = tpu.vector_load %arg6[%get3A_1071, %get3A_1072] {strides = array<i32>} : memref<50x128xf32, #tpu.memory_space<vmem>>, vector<16xf32>,
      %get3A_1074 = arith.constant 49 : i32
      %get3A_1075 = arith.index_cast %get3A_1074 : i32 to index
      %get3A_1076 = arith.constant 48 : index
      %get3A_1077 = tpu.vector_load %arg6[%get3A_1075, %get3A_1076] {strides = array<i32>} : memref<50x128xf32, #tpu.memory_space<vmem>>, vector<16xf32>,
      %mul3A_1078 = arith.constant 1.600000e+01 : f32
      %mul3A_1079 = vector.broadcast %mul3A_1078 : f32 to vector<16xf32>
      %mul3A_1080 = arith.mulf %get3A_1073, %mul3A_1079 : vector<16xf32>
      %convert_element_type3A_1081 = arith.fptosi %mul3A_1080 : vector<16xf32> to vector<16xi32>
      %mul3A_1082 = arith.constant 8.000000e+00 : f32
      %mul3A_1083 = vector.broadcast %mul3A_1082 : f32 to vector<16xf32>
      %mul3A_1084 = arith.mulf %get3A_1077, %mul3A_1083 : vector<16xf32>
      %convert_element_type3A_1085 = arith.fptosi %mul3A_1084 : vector<16xf32> to vector<16xi32>
      %mul3A_1086 = arith.constant 8 : i32
      %mul3A_1087 = vector.broadcast %mul3A_1086 : i32 to vector<16xi32>
      %mul3A_1088 = arith.muli %convert_element_type3A_1081, %mul3A_1087 : vector<16xi32>
      %add3A_1089 = arith.addi %mul3A_1088, %convert_element_type3A_1085 : vector<16xi32>
      %add3A_1090 = arith.addi %mul3A_3, %add3A_1089 : vector<16xi32>
      tpu.vector_store_idx %arg9[%add3A_1090], %broadcast_in_dim3A_6 {add = true} : memref<2048xi32, #tpu.memory_space<vmem>>[vector<16xi32>], vector<16xi32>,
      %get3A_1091 = arith.constant 48 : i32
      %get3A_1092 = arith.index_cast %get3A_1091 : i32 to index
      %get3A_1093 = arith.constant 64 : index
      %get3A_1094 = tpu.vector_load %arg6[%get3A_1092, %get3A_1093] {strides = array<i32>} : memref<50x128xf32, #tpu.memory_space<vmem>>, vector<16xf32>,
      %get3A_1095 = arith.constant 49 : i32
      %get3A_1096 = arith.index_cast %get3A_1095 : i32 to index
      %get3A_1097 = arith.constant 64 : index
      %get3A_1098 = tpu.vector_load %arg6[%get3A_1096, %get3A_1097] {strides = array<i32>} : memref<50x128xf32, #tpu.memory_space<vmem>>, vector<16xf32>,
      %mul3A_1099 = arith.constant 1.600000e+01 : f32
      %mul3A_1100 = vector.broadcast %mul3A_1099 : f32 to vector<16xf32>
      %mul3A_1101 = arith.mulf %get3A_1094, %mul3A_1100 : vector<16xf32>
      %convert_element_type3A_1102 = arith.fptosi %mul3A_1101 : vector<16xf32> to vector<16xi32>
      %mul3A_1103 = arith.constant 8.000000e+00 : f32
      %mul3A_1104 = vector.broadcast %mul3A_1103 : f32 to vector<16xf32>
      %mul3A_1105 = arith.mulf %get3A_1098, %mul3A_1104 : vector<16xf32>
      %convert_element_type3A_1106 = arith.fptosi %mul3A_1105 : vector<16xf32> to vector<16xi32>
      %mul3A_1107 = arith.constant 8 : i32
      %mul3A_1108 = vector.broadcast %mul3A_1107 : i32 to vector<16xi32>
      %mul3A_1109 = arith.muli %convert_element_type3A_1102, %mul3A_1108 : vector<16xi32>
      %add3A_1110 = arith.addi %mul3A_1109, %convert_element_type3A_1106 : vector<16xi32>
      %add3A_1111 = arith.addi %mul3A_3, %add3A_1110 : vector<16xi32>
      tpu.vector_store_idx %arg9[%add3A_1111], %broadcast_in_dim3A_6 {add = true} : memref<2048xi32, #tpu.memory_space<vmem>>[vector<16xi32>], vector<16xi32>,
      %get3A_1112 = arith.constant 48 : i32
      %get3A_1113 = arith.index_cast %get3A_1112 : i32 to index
      %get3A_1114 = arith.constant 80 : index
      %get3A_1115 = tpu.vector_load %arg6[%get3A_1113, %get3A_1114] {strides = array<i32>} : memref<50x128xf32, #tpu.memory_space<vmem>>, vector<16xf32>,
      %get3A_1116 = arith.constant 49 : i32
      %get3A_1117 = arith.index_cast %get3A_1116 : i32 to index
      %get3A_1118 = arith.constant 80 : index
      %get3A_1119 = tpu.vector_load %arg6[%get3A_1117, %get3A_1118] {strides = array<i32>} : memref<50x128xf32, #tpu.memory_space<vmem>>, vector<16xf32>,
      %mul3A_1120 = arith.constant 1.600000e+01 : f32
      %mul3A_1121 = vector.broadcast %mul3A_1120 : f32 to vector<16xf32>
      %mul3A_1122 = arith.mulf %get3A_1115, %mul3A_1121 : vector<16xf32>
      %convert_element_type3A_1123 = arith.fptosi %mul3A_1122 : vector<16xf32> to vector<16xi32>
      %mul3A_1124 = arith.constant 8.000000e+00 : f32
      %mul3A_1125 = vector.broadcast %mul3A_1124 : f32 to vector<16xf32>
      %mul3A_1126 = arith.mulf %get3A_1119, %mul3A_1125 : vector<16xf32>
      %convert_element_type3A_1127 = arith.fptosi %mul3A_1126 : vector<16xf32> to vector<16xi32>
      %mul3A_1128 = arith.constant 8 : i32
      %mul3A_1129 = vector.broadcast %mul3A_1128 : i32 to vector<16xi32>
      %mul3A_1130 = arith.muli %convert_element_type3A_1123, %mul3A_1129 : vector<16xi32>
      %add3A_1131 = arith.addi %mul3A_1130, %convert_element_type3A_1127 : vector<16xi32>
      %add3A_1132 = arith.addi %mul3A_3, %add3A_1131 : vector<16xi32>
      tpu.vector_store_idx %arg9[%add3A_1132], %broadcast_in_dim3A_6 {add = true} : memref<2048xi32, #tpu.memory_space<vmem>>[vector<16xi32>], vector<16xi32>,
      %get3A_1133 = arith.constant 48 : i32
      %get3A_1134 = arith.index_cast %get3A_1133 : i32 to index
      %get3A_1135 = arith.constant 96 : index
      %get3A_1136 = tpu.vector_load %arg6[%get3A_1134, %get3A_1135] {strides = array<i32>} : memref<50x128xf32, #tpu.memory_space<vmem>>, vector<16xf32>,
      %get3A_1137 = arith.constant 49 : i32
      %get3A_1138 = arith.index_cast %get3A_1137 : i32 to index
      %get3A_1139 = arith.constant 96 : index
      %get3A_1140 = tpu.vector_load %arg6[%get3A_1138, %get3A_1139] {strides = array<i32>} : memref<50x128xf32, #tpu.memory_space<vmem>>, vector<16xf32>,
      %mul3A_1141 = arith.constant 1.600000e+01 : f32
      %mul3A_1142 = vector.broadcast %mul3A_1141 : f32 to vector<16xf32>
      %mul3A_1143 = arith.mulf %get3A_1136, %mul3A_1142 : vector<16xf32>
      %convert_element_type3A_1144 = arith.fptosi %mul3A_1143 : vector<16xf32> to vector<16xi32>
      %mul3A_1145 = arith.constant 8.000000e+00 : f32
      %mul3A_1146 = vector.broadcast %mul3A_1145 : f32 to vector<16xf32>
      %mul3A_1147 = arith.mulf %get3A_1140, %mul3A_1146 : vector<16xf32>
      %convert_element_type3A_1148 = arith.fptosi %mul3A_1147 : vector<16xf32> to vector<16xi32>
      %mul3A_1149 = arith.constant 8 : i32
      %mul3A_1150 = vector.broadcast %mul3A_1149 : i32 to vector<16xi32>
      %mul3A_1151 = arith.muli %convert_element_type3A_1144, %mul3A_1150 : vector<16xi32>
      %add3A_1152 = arith.addi %mul3A_1151, %convert_element_type3A_1148 : vector<16xi32>
      %add3A_1153 = arith.addi %mul3A_3, %add3A_1152 : vector<16xi32>
      tpu.vector_store_idx %arg9[%add3A_1153], %broadcast_in_dim3A_6 {add = true} : memref<2048xi32, #tpu.memory_space<vmem>>[vector<16xi32>], vector<16xi32>,
      %get3A_1154 = arith.constant 48 : i32
      %get3A_1155 = arith.index_cast %get3A_1154 : i32 to index
      %get3A_1156 = arith.constant 112 : index
      %get3A_1157 = tpu.vector_load %arg6[%get3A_1155, %get3A_1156] {strides = array<i32>} : memref<50x128xf32, #tpu.memory_space<vmem>>, vector<16xf32>,
      %get3A_1158 = arith.constant 49 : i32
      %get3A_1159 = arith.index_cast %get3A_1158 : i32 to index
      %get3A_1160 = arith.constant 112 : index
      %get3A_1161 = tpu.vector_load %arg6[%get3A_1159, %get3A_1160] {strides = array<i32>} : memref<50x128xf32, #tpu.memory_space<vmem>>, vector<16xf32>,
      %mul3A_1162 = arith.constant 1.600000e+01 : f32
      %mul3A_1163 = vector.broadcast %mul3A_1162 : f32 to vector<16xf32>
      %mul3A_1164 = arith.mulf %get3A_1157, %mul3A_1163 : vector<16xf32>
      %convert_element_type3A_1165 = arith.fptosi %mul3A_1164 : vector<16xf32> to vector<16xi32>
      %mul3A_1166 = arith.constant 8.000000e+00 : f32
      %mul3A_1167 = vector.broadcast %mul3A_1166 : f32 to vector<16xf32>
      %mul3A_1168 = arith.mulf %get3A_1161, %mul3A_1167 : vector<16xf32>
      %convert_element_type3A_1169 = arith.fptosi %mul3A_1168 : vector<16xf32> to vector<16xi32>
      %mul3A_1170 = arith.constant 8 : i32
      %mul3A_1171 = vector.broadcast %mul3A_1170 : i32 to vector<16xi32>
      %mul3A_1172 = arith.muli %convert_element_type3A_1165, %mul3A_1171 : vector<16xi32>
      %add3A_1173 = arith.addi %mul3A_1172, %convert_element_type3A_1169 : vector<16xi32>
      %add3A_1174 = arith.addi %mul3A_3, %add3A_1173 : vector<16xi32>
      tpu.vector_store_idx %arg9[%add3A_1174], %broadcast_in_dim3A_6 {add = true} : memref<2048xi32, #tpu.memory_space<vmem>>[vector<16xi32>], vector<16xi32>,
    } else {
    }
    %ge3A = arith.constant 13 : i32
    %ge3A_594 = arith.cmpi sge, %add3A, %ge3A : i32
    %lt3A_595 = arith.constant 15 : i32
    %lt3A_596 = arith.cmpi slt, %add3A, %lt3A_595 : i32
    %and3A = arith.andi %ge3A_594, %lt3A_596 : i1
    %convert_element_type3A_597 = arith.extui %and3A : i1 to i32
    %cond3A_598 = arith.constant 0 : i32
    %cond3A_599 = arith.cmpi ne, %convert_element_type3A_597, %cond3A_598 : i32
    scf.if %cond3A_599 {
      %sub3A = arith.constant 13 : i32
      %sub3A_1003 = arith.subi %add3A, %sub3A : i32
      %mul3A_1004 = arith.constant 16 : i32
      %mul3A_1005 = arith.muli %sub3A_1003, %mul3A_1004 : i32
      "tpu.region"() ({
        %run_scoped3A = tpu.sem_alloc : memref<!tpu.dma_semaphore, #tpu.memory_space<semaphore_mem>>
        %dma_start3A_1023 = tpu.memref_slice %arg3[%mul3A_1005] : memref<32xf32, #tpu.memory_space<hbm>> -> memref<16xf32, #tpu.memory_space<hbm>>
        %dma_start3A_1024 = tpu.memref_slice %arg3[%mul3A_1005] : memref<32xf32, #tpu.memory_space<hbm>> -> memref<16xf32, #tpu.memory_space<hbm>>
        tpu.enqueue_dma source(%dma_start3A_1024 : memref<16xf32, #tpu.memory_space<hbm>>) target(%arg7 : memref<16xf32, #tpu.memory_space<vmem>>) target_semaphore(%run_scoped3A : memref<!tpu.dma_semaphore, #tpu.memory_space<semaphore_mem>>)
        %dma_wait3A_1025 = tpu.memref_slice %arg3[%mul3A_1005] : memref<32xf32, #tpu.memory_space<hbm>> -> memref<16xf32, #tpu.memory_space<hbm>>
        %dma_wait3A_1026 = tpu.memref_slice %arg3[%mul3A_1005] : memref<32xf32, #tpu.memory_space<hbm>> -> memref<16xf32, #tpu.memory_space<hbm>>
        tpu.wait_dma2 semaphore(%run_scoped3A : memref<!tpu.dma_semaphore, #tpu.memory_space<semaphore_mem>>) src(%dma_wait3A_1026 : memref<16xf32, #tpu.memory_space<hbm>>) dst(%arg7 : memref<16xf32, #tpu.memory_space<vmem>>)
        tpu.yield
      }) : () -> ()
      "tpu.region"() ({
        %run_scoped3A = tpu.sem_alloc : memref<!tpu.dma_semaphore, #tpu.memory_space<semaphore_mem>>
        %dma_start3A_1023 = tpu.memref_slice %arg4[%mul3A_1005] : memref<32xf32, #tpu.memory_space<hbm>> -> memref<16xf32, #tpu.memory_space<hbm>>
        %dma_start3A_1024 = tpu.memref_slice %arg4[%mul3A_1005] : memref<32xf32, #tpu.memory_space<hbm>> -> memref<16xf32, #tpu.memory_space<hbm>>
        tpu.enqueue_dma source(%dma_start3A_1024 : memref<16xf32, #tpu.memory_space<hbm>>) target(%arg8 : memref<16xf32, #tpu.memory_space<vmem>>) target_semaphore(%run_scoped3A : memref<!tpu.dma_semaphore, #tpu.memory_space<semaphore_mem>>)
        %dma_wait3A_1025 = tpu.memref_slice %arg4[%mul3A_1005] : memref<32xf32, #tpu.memory_space<hbm>> -> memref<16xf32, #tpu.memory_space<hbm>>
        %dma_wait3A_1026 = tpu.memref_slice %arg4[%mul3A_1005] : memref<32xf32, #tpu.memory_space<hbm>> -> memref<16xf32, #tpu.memory_space<hbm>>
        tpu.wait_dma2 semaphore(%run_scoped3A : memref<!tpu.dma_semaphore, #tpu.memory_space<semaphore_mem>>) src(%dma_wait3A_1026 : memref<16xf32, #tpu.memory_space<hbm>>) dst(%arg8 : memref<16xf32, #tpu.memory_space<vmem>>)
        tpu.yield
      }) : () -> ()
      %get3A_1006 = arith.constant 0 : index
      %get3A_1007 = tpu.vector_load %arg7[%get3A_1006] {strides = array<i32>} : memref<16xf32, #tpu.memory_space<vmem>>, vector<16xf32>,
      %get3A_1008 = arith.constant 0 : index
      %get3A_1009 = tpu.vector_load %arg8[%get3A_1008] {strides = array<i32>} : memref<16xf32, #tpu.memory_space<vmem>>, vector<16xf32>,
      %mul3A_1010 = arith.constant 1.600000e+01 : f32
      %mul3A_1011 = vector.broadcast %mul3A_1010 : f32 to vector<16xf32>
      %mul3A_1012 = arith.mulf %get3A_1007, %mul3A_1011 : vector<16xf32>
      %convert_element_type3A_1013 = arith.fptosi %mul3A_1012 : vector<16xf32> to vector<16xi32>
      %mul3A_1014 = arith.constant 8.000000e+00 : f32
      %mul3A_1015 = vector.broadcast %mul3A_1014 : f32 to vector<16xf32>
      %mul3A_1016 = arith.mulf %get3A_1009, %mul3A_1015 : vector<16xf32>
      %convert_element_type3A_1017 = arith.fptosi %mul3A_1016 : vector<16xf32> to vector<16xi32>
      %mul3A_1018 = arith.constant 8 : i32
      %mul3A_1019 = vector.broadcast %mul3A_1018 : i32 to vector<16xi32>
      %mul3A_1020 = arith.muli %convert_element_type3A_1013, %mul3A_1019 : vector<16xi32>
      %add3A_1021 = arith.addi %mul3A_1020, %convert_element_type3A_1017 : vector<16xi32>
      %add3A_1022 = arith.addi %mul3A_3, %add3A_1021 : vector<16xi32>
      tpu.vector_store_idx %arg9[%add3A_1022], %broadcast_in_dim3A_6 {add = true} : memref<2048xi32, #tpu.memory_space<vmem>>[vector<16xi32>], vector<16xi32>,
    } else {
    }
    %get3A = arith.constant 0 : index
    %get3A_600 = tpu.vector_load %arg9[%get3A] {strides = array<i32>} : memref<2048xi32, #tpu.memory_space<vmem>>, vector<16xi32>,
    %add3A_601 = arith.addi %broadcast_in_dim3A_4, %get3A_600 : vector<16xi32>
    %get3A_602 = arith.constant 128 : index
    %get3A_603 = tpu.vector_load %arg9[%get3A_602] {strides = array<i32>} : memref<2048xi32, #tpu.memory_space<vmem>>, vector<16xi32>,
    %add3A_604 = arith.addi %add3A_601, %get3A_603 : vector<16xi32>
    %get3A_605 = arith.constant 256 : index
    %get3A_606 = tpu.vector_load %arg9[%get3A_605] {strides = array<i32>} : memref<2048xi32, #tpu.memory_space<vmem>>, vector<16xi32>,
    %add3A_607 = arith.addi %add3A_604, %get3A_606 : vector<16xi32>
    %get3A_608 = arith.constant 384 : index
    %get3A_609 = tpu.vector_load %arg9[%get3A_608] {strides = array<i32>} : memref<2048xi32, #tpu.memory_space<vmem>>, vector<16xi32>,
    %add3A_610 = arith.addi %add3A_607, %get3A_609 : vector<16xi32>
    %get3A_611 = arith.constant 512 : index
    %get3A_612 = tpu.vector_load %arg9[%get3A_611] {strides = array<i32>} : memref<2048xi32, #tpu.memory_space<vmem>>, vector<16xi32>,
    %add3A_613 = arith.addi %add3A_610, %get3A_612 : vector<16xi32>
    %get3A_614 = arith.constant 640 : index
    %get3A_615 = tpu.vector_load %arg9[%get3A_614] {strides = array<i32>} : memref<2048xi32, #tpu.memory_space<vmem>>, vector<16xi32>,
    %add3A_616 = arith.addi %add3A_613, %get3A_615 : vector<16xi32>
    %get3A_617 = arith.constant 768 : index
    %get3A_618 = tpu.vector_load %arg9[%get3A_617] {strides = array<i32>} : memref<2048xi32, #tpu.memory_space<vmem>>, vector<16xi32>,
    %add3A_619 = arith.addi %add3A_616, %get3A_618 : vector<16xi32>
    %get3A_620 = arith.constant 896 : index
    %get3A_621 = tpu.vector_load %arg9[%get3A_620] {strides = array<i32>} : memref<2048xi32, #tpu.memory_space<vmem>>, vector<16xi32>,
    %add3A_622 = arith.addi %add3A_619, %get3A_621 : vector<16xi32>
    %get3A_623 = arith.constant 1024 : index
    %get3A_624 = tpu.vector_load %arg9[%get3A_623] {strides = array<i32>} : memref<2048xi32, #tpu.memory_space<vmem>>, vector<16xi32>,
    %add3A_625 = arith.addi %add3A_622, %get3A_624 : vector<16xi32>
    %get3A_626 = arith.constant 1152 : index
    %get3A_627 = tpu.vector_load %arg9[%get3A_626] {strides = array<i32>} : memref<2048xi32, #tpu.memory_space<vmem>>, vector<16xi32>,
    %add3A_628 = arith.addi %add3A_625, %get3A_627 : vector<16xi32>
    %get3A_629 = arith.constant 1280 : index
    %get3A_630 = tpu.vector_load %arg9[%get3A_629] {strides = array<i32>} : memref<2048xi32, #tpu.memory_space<vmem>>, vector<16xi32>,
    %add3A_631 = arith.addi %add3A_628, %get3A_630 : vector<16xi32>
    %get3A_632 = arith.constant 1408 : index
    %get3A_633 = tpu.vector_load %arg9[%get3A_632] {strides = array<i32>} : memref<2048xi32, #tpu.memory_space<vmem>>, vector<16xi32>,
    %add3A_634 = arith.addi %add3A_631, %get3A_633 : vector<16xi32>
    %get3A_635 = arith.constant 1536 : index
    %get3A_636 = tpu.vector_load %arg9[%get3A_635] {strides = array<i32>} : memref<2048xi32, #tpu.memory_space<vmem>>, vector<16xi32>,
    %add3A_637 = arith.addi %add3A_634, %get3A_636 : vector<16xi32>
    %get3A_638 = arith.constant 1664 : index
    %get3A_639 = tpu.vector_load %arg9[%get3A_638] {strides = array<i32>} : memref<2048xi32, #tpu.memory_space<vmem>>, vector<16xi32>,
    %add3A_640 = arith.addi %add3A_637, %get3A_639 : vector<16xi32>
    %get3A_641 = arith.constant 1792 : index
    %get3A_642 = tpu.vector_load %arg9[%get3A_641] {strides = array<i32>} : memref<2048xi32, #tpu.memory_space<vmem>>, vector<16xi32>,
    %add3A_643 = arith.addi %add3A_640, %get3A_642 : vector<16xi32>
    %get3A_644 = arith.constant 1920 : index
    %get3A_645 = tpu.vector_load %arg9[%get3A_644] {strides = array<i32>} : memref<2048xi32, #tpu.memory_space<vmem>>, vector<16xi32>,
    %add3A_646 = arith.addi %add3A_643, %get3A_645 : vector<16xi32>
    %swap3A = arith.constant 0 : index
    %swap3A_647 = tpu.vector_load %arg10[%swap3A] {strides = array<i32>} : memref<128xi32, #tpu.memory_space<vmem>>, vector<16xi32>,
    tpu.vector_store %arg10[%swap3A], %add3A_646 {strides = array<i32>} : memref<128xi32, #tpu.memory_space<vmem>>, vector<16xi32>,
    %get3A_648 = arith.constant 16 : index
    %get3A_649 = tpu.vector_load %arg9[%get3A_648] {strides = array<i32>} : memref<2048xi32, #tpu.memory_space<vmem>>, vector<16xi32>,
    %add3A_650 = arith.addi %broadcast_in_dim3A_4, %get3A_649 : vector<16xi32>
    %get3A_651 = arith.constant 144 : index
    %get3A_652 = tpu.vector_load %arg9[%get3A_651] {strides = array<i32>} : memref<2048xi32, #tpu.memory_space<vmem>>, vector<16xi32>,
    %add3A_653 = arith.addi %add3A_650, %get3A_652 : vector<16xi32>
    %get3A_654 = arith.constant 272 : index
    %get3A_655 = tpu.vector_load %arg9[%get3A_654] {strides = array<i32>} : memref<2048xi32, #tpu.memory_space<vmem>>, vector<16xi32>,
    %add3A_656 = arith.addi %add3A_653, %get3A_655 : vector<16xi32>
    %get3A_657 = arith.constant 400 : index
    %get3A_658 = tpu.vector_load %arg9[%get3A_657] {strides = array<i32>} : memref<2048xi32, #tpu.memory_space<vmem>>, vector<16xi32>,
    %add3A_659 = arith.addi %add3A_656, %get3A_658 : vector<16xi32>
    %get3A_660 = arith.constant 528 : index
    %get3A_661 = tpu.vector_load %arg9[%get3A_660] {strides = array<i32>} : memref<2048xi32, #tpu.memory_space<vmem>>, vector<16xi32>,
    %add3A_662 = arith.addi %add3A_659, %get3A_661 : vector<16xi32>
    %get3A_663 = arith.constant 656 : index
    %get3A_664 = tpu.vector_load %arg9[%get3A_663] {strides = array<i32>} : memref<2048xi32, #tpu.memory_space<vmem>>, vector<16xi32>,
    %add3A_665 = arith.addi %add3A_662, %get3A_664 : vector<16xi32>
    %get3A_666 = arith.constant 784 : index
    %get3A_667 = tpu.vector_load %arg9[%get3A_666] {strides = array<i32>} : memref<2048xi32, #tpu.memory_space<vmem>>, vector<16xi32>,
    %add3A_668 = arith.addi %add3A_665, %get3A_667 : vector<16xi32>
    %get3A_669 = arith.constant 912 : index
    %get3A_670 = tpu.vector_load %arg9[%get3A_669] {strides = array<i32>} : memref<2048xi32, #tpu.memory_space<vmem>>, vector<16xi32>,
    %add3A_671 = arith.addi %add3A_668, %get3A_670 : vector<16xi32>
    %get3A_672 = arith.constant 1040 : index
    %get3A_673 = tpu.vector_load %arg9[%get3A_672] {strides = array<i32>} : memref<2048xi32, #tpu.memory_space<vmem>>, vector<16xi32>,
    %add3A_674 = arith.addi %add3A_671, %get3A_673 : vector<16xi32>
    %get3A_675 = arith.constant 1168 : index
    %get3A_676 = tpu.vector_load %arg9[%get3A_675] {strides = array<i32>} : memref<2048xi32, #tpu.memory_space<vmem>>, vector<16xi32>,
    %add3A_677 = arith.addi %add3A_674, %get3A_676 : vector<16xi32>
    %get3A_678 = arith.constant 1296 : index
    %get3A_679 = tpu.vector_load %arg9[%get3A_678] {strides = array<i32>} : memref<2048xi32, #tpu.memory_space<vmem>>, vector<16xi32>,
    %add3A_680 = arith.addi %add3A_677, %get3A_679 : vector<16xi32>
    %get3A_681 = arith.constant 1424 : index
    %get3A_682 = tpu.vector_load %arg9[%get3A_681] {strides = array<i32>} : memref<2048xi32, #tpu.memory_space<vmem>>, vector<16xi32>,
    %add3A_683 = arith.addi %add3A_680, %get3A_682 : vector<16xi32>
    %get3A_684 = arith.constant 1552 : index
    %get3A_685 = tpu.vector_load %arg9[%get3A_684] {strides = array<i32>} : memref<2048xi32, #tpu.memory_space<vmem>>, vector<16xi32>,
    %add3A_686 = arith.addi %add3A_683, %get3A_685 : vector<16xi32>
    %get3A_687 = arith.constant 1680 : index
    %get3A_688 = tpu.vector_load %arg9[%get3A_687] {strides = array<i32>} : memref<2048xi32, #tpu.memory_space<vmem>>, vector<16xi32>,
    %add3A_689 = arith.addi %add3A_686, %get3A_688 : vector<16xi32>
    %get3A_690 = arith.constant 1808 : index
    %get3A_691 = tpu.vector_load %arg9[%get3A_690] {strides = array<i32>} : memref<2048xi32, #tpu.memory_space<vmem>>, vector<16xi32>,
    %add3A_692 = arith.addi %add3A_689, %get3A_691 : vector<16xi32>
    %get3A_693 = arith.constant 1936 : index
    %get3A_694 = tpu.vector_load %arg9[%get3A_693] {strides = array<i32>} : memref<2048xi32, #tpu.memory_space<vmem>>, vector<16xi32>,
    %add3A_695 = arith.addi %add3A_692, %get3A_694 : vector<16xi32>
    %swap3A_696 = arith.constant 16 : index
    %swap3A_697 = tpu.vector_load %arg10[%swap3A_696] {strides = array<i32>} : memref<128xi32, #tpu.memory_space<vmem>>, vector<16xi32>,
    tpu.vector_store %arg10[%swap3A_696], %add3A_695 {strides = array<i32>} : memref<128xi32, #tpu.memory_space<vmem>>, vector<16xi32>,
    %get3A_698 = arith.constant 32 : index
    %get3A_699 = tpu.vector_load %arg9[%get3A_698] {strides = array<i32>} : memref<2048xi32, #tpu.memory_space<vmem>>, vector<16xi32>,
    %add3A_700 = arith.addi %broadcast_in_dim3A_4, %get3A_699 : vector<16xi32>
    %get3A_701 = arith.constant 160 : index
    %get3A_702 = tpu.vector_load %arg9[%get3A_701] {strides = array<i32>} : memref<2048xi32, #tpu.memory_space<vmem>>, vector<16xi32>,
    %add3A_703 = arith.addi %add3A_700, %get3A_702 : vector<16xi32>
    %get3A_704 = arith.constant 288 : index
    %get3A_705 = tpu.vector_load %arg9[%get3A_704] {strides = array<i32>} : memref<2048xi32, #tpu.memory_space<vmem>>, vector<16xi32>,
    %add3A_706 = arith.addi %add3A_703, %get3A_705 : vector<16xi32>
    %get3A_707 = arith.constant 416 : index
    %get3A_708 = tpu.vector_load %arg9[%get3A_707] {strides = array<i32>} : memref<2048xi32, #tpu.memory_space<vmem>>, vector<16xi32>,
    %add3A_709 = arith.addi %add3A_706, %get3A_708 : vector<16xi32>
    %get3A_710 = arith.constant 544 : index
    %get3A_711 = tpu.vector_load %arg9[%get3A_710] {strides = array<i32>} : memref<2048xi32, #tpu.memory_space<vmem>>, vector<16xi32>,
    %add3A_712 = arith.addi %add3A_709, %get3A_711 : vector<16xi32>
    %get3A_713 = arith.constant 672 : index
    %get3A_714 = tpu.vector_load %arg9[%get3A_713] {strides = array<i32>} : memref<2048xi32, #tpu.memory_space<vmem>>, vector<16xi32>,
    %add3A_715 = arith.addi %add3A_712, %get3A_714 : vector<16xi32>
    %get3A_716 = arith.constant 800 : index
    %get3A_717 = tpu.vector_load %arg9[%get3A_716] {strides = array<i32>} : memref<2048xi32, #tpu.memory_space<vmem>>, vector<16xi32>,
    %add3A_718 = arith.addi %add3A_715, %get3A_717 : vector<16xi32>
    %get3A_719 = arith.constant 928 : index
    %get3A_720 = tpu.vector_load %arg9[%get3A_719] {strides = array<i32>} : memref<2048xi32, #tpu.memory_space<vmem>>, vector<16xi32>,
    %add3A_721 = arith.addi %add3A_718, %get3A_720 : vector<16xi32>
    %get3A_722 = arith.constant 1056 : index
    %get3A_723 = tpu.vector_load %arg9[%get3A_722] {strides = array<i32>} : memref<2048xi32, #tpu.memory_space<vmem>>, vector<16xi32>,
    %add3A_724 = arith.addi %add3A_721, %get3A_723 : vector<16xi32>
    %get3A_725 = arith.constant 1184 : index
    %get3A_726 = tpu.vector_load %arg9[%get3A_725] {strides = array<i32>} : memref<2048xi32, #tpu.memory_space<vmem>>, vector<16xi32>,
    %add3A_727 = arith.addi %add3A_724, %get3A_726 : vector<16xi32>
    %get3A_728 = arith.constant 1312 : index
    %get3A_729 = tpu.vector_load %arg9[%get3A_728] {strides = array<i32>} : memref<2048xi32, #tpu.memory_space<vmem>>, vector<16xi32>,
    %add3A_730 = arith.addi %add3A_727, %get3A_729 : vector<16xi32>
    %get3A_731 = arith.constant 1440 : index
    %get3A_732 = tpu.vector_load %arg9[%get3A_731] {strides = array<i32>} : memref<2048xi32, #tpu.memory_space<vmem>>, vector<16xi32>,
    %add3A_733 = arith.addi %add3A_730, %get3A_732 : vector<16xi32>
    %get3A_734 = arith.constant 1568 : index
    %get3A_735 = tpu.vector_load %arg9[%get3A_734] {strides = array<i32>} : memref<2048xi32, #tpu.memory_space<vmem>>, vector<16xi32>,
    %add3A_736 = arith.addi %add3A_733, %get3A_735 : vector<16xi32>
    %get3A_737 = arith.constant 1696 : index
    %get3A_738 = tpu.vector_load %arg9[%get3A_737] {strides = array<i32>} : memref<2048xi32, #tpu.memory_space<vmem>>, vector<16xi32>,
    %add3A_739 = arith.addi %add3A_736, %get3A_738 : vector<16xi32>
    %get3A_740 = arith.constant 1824 : index
    %get3A_741 = tpu.vector_load %arg9[%get3A_740] {strides = array<i32>} : memref<2048xi32, #tpu.memory_space<vmem>>, vector<16xi32>,
    %add3A_742 = arith.addi %add3A_739, %get3A_741 : vector<16xi32>
    %get3A_743 = arith.constant 1952 : index
    %get3A_744 = tpu.vector_load %arg9[%get3A_743] {strides = array<i32>} : memref<2048xi32, #tpu.memory_space<vmem>>, vector<16xi32>,
    %add3A_745 = arith.addi %add3A_742, %get3A_744 : vector<16xi32>
    %swap3A_746 = arith.constant 32 : index
    %swap3A_747 = tpu.vector_load %arg10[%swap3A_746] {strides = array<i32>} : memref<128xi32, #tpu.memory_space<vmem>>, vector<16xi32>,
    tpu.vector_store %arg10[%swap3A_746], %add3A_745 {strides = array<i32>} : memref<128xi32, #tpu.memory_space<vmem>>, vector<16xi32>,
    %get3A_748 = arith.constant 48 : index
    %get3A_749 = tpu.vector_load %arg9[%get3A_748] {strides = array<i32>} : memref<2048xi32, #tpu.memory_space<vmem>>, vector<16xi32>,
    %add3A_750 = arith.addi %broadcast_in_dim3A_4, %get3A_749 : vector<16xi32>
    %get3A_751 = arith.constant 176 : index
    %get3A_752 = tpu.vector_load %arg9[%get3A_751] {strides = array<i32>} : memref<2048xi32, #tpu.memory_space<vmem>>, vector<16xi32>,
    %add3A_753 = arith.addi %add3A_750, %get3A_752 : vector<16xi32>
    %get3A_754 = arith.constant 304 : index
    %get3A_755 = tpu.vector_load %arg9[%get3A_754] {strides = array<i32>} : memref<2048xi32, #tpu.memory_space<vmem>>, vector<16xi32>,
    %add3A_756 = arith.addi %add3A_753, %get3A_755 : vector<16xi32>
    %get3A_757 = arith.constant 432 : index
    %get3A_758 = tpu.vector_load %arg9[%get3A_757] {strides = array<i32>} : memref<2048xi32, #tpu.memory_space<vmem>>, vector<16xi32>,
    %add3A_759 = arith.addi %add3A_756, %get3A_758 : vector<16xi32>
    %get3A_760 = arith.constant 560 : index
    %get3A_761 = tpu.vector_load %arg9[%get3A_760] {strides = array<i32>} : memref<2048xi32, #tpu.memory_space<vmem>>, vector<16xi32>,
    %add3A_762 = arith.addi %add3A_759, %get3A_761 : vector<16xi32>
    %get3A_763 = arith.constant 688 : index
    %get3A_764 = tpu.vector_load %arg9[%get3A_763] {strides = array<i32>} : memref<2048xi32, #tpu.memory_space<vmem>>, vector<16xi32>,
    %add3A_765 = arith.addi %add3A_762, %get3A_764 : vector<16xi32>
    %get3A_766 = arith.constant 816 : index
    %get3A_767 = tpu.vector_load %arg9[%get3A_766] {strides = array<i32>} : memref<2048xi32, #tpu.memory_space<vmem>>, vector<16xi32>,
    %add3A_768 = arith.addi %add3A_765, %get3A_767 : vector<16xi32>
    %get3A_769 = arith.constant 944 : index
    %get3A_770 = tpu.vector_load %arg9[%get3A_769] {strides = array<i32>} : memref<2048xi32, #tpu.memory_space<vmem>>, vector<16xi32>,
    %add3A_771 = arith.addi %add3A_768, %get3A_770 : vector<16xi32>
    %get3A_772 = arith.constant 1072 : index
    %get3A_773 = tpu.vector_load %arg9[%get3A_772] {strides = array<i32>} : memref<2048xi32, #tpu.memory_space<vmem>>, vector<16xi32>,
    %add3A_774 = arith.addi %add3A_771, %get3A_773 : vector<16xi32>
    %get3A_775 = arith.constant 1200 : index
    %get3A_776 = tpu.vector_load %arg9[%get3A_775] {strides = array<i32>} : memref<2048xi32, #tpu.memory_space<vmem>>, vector<16xi32>,
    %add3A_777 = arith.addi %add3A_774, %get3A_776 : vector<16xi32>
    %get3A_778 = arith.constant 1328 : index
    %get3A_779 = tpu.vector_load %arg9[%get3A_778] {strides = array<i32>} : memref<2048xi32, #tpu.memory_space<vmem>>, vector<16xi32>,
    %add3A_780 = arith.addi %add3A_777, %get3A_779 : vector<16xi32>
    %get3A_781 = arith.constant 1456 : index
    %get3A_782 = tpu.vector_load %arg9[%get3A_781] {strides = array<i32>} : memref<2048xi32, #tpu.memory_space<vmem>>, vector<16xi32>,
    %add3A_783 = arith.addi %add3A_780, %get3A_782 : vector<16xi32>
    %get3A_784 = arith.constant 1584 : index
    %get3A_785 = tpu.vector_load %arg9[%get3A_784] {strides = array<i32>} : memref<2048xi32, #tpu.memory_space<vmem>>, vector<16xi32>,
    %add3A_786 = arith.addi %add3A_783, %get3A_785 : vector<16xi32>
    %get3A_787 = arith.constant 1712 : index
    %get3A_788 = tpu.vector_load %arg9[%get3A_787] {strides = array<i32>} : memref<2048xi32, #tpu.memory_space<vmem>>, vector<16xi32>,
    %add3A_789 = arith.addi %add3A_786, %get3A_788 : vector<16xi32>
    %get3A_790 = arith.constant 1840 : index
    %get3A_791 = tpu.vector_load %arg9[%get3A_790] {strides = array<i32>} : memref<2048xi32, #tpu.memory_space<vmem>>, vector<16xi32>,
    %add3A_792 = arith.addi %add3A_789, %get3A_791 : vector<16xi32>
    %get3A_793 = arith.constant 1968 : index
    %get3A_794 = tpu.vector_load %arg9[%get3A_793] {strides = array<i32>} : memref<2048xi32, #tpu.memory_space<vmem>>, vector<16xi32>,
    %add3A_795 = arith.addi %add3A_792, %get3A_794 : vector<16xi32>
    %swap3A_796 = arith.constant 48 : index
    %swap3A_797 = tpu.vector_load %arg10[%swap3A_796] {strides = array<i32>} : memref<128xi32, #tpu.memory_space<vmem>>, vector<16xi32>,
    tpu.vector_store %arg10[%swap3A_796], %add3A_795 {strides = array<i32>} : memref<128xi32, #tpu.memory_space<vmem>>, vector<16xi32>,
    %get3A_798 = arith.constant 64 : index
    %get3A_799 = tpu.vector_load %arg9[%get3A_798] {strides = array<i32>} : memref<2048xi32, #tpu.memory_space<vmem>>, vector<16xi32>,
    %add3A_800 = arith.addi %broadcast_in_dim3A_4, %get3A_799 : vector<16xi32>
    %get3A_801 = arith.constant 192 : index
    %get3A_802 = tpu.vector_load %arg9[%get3A_801] {strides = array<i32>} : memref<2048xi32, #tpu.memory_space<vmem>>, vector<16xi32>,
    %add3A_803 = arith.addi %add3A_800, %get3A_802 : vector<16xi32>
    %get3A_804 = arith.constant 320 : index
    %get3A_805 = tpu.vector_load %arg9[%get3A_804] {strides = array<i32>} : memref<2048xi32, #tpu.memory_space<vmem>>, vector<16xi32>,
    %add3A_806 = arith.addi %add3A_803, %get3A_805 : vector<16xi32>
    %get3A_807 = arith.constant 448 : index
    %get3A_808 = tpu.vector_load %arg9[%get3A_807] {strides = array<i32>} : memref<2048xi32, #tpu.memory_space<vmem>>, vector<16xi32>,
    %add3A_809 = arith.addi %add3A_806, %get3A_808 : vector<16xi32>
    %get3A_810 = arith.constant 576 : index
    %get3A_811 = tpu.vector_load %arg9[%get3A_810] {strides = array<i32>} : memref<2048xi32, #tpu.memory_space<vmem>>, vector<16xi32>,
    %add3A_812 = arith.addi %add3A_809, %get3A_811 : vector<16xi32>
    %get3A_813 = arith.constant 704 : index
    %get3A_814 = tpu.vector_load %arg9[%get3A_813] {strides = array<i32>} : memref<2048xi32, #tpu.memory_space<vmem>>, vector<16xi32>,
    %add3A_815 = arith.addi %add3A_812, %get3A_814 : vector<16xi32>
    %get3A_816 = arith.constant 832 : index
    %get3A_817 = tpu.vector_load %arg9[%get3A_816] {strides = array<i32>} : memref<2048xi32, #tpu.memory_space<vmem>>, vector<16xi32>,
    %add3A_818 = arith.addi %add3A_815, %get3A_817 : vector<16xi32>
    %get3A_819 = arith.constant 960 : index
    %get3A_820 = tpu.vector_load %arg9[%get3A_819] {strides = array<i32>} : memref<2048xi32, #tpu.memory_space<vmem>>, vector<16xi32>,
    %add3A_821 = arith.addi %add3A_818, %get3A_820 : vector<16xi32>
    %get3A_822 = arith.constant 1088 : index
    %get3A_823 = tpu.vector_load %arg9[%get3A_822] {strides = array<i32>} : memref<2048xi32, #tpu.memory_space<vmem>>, vector<16xi32>,
    %add3A_824 = arith.addi %add3A_821, %get3A_823 : vector<16xi32>
    %get3A_825 = arith.constant 1216 : index
    %get3A_826 = tpu.vector_load %arg9[%get3A_825] {strides = array<i32>} : memref<2048xi32, #tpu.memory_space<vmem>>, vector<16xi32>,
    %add3A_827 = arith.addi %add3A_824, %get3A_826 : vector<16xi32>
    %get3A_828 = arith.constant 1344 : index
    %get3A_829 = tpu.vector_load %arg9[%get3A_828] {strides = array<i32>} : memref<2048xi32, #tpu.memory_space<vmem>>, vector<16xi32>,
    %add3A_830 = arith.addi %add3A_827, %get3A_829 : vector<16xi32>
    %get3A_831 = arith.constant 1472 : index
    %get3A_832 = tpu.vector_load %arg9[%get3A_831] {strides = array<i32>} : memref<2048xi32, #tpu.memory_space<vmem>>, vector<16xi32>,
    %add3A_833 = arith.addi %add3A_830, %get3A_832 : vector<16xi32>
    %get3A_834 = arith.constant 1600 : index
    %get3A_835 = tpu.vector_load %arg9[%get3A_834] {strides = array<i32>} : memref<2048xi32, #tpu.memory_space<vmem>>, vector<16xi32>,
    %add3A_836 = arith.addi %add3A_833, %get3A_835 : vector<16xi32>
    %get3A_837 = arith.constant 1728 : index
    %get3A_838 = tpu.vector_load %arg9[%get3A_837] {strides = array<i32>} : memref<2048xi32, #tpu.memory_space<vmem>>, vector<16xi32>,
    %add3A_839 = arith.addi %add3A_836, %get3A_838 : vector<16xi32>
    %get3A_840 = arith.constant 1856 : index
    %get3A_841 = tpu.vector_load %arg9[%get3A_840] {strides = array<i32>} : memref<2048xi32, #tpu.memory_space<vmem>>, vector<16xi32>,
    %add3A_842 = arith.addi %add3A_839, %get3A_841 : vector<16xi32>
    %get3A_843 = arith.constant 1984 : index
    %get3A_844 = tpu.vector_load %arg9[%get3A_843] {strides = array<i32>} : memref<2048xi32, #tpu.memory_space<vmem>>, vector<16xi32>,
    %add3A_845 = arith.addi %add3A_842, %get3A_844 : vector<16xi32>
    %swap3A_846 = arith.constant 64 : index
    %swap3A_847 = tpu.vector_load %arg10[%swap3A_846] {strides = array<i32>} : memref<128xi32, #tpu.memory_space<vmem>>, vector<16xi32>,
    tpu.vector_store %arg10[%swap3A_846], %add3A_845 {strides = array<i32>} : memref<128xi32, #tpu.memory_space<vmem>>, vector<16xi32>,
    %get3A_848 = arith.constant 80 : index
    %get3A_849 = tpu.vector_load %arg9[%get3A_848] {strides = array<i32>} : memref<2048xi32, #tpu.memory_space<vmem>>, vector<16xi32>,
    %add3A_850 = arith.addi %broadcast_in_dim3A_4, %get3A_849 : vector<16xi32>
    %get3A_851 = arith.constant 208 : index
    %get3A_852 = tpu.vector_load %arg9[%get3A_851] {strides = array<i32>} : memref<2048xi32, #tpu.memory_space<vmem>>, vector<16xi32>,
    %add3A_853 = arith.addi %add3A_850, %get3A_852 : vector<16xi32>
    %get3A_854 = arith.constant 336 : index
    %get3A_855 = tpu.vector_load %arg9[%get3A_854] {strides = array<i32>} : memref<2048xi32, #tpu.memory_space<vmem>>, vector<16xi32>,
    %add3A_856 = arith.addi %add3A_853, %get3A_855 : vector<16xi32>
    %get3A_857 = arith.constant 464 : index
    %get3A_858 = tpu.vector_load %arg9[%get3A_857] {strides = array<i32>} : memref<2048xi32, #tpu.memory_space<vmem>>, vector<16xi32>,
    %add3A_859 = arith.addi %add3A_856, %get3A_858 : vector<16xi32>
    %get3A_860 = arith.constant 592 : index
    %get3A_861 = tpu.vector_load %arg9[%get3A_860] {strides = array<i32>} : memref<2048xi32, #tpu.memory_space<vmem>>, vector<16xi32>,
    %add3A_862 = arith.addi %add3A_859, %get3A_861 : vector<16xi32>
    %get3A_863 = arith.constant 720 : index
    %get3A_864 = tpu.vector_load %arg9[%get3A_863] {strides = array<i32>} : memref<2048xi32, #tpu.memory_space<vmem>>, vector<16xi32>,
    %add3A_865 = arith.addi %add3A_862, %get3A_864 : vector<16xi32>
    %get3A_866 = arith.constant 848 : index
    %get3A_867 = tpu.vector_load %arg9[%get3A_866] {strides = array<i32>} : memref<2048xi32, #tpu.memory_space<vmem>>, vector<16xi32>,
    %add3A_868 = arith.addi %add3A_865, %get3A_867 : vector<16xi32>
    %get3A_869 = arith.constant 976 : index
    %get3A_870 = tpu.vector_load %arg9[%get3A_869] {strides = array<i32>} : memref<2048xi32, #tpu.memory_space<vmem>>, vector<16xi32>,
    %add3A_871 = arith.addi %add3A_868, %get3A_870 : vector<16xi32>
    %get3A_872 = arith.constant 1104 : index
    %get3A_873 = tpu.vector_load %arg9[%get3A_872] {strides = array<i32>} : memref<2048xi32, #tpu.memory_space<vmem>>, vector<16xi32>,
    %add3A_874 = arith.addi %add3A_871, %get3A_873 : vector<16xi32>
    %get3A_875 = arith.constant 1232 : index
    %get3A_876 = tpu.vector_load %arg9[%get3A_875] {strides = array<i32>} : memref<2048xi32, #tpu.memory_space<vmem>>, vector<16xi32>,
    %add3A_877 = arith.addi %add3A_874, %get3A_876 : vector<16xi32>
    %get3A_878 = arith.constant 1360 : index
    %get3A_879 = tpu.vector_load %arg9[%get3A_878] {strides = array<i32>} : memref<2048xi32, #tpu.memory_space<vmem>>, vector<16xi32>,
    %add3A_880 = arith.addi %add3A_877, %get3A_879 : vector<16xi32>
    %get3A_881 = arith.constant 1488 : index
    %get3A_882 = tpu.vector_load %arg9[%get3A_881] {strides = array<i32>} : memref<2048xi32, #tpu.memory_space<vmem>>, vector<16xi32>,
    %add3A_883 = arith.addi %add3A_880, %get3A_882 : vector<16xi32>
    %get3A_884 = arith.constant 1616 : index
    %get3A_885 = tpu.vector_load %arg9[%get3A_884] {strides = array<i32>} : memref<2048xi32, #tpu.memory_space<vmem>>, vector<16xi32>,
    %add3A_886 = arith.addi %add3A_883, %get3A_885 : vector<16xi32>
    %get3A_887 = arith.constant 1744 : index
    %get3A_888 = tpu.vector_load %arg9[%get3A_887] {strides = array<i32>} : memref<2048xi32, #tpu.memory_space<vmem>>, vector<16xi32>,
    %add3A_889 = arith.addi %add3A_886, %get3A_888 : vector<16xi32>
    %get3A_890 = arith.constant 1872 : index
    %get3A_891 = tpu.vector_load %arg9[%get3A_890] {strides = array<i32>} : memref<2048xi32, #tpu.memory_space<vmem>>, vector<16xi32>,
    %add3A_892 = arith.addi %add3A_889, %get3A_891 : vector<16xi32>
    %get3A_893 = arith.constant 2000 : index
    %get3A_894 = tpu.vector_load %arg9[%get3A_893] {strides = array<i32>} : memref<2048xi32, #tpu.memory_space<vmem>>, vector<16xi32>,
    %add3A_895 = arith.addi %add3A_892, %get3A_894 : vector<16xi32>
    %swap3A_896 = arith.constant 80 : index
    %swap3A_897 = tpu.vector_load %arg10[%swap3A_896] {strides = array<i32>} : memref<128xi32, #tpu.memory_space<vmem>>, vector<16xi32>,
    tpu.vector_store %arg10[%swap3A_896], %add3A_895 {strides = array<i32>} : memref<128xi32, #tpu.memory_space<vmem>>, vector<16xi32>,
    %get3A_898 = arith.constant 96 : index
    %get3A_899 = tpu.vector_load %arg9[%get3A_898] {strides = array<i32>} : memref<2048xi32, #tpu.memory_space<vmem>>, vector<16xi32>,
    %add3A_900 = arith.addi %broadcast_in_dim3A_4, %get3A_899 : vector<16xi32>
    %get3A_901 = arith.constant 224 : index
    %get3A_902 = tpu.vector_load %arg9[%get3A_901] {strides = array<i32>} : memref<2048xi32, #tpu.memory_space<vmem>>, vector<16xi32>,
    %add3A_903 = arith.addi %add3A_900, %get3A_902 : vector<16xi32>
    %get3A_904 = arith.constant 352 : index
    %get3A_905 = tpu.vector_load %arg9[%get3A_904] {strides = array<i32>} : memref<2048xi32, #tpu.memory_space<vmem>>, vector<16xi32>,
    %add3A_906 = arith.addi %add3A_903, %get3A_905 : vector<16xi32>
    %get3A_907 = arith.constant 480 : index
    %get3A_908 = tpu.vector_load %arg9[%get3A_907] {strides = array<i32>} : memref<2048xi32, #tpu.memory_space<vmem>>, vector<16xi32>,
    %add3A_909 = arith.addi %add3A_906, %get3A_908 : vector<16xi32>
    %get3A_910 = arith.constant 608 : index
    %get3A_911 = tpu.vector_load %arg9[%get3A_910] {strides = array<i32>} : memref<2048xi32, #tpu.memory_space<vmem>>, vector<16xi32>,
    %add3A_912 = arith.addi %add3A_909, %get3A_911 : vector<16xi32>
    %get3A_913 = arith.constant 736 : index
    %get3A_914 = tpu.vector_load %arg9[%get3A_913] {strides = array<i32>} : memref<2048xi32, #tpu.memory_space<vmem>>, vector<16xi32>,
    %add3A_915 = arith.addi %add3A_912, %get3A_914 : vector<16xi32>
    %get3A_916 = arith.constant 864 : index
    %get3A_917 = tpu.vector_load %arg9[%get3A_916] {strides = array<i32>} : memref<2048xi32, #tpu.memory_space<vmem>>, vector<16xi32>,
    %add3A_918 = arith.addi %add3A_915, %get3A_917 : vector<16xi32>
    %get3A_919 = arith.constant 992 : index
    %get3A_920 = tpu.vector_load %arg9[%get3A_919] {strides = array<i32>} : memref<2048xi32, #tpu.memory_space<vmem>>, vector<16xi32>,
    %add3A_921 = arith.addi %add3A_918, %get3A_920 : vector<16xi32>
    %get3A_922 = arith.constant 1120 : index
    %get3A_923 = tpu.vector_load %arg9[%get3A_922] {strides = array<i32>} : memref<2048xi32, #tpu.memory_space<vmem>>, vector<16xi32>,
    %add3A_924 = arith.addi %add3A_921, %get3A_923 : vector<16xi32>
    %get3A_925 = arith.constant 1248 : index
    %get3A_926 = tpu.vector_load %arg9[%get3A_925] {strides = array<i32>} : memref<2048xi32, #tpu.memory_space<vmem>>, vector<16xi32>,
    %add3A_927 = arith.addi %add3A_924, %get3A_926 : vector<16xi32>
    %get3A_928 = arith.constant 1376 : index
    %get3A_929 = tpu.vector_load %arg9[%get3A_928] {strides = array<i32>} : memref<2048xi32, #tpu.memory_space<vmem>>, vector<16xi32>,
    %add3A_930 = arith.addi %add3A_927, %get3A_929 : vector<16xi32>
    %get3A_931 = arith.constant 1504 : index
    %get3A_932 = tpu.vector_load %arg9[%get3A_931] {strides = array<i32>} : memref<2048xi32, #tpu.memory_space<vmem>>, vector<16xi32>,
    %add3A_933 = arith.addi %add3A_930, %get3A_932 : vector<16xi32>
    %get3A_934 = arith.constant 1632 : index
    %get3A_935 = tpu.vector_load %arg9[%get3A_934] {strides = array<i32>} : memref<2048xi32, #tpu.memory_space<vmem>>, vector<16xi32>,
    %add3A_936 = arith.addi %add3A_933, %get3A_935 : vector<16xi32>
    %get3A_937 = arith.constant 1760 : index
    %get3A_938 = tpu.vector_load %arg9[%get3A_937] {strides = array<i32>} : memref<2048xi32, #tpu.memory_space<vmem>>, vector<16xi32>,
    %add3A_939 = arith.addi %add3A_936, %get3A_938 : vector<16xi32>
    %get3A_940 = arith.constant 1888 : index
    %get3A_941 = tpu.vector_load %arg9[%get3A_940] {strides = array<i32>} : memref<2048xi32, #tpu.memory_space<vmem>>, vector<16xi32>,
    %add3A_942 = arith.addi %add3A_939, %get3A_941 : vector<16xi32>
    %get3A_943 = arith.constant 2016 : index
    %get3A_944 = tpu.vector_load %arg9[%get3A_943] {strides = array<i32>} : memref<2048xi32, #tpu.memory_space<vmem>>, vector<16xi32>,
    %add3A_945 = arith.addi %add3A_942, %get3A_944 : vector<16xi32>
    %swap3A_946 = arith.constant 96 : index
    %swap3A_947 = tpu.vector_load %arg10[%swap3A_946] {strides = array<i32>} : memref<128xi32, #tpu.memory_space<vmem>>, vector<16xi32>,
    tpu.vector_store %arg10[%swap3A_946], %add3A_945 {strides = array<i32>} : memref<128xi32, #tpu.memory_space<vmem>>, vector<16xi32>,
    %get3A_948 = arith.constant 112 : index
    %get3A_949 = tpu.vector_load %arg9[%get3A_948] {strides = array<i32>} : memref<2048xi32, #tpu.memory_space<vmem>>, vector<16xi32>,
    %add3A_950 = arith.addi %broadcast_in_dim3A_4, %get3A_949 : vector<16xi32>
    %get3A_951 = arith.constant 240 : index
    %get3A_952 = tpu.vector_load %arg9[%get3A_951] {strides = array<i32>} : memref<2048xi32, #tpu.memory_space<vmem>>, vector<16xi32>,
    %add3A_953 = arith.addi %add3A_950, %get3A_952 : vector<16xi32>
    %get3A_954 = arith.constant 368 : index
    %get3A_955 = tpu.vector_load %arg9[%get3A_954] {strides = array<i32>} : memref<2048xi32, #tpu.memory_space<vmem>>, vector<16xi32>,
    %add3A_956 = arith.addi %add3A_953, %get3A_955 : vector<16xi32>
    %get3A_957 = arith.constant 496 : index
    %get3A_958 = tpu.vector_load %arg9[%get3A_957] {strides = array<i32>} : memref<2048xi32, #tpu.memory_space<vmem>>, vector<16xi32>,
    %add3A_959 = arith.addi %add3A_956, %get3A_958 : vector<16xi32>
    %get3A_960 = arith.constant 624 : index
    %get3A_961 = tpu.vector_load %arg9[%get3A_960] {strides = array<i32>} : memref<2048xi32, #tpu.memory_space<vmem>>, vector<16xi32>,
    %add3A_962 = arith.addi %add3A_959, %get3A_961 : vector<16xi32>
    %get3A_963 = arith.constant 752 : index
    %get3A_964 = tpu.vector_load %arg9[%get3A_963] {strides = array<i32>} : memref<2048xi32, #tpu.memory_space<vmem>>, vector<16xi32>,
    %add3A_965 = arith.addi %add3A_962, %get3A_964 : vector<16xi32>
    %get3A_966 = arith.constant 880 : index
    %get3A_967 = tpu.vector_load %arg9[%get3A_966] {strides = array<i32>} : memref<2048xi32, #tpu.memory_space<vmem>>, vector<16xi32>,
    %add3A_968 = arith.addi %add3A_965, %get3A_967 : vector<16xi32>
    %get3A_969 = arith.constant 1008 : index
    %get3A_970 = tpu.vector_load %arg9[%get3A_969] {strides = array<i32>} : memref<2048xi32, #tpu.memory_space<vmem>>, vector<16xi32>,
    %add3A_971 = arith.addi %add3A_968, %get3A_970 : vector<16xi32>
    %get3A_972 = arith.constant 1136 : index
    %get3A_973 = tpu.vector_load %arg9[%get3A_972] {strides = array<i32>} : memref<2048xi32, #tpu.memory_space<vmem>>, vector<16xi32>,
    %add3A_974 = arith.addi %add3A_971, %get3A_973 : vector<16xi32>
    %get3A_975 = arith.constant 1264 : index
    %get3A_976 = tpu.vector_load %arg9[%get3A_975] {strides = array<i32>} : memref<2048xi32, #tpu.memory_space<vmem>>, vector<16xi32>,
    %add3A_977 = arith.addi %add3A_974, %get3A_976 : vector<16xi32>
    %get3A_978 = arith.constant 1392 : index
    %get3A_979 = tpu.vector_load %arg9[%get3A_978] {strides = array<i32>} : memref<2048xi32, #tpu.memory_space<vmem>>, vector<16xi32>,
    %add3A_980 = arith.addi %add3A_977, %get3A_979 : vector<16xi32>
    %get3A_981 = arith.constant 1520 : index
    %get3A_982 = tpu.vector_load %arg9[%get3A_981] {strides = array<i32>} : memref<2048xi32, #tpu.memory_space<vmem>>, vector<16xi32>,
    %add3A_983 = arith.addi %add3A_980, %get3A_982 : vector<16xi32>
    %get3A_984 = arith.constant 1648 : index
    %get3A_985 = tpu.vector_load %arg9[%get3A_984] {strides = array<i32>} : memref<2048xi32, #tpu.memory_space<vmem>>, vector<16xi32>,
    %add3A_986 = arith.addi %add3A_983, %get3A_985 : vector<16xi32>
    %get3A_987 = arith.constant 1776 : index
    %get3A_988 = tpu.vector_load %arg9[%get3A_987] {strides = array<i32>} : memref<2048xi32, #tpu.memory_space<vmem>>, vector<16xi32>,
    %add3A_989 = arith.addi %add3A_986, %get3A_988 : vector<16xi32>
    %get3A_990 = arith.constant 1904 : index
    %get3A_991 = tpu.vector_load %arg9[%get3A_990] {strides = array<i32>} : memref<2048xi32, #tpu.memory_space<vmem>>, vector<16xi32>,
    %add3A_992 = arith.addi %add3A_989, %get3A_991 : vector<16xi32>
    %get3A_993 = arith.constant 2032 : index
    %get3A_994 = tpu.vector_load %arg9[%get3A_993] {strides = array<i32>} : memref<2048xi32, #tpu.memory_space<vmem>>, vector<16xi32>,
    %add3A_995 = arith.addi %add3A_992, %get3A_994 : vector<16xi32>
    %swap3A_996 = arith.constant 112 : index
    %swap3A_997 = tpu.vector_load %arg10[%swap3A_996] {strides = array<i32>} : memref<128xi32, #tpu.memory_space<vmem>>, vector<16xi32>,
    tpu.vector_store %arg10[%swap3A_996], %add3A_995 {strides = array<i32>} : memref<128xi32, #tpu.memory_space<vmem>>, vector<16xi32>,
    "tpu.region"() ({
      %run_scoped3A = tpu.sem_alloc : memref<!tpu.dma_semaphore, #tpu.memory_space<semaphore_mem>>
      %dma_start3A_1003 = arith.constant 0 : i32
      %dma_start3A_1004 = tpu.memref_slice %arg13[%arg1, %dma_start3A_1003] : memref<16x128xi32, #tpu.memory_space<vmem_shared>> -> memref<1x128xi32, #tpu.memory_space<vmem_shared>>
      %dma_start3A_1005 = tpu.memref_squeeze %dma_start3A_1004 : memref<1x128xi32, #tpu.memory_space<vmem_shared>> -> memref<128xi32, #tpu.memory_space<vmem_shared>>
      %dma_start3A_1006 = arith.constant 0 : i32
      %dma_start3A_1007 = tpu.memref_slice %arg13[%arg1, %dma_start3A_1006] : memref<16x128xi32, #tpu.memory_space<vmem_shared>> -> memref<1x128xi32, #tpu.memory_space<vmem_shared>>
      %dma_start3A_1008 = tpu.memref_squeeze %dma_start3A_1007 : memref<1x128xi32, #tpu.memory_space<vmem_shared>> -> memref<128xi32, #tpu.memory_space<vmem_shared>>
      tpu.enqueue_dma source(%arg10 : memref<128xi32, #tpu.memory_space<vmem>>) target(%dma_start3A_1008 : memref<128xi32, #tpu.memory_space<vmem_shared>>) target_semaphore(%run_scoped3A : memref<!tpu.dma_semaphore, #tpu.memory_space<semaphore_mem>>)
      %dma_wait3A_1009 = arith.constant 0 : i32
      %dma_wait3A_1010 = tpu.memref_slice %arg13[%arg1, %dma_wait3A_1009] : memref<16x128xi32, #tpu.memory_space<vmem_shared>> -> memref<1x128xi32, #tpu.memory_space<vmem_shared>>
      %dma_wait3A_1011 = tpu.memref_squeeze %dma_wait3A_1010 : memref<1x128xi32, #tpu.memory_space<vmem_shared>> -> memref<128xi32, #tpu.memory_space<vmem_shared>>
      %dma_wait3A_1012 = arith.constant 0 : i32
      %dma_wait3A_1013 = tpu.memref_slice %arg13[%arg1, %dma_wait3A_1012] : memref<16x128xi32, #tpu.memory_space<vmem_shared>> -> memref<1x128xi32, #tpu.memory_space<vmem_shared>>
      %dma_wait3A_1014 = tpu.memref_squeeze %dma_wait3A_1013 : memref<1x128xi32, #tpu.memory_space<vmem_shared>> -> memref<128xi32, #tpu.memory_space<vmem_shared>>
      tpu.wait_dma2 semaphore(%run_scoped3A : memref<!tpu.dma_semaphore, #tpu.memory_space<semaphore_mem>>) src(%arg10 : memref<128xi32, #tpu.memory_space<vmem>>) dst(%dma_wait3A_1014 : memref<128xi32, #tpu.memory_space<vmem_shared>>)
      tpu.yield
    }) : () -> ()
    %barrier3A = arith.constant 0 : index
    tpu.barrier barrier_id(%barrier3A)
    %lt3A_998 = arith.constant 8 : i32
    %lt3A_999 = arith.cmpi slt, %arg1, %lt3A_998 : i32
    %convert_element_type3A_1000 = arith.extui %lt3A_999 : i1 to i32
    %cond3A_1001 = arith.constant 0 : i32
    %cond3A_1002 = arith.cmpi ne, %convert_element_type3A_1000, %cond3A_1001 : i32
    scf.if %cond3A_1002 {
      %mul3A_1003 = arith.constant 16 : i32
      %mul3A_1004 = arith.muli %arg1, %mul3A_1003 : i32
      %run_scoped3A = arith.constant 0 : i32
      %run_scoped3A_1005 = arith.constant 0 : i32
      "tpu.region"() ({
        %run_scoped3A_1150 = tpu.sem_alloc : memref<!tpu.dma_semaphore, #tpu.memory_space<semaphore_mem>>
        %dma_start3A_1151 = arith.constant 0 : i32
        %dma_start3A_1152 = tpu.memref_slice %arg11[%run_scoped3A_1005, %dma_start3A_1151] : memref<16x16xi32, #tpu.memory_space<vmem>> -> memref<1x16xi32, #tpu.memory_space<vmem>>
        %dma_start3A_1153 = tpu.memref_squeeze %dma_start3A_1152 : memref<1x16xi32, #tpu.memory_space<vmem>> -> memref<16xi32, #tpu.memory_space<vmem>>
        %dma_start3A_1154 = tpu.memref_slice %arg13[%run_scoped3A, %mul3A_1004] : memref<16x128xi32, #tpu.memory_space<vmem_shared>> -> memref<1x16xi32, #tpu.memory_space<vmem_shared>>
        %dma_start3A_1155 = tpu.memref_squeeze %dma_start3A_1154 : memref<1x16xi32, #tpu.memory_space<vmem_shared>> -> memref<16xi32, #tpu.memory_space<vmem_shared>>
        %dma_start3A_1156 = arith.constant 0 : i32
        %dma_start3A_1157 = tpu.memref_slice %arg11[%run_scoped3A_1005, %dma_start3A_1156] : memref<16x16xi32, #tpu.memory_space<vmem>> -> memref<1x16xi32, #tpu.memory_space<vmem>>
        %dma_start3A_1158 = tpu.memref_squeeze %dma_start3A_1157 : memref<1x16xi32, #tpu.memory_space<vmem>> -> memref<16xi32, #tpu.memory_space<vmem>>
        %dma_start3A_1159 = tpu.memref_slice %arg13[%run_scoped3A, %mul3A_1004] : memref<16x128xi32, #tpu.memory_space<vmem_shared>> -> memref<1x16xi32, #tpu.memory_space<vmem_shared>>
        %dma_start3A_1160 = tpu.memref_squeeze %dma_start3A_1159 : memref<1x16xi32, #tpu.memory_space<vmem_shared>> -> memref<16xi32, #tpu.memory_space<vmem_shared>>
        tpu.enqueue_dma source(%dma_start3A_1160 : memref<16xi32, #tpu.memory_space<vmem_shared>>) target(%dma_start3A_1158 : memref<16xi32, #tpu.memory_space<vmem>>) target_semaphore(%run_scoped3A_1150 : memref<!tpu.dma_semaphore, #tpu.memory_space<semaphore_mem>>)
        %dma_wait3A_1161 = arith.constant 0 : i32
        %dma_wait3A_1162 = tpu.memref_slice %arg11[%run_scoped3A_1005, %dma_wait3A_1161] : memref<16x16xi32, #tpu.memory_space<vmem>> -> memref<1x16xi32, #tpu.memory_space<vmem>>
        %dma_wait3A_1163 = tpu.memref_squeeze %dma_wait3A_1162 : memref<1x16xi32, #tpu.memory_space<vmem>> -> memref<16xi32, #tpu.memory_space<vmem>>
        %dma_wait3A_1164 = tpu.memref_slice %arg13[%run_scoped3A, %mul3A_1004] : memref<16x128xi32, #tpu.memory_space<vmem_shared>> -> memref<1x16xi32, #tpu.memory_space<vmem_shared>>
        %dma_wait3A_1165 = tpu.memref_squeeze %dma_wait3A_1164 : memref<1x16xi32, #tpu.memory_space<vmem_shared>> -> memref<16xi32, #tpu.memory_space<vmem_shared>>
        %dma_wait3A_1166 = arith.constant 0 : i32
        %dma_wait3A_1167 = tpu.memref_slice %arg11[%run_scoped3A_1005, %dma_wait3A_1166] : memref<16x16xi32, #tpu.memory_space<vmem>> -> memref<1x16xi32, #tpu.memory_space<vmem>>
        %dma_wait3A_1168 = tpu.memref_squeeze %dma_wait3A_1167 : memref<1x16xi32, #tpu.memory_space<vmem>> -> memref<16xi32, #tpu.memory_space<vmem>>
        %dma_wait3A_1169 = tpu.memref_slice %arg13[%run_scoped3A, %mul3A_1004] : memref<16x128xi32, #tpu.memory_space<vmem_shared>> -> memref<1x16xi32, #tpu.memory_space<vmem_shared>>
        %dma_wait3A_1170 = tpu.memref_squeeze %dma_wait3A_1169 : memref<1x16xi32, #tpu.memory_space<vmem_shared>> -> memref<16xi32, #tpu.memory_space<vmem_shared>>
        tpu.wait_dma2 semaphore(%run_scoped3A_1150 : memref<!tpu.dma_semaphore, #tpu.memory_space<semaphore_mem>>) src(%dma_wait3A_1170 : memref<16xi32, #tpu.memory_space<vmem_shared>>) dst(%dma_wait3A_1168 : memref<16xi32, #tpu.memory_space<vmem>>)
        tpu.yield
      }) : () -> ()
      %mul3A_1006 = arith.constant 16 : i32
      %mul3A_1007 = arith.muli %arg1, %mul3A_1006 : i32
      %run_scoped3A_1008 = arith.constant 1 : i32
      %run_scoped3A_1009 = arith.constant 1 : i32
      "tpu.region"() ({
        %run_scoped3A_1150 = tpu.sem_alloc : memref<!tpu.dma_semaphore, #tpu.memory_space<semaphore_mem>>
        %dma_start3A_1151 = arith.constant 0 : i32
        %dma_start3A_1152 = tpu.memref_slice %arg11[%run_scoped3A_1009, %dma_start3A_1151] : memref<16x16xi32, #tpu.memory_space<vmem>> -> memref<1x16xi32, #tpu.memory_space<vmem>>
        %dma_start3A_1153 = tpu.memref_squeeze %dma_start3A_1152 : memref<1x16xi32, #tpu.memory_space<vmem>> -> memref<16xi32, #tpu.memory_space<vmem>>
        %dma_start3A_1154 = tpu.memref_slice %arg13[%run_scoped3A_1008, %mul3A_1007] : memref<16x128xi32, #tpu.memory_space<vmem_shared>> -> memref<1x16xi32, #tpu.memory_space<vmem_shared>>
        %dma_start3A_1155 = tpu.memref_squeeze %dma_start3A_1154 : memref<1x16xi32, #tpu.memory_space<vmem_shared>> -> memref<16xi32, #tpu.memory_space<vmem_shared>>
        %dma_start3A_1156 = arith.constant 0 : i32
        %dma_start3A_1157 = tpu.memref_slice %arg11[%run_scoped3A_1009, %dma_start3A_1156] : memref<16x16xi32, #tpu.memory_space<vmem>> -> memref<1x16xi32, #tpu.memory_space<vmem>>
        %dma_start3A_1158 = tpu.memref_squeeze %dma_start3A_1157 : memref<1x16xi32, #tpu.memory_space<vmem>> -> memref<16xi32, #tpu.memory_space<vmem>>
        %dma_start3A_1159 = tpu.memref_slice %arg13[%run_scoped3A_1008, %mul3A_1007] : memref<16x128xi32, #tpu.memory_space<vmem_shared>> -> memref<1x16xi32, #tpu.memory_space<vmem_shared>>
        %dma_start3A_1160 = tpu.memref_squeeze %dma_start3A_1159 : memref<1x16xi32, #tpu.memory_space<vmem_shared>> -> memref<16xi32, #tpu.memory_space<vmem_shared>>
        tpu.enqueue_dma source(%dma_start3A_1160 : memref<16xi32, #tpu.memory_space<vmem_shared>>) target(%dma_start3A_1158 : memref<16xi32, #tpu.memory_space<vmem>>) target_semaphore(%run_scoped3A_1150 : memref<!tpu.dma_semaphore, #tpu.memory_space<semaphore_mem>>)
        %dma_wait3A_1161 = arith.constant 0 : i32
        %dma_wait3A_1162 = tpu.memref_slice %arg11[%run_scoped3A_1009, %dma_wait3A_1161] : memref<16x16xi32, #tpu.memory_space<vmem>> -> memref<1x16xi32, #tpu.memory_space<vmem>>
        %dma_wait3A_1163 = tpu.memref_squeeze %dma_wait3A_1162 : memref<1x16xi32, #tpu.memory_space<vmem>> -> memref<16xi32, #tpu.memory_space<vmem>>
        %dma_wait3A_1164 = tpu.memref_slice %arg13[%run_scoped3A_1008, %mul3A_1007] : memref<16x128xi32, #tpu.memory_space<vmem_shared>> -> memref<1x16xi32, #tpu.memory_space<vmem_shared>>
        %dma_wait3A_1165 = tpu.memref_squeeze %dma_wait3A_1164 : memref<1x16xi32, #tpu.memory_space<vmem_shared>> -> memref<16xi32, #tpu.memory_space<vmem_shared>>
        %dma_wait3A_1166 = arith.constant 0 : i32
        %dma_wait3A_1167 = tpu.memref_slice %arg11[%run_scoped3A_1009, %dma_wait3A_1166] : memref<16x16xi32, #tpu.memory_space<vmem>> -> memref<1x16xi32, #tpu.memory_space<vmem>>
        %dma_wait3A_1168 = tpu.memref_squeeze %dma_wait3A_1167 : memref<1x16xi32, #tpu.memory_space<vmem>> -> memref<16xi32, #tpu.memory_space<vmem>>
        %dma_wait3A_1169 = tpu.memref_slice %arg13[%run_scoped3A_1008, %mul3A_1007] : memref<16x128xi32, #tpu.memory_space<vmem_shared>> -> memref<1x16xi32, #tpu.memory_space<vmem_shared>>
        %dma_wait3A_1170 = tpu.memref_squeeze %dma_wait3A_1169 : memref<1x16xi32, #tpu.memory_space<vmem_shared>> -> memref<16xi32, #tpu.memory_space<vmem_shared>>
        tpu.wait_dma2 semaphore(%run_scoped3A_1150 : memref<!tpu.dma_semaphore, #tpu.memory_space<semaphore_mem>>) src(%dma_wait3A_1170 : memref<16xi32, #tpu.memory_space<vmem_shared>>) dst(%dma_wait3A_1168 : memref<16xi32, #tpu.memory_space<vmem>>)
        tpu.yield
      }) : () -> ()
      %mul3A_1010 = arith.constant 16 : i32
      %mul3A_1011 = arith.muli %arg1, %mul3A_1010 : i32
      %run_scoped3A_1012 = arith.constant 2 : i32
      %run_scoped3A_1013 = arith.constant 2 : i32
      "tpu.region"() ({
        %run_scoped3A_1150 = tpu.sem_alloc : memref<!tpu.dma_semaphore, #tpu.memory_space<semaphore_mem>>
        %dma_start3A_1151 = arith.constant 0 : i32
        %dma_start3A_1152 = tpu.memref_slice %arg11[%run_scoped3A_1013, %dma_start3A_1151] : memref<16x16xi32, #tpu.memory_space<vmem>> -> memref<1x16xi32, #tpu.memory_space<vmem>>
        %dma_start3A_1153 = tpu.memref_squeeze %dma_start3A_1152 : memref<1x16xi32, #tpu.memory_space<vmem>> -> memref<16xi32, #tpu.memory_space<vmem>>
        %dma_start3A_1154 = tpu.memref_slice %arg13[%run_scoped3A_1012, %mul3A_1011] : memref<16x128xi32, #tpu.memory_space<vmem_shared>> -> memref<1x16xi32, #tpu.memory_space<vmem_shared>>
        %dma_start3A_1155 = tpu.memref_squeeze %dma_start3A_1154 : memref<1x16xi32, #tpu.memory_space<vmem_shared>> -> memref<16xi32, #tpu.memory_space<vmem_shared>>
        %dma_start3A_1156 = arith.constant 0 : i32
        %dma_start3A_1157 = tpu.memref_slice %arg11[%run_scoped3A_1013, %dma_start3A_1156] : memref<16x16xi32, #tpu.memory_space<vmem>> -> memref<1x16xi32, #tpu.memory_space<vmem>>
        %dma_start3A_1158 = tpu.memref_squeeze %dma_start3A_1157 : memref<1x16xi32, #tpu.memory_space<vmem>> -> memref<16xi32, #tpu.memory_space<vmem>>
        %dma_start3A_1159 = tpu.memref_slice %arg13[%run_scoped3A_1012, %mul3A_1011] : memref<16x128xi32, #tpu.memory_space<vmem_shared>> -> memref<1x16xi32, #tpu.memory_space<vmem_shared>>
        %dma_start3A_1160 = tpu.memref_squeeze %dma_start3A_1159 : memref<1x16xi32, #tpu.memory_space<vmem_shared>> -> memref<16xi32, #tpu.memory_space<vmem_shared>>
        tpu.enqueue_dma source(%dma_start3A_1160 : memref<16xi32, #tpu.memory_space<vmem_shared>>) target(%dma_start3A_1158 : memref<16xi32, #tpu.memory_space<vmem>>) target_semaphore(%run_scoped3A_1150 : memref<!tpu.dma_semaphore, #tpu.memory_space<semaphore_mem>>)
        %dma_wait3A_1161 = arith.constant 0 : i32
        %dma_wait3A_1162 = tpu.memref_slice %arg11[%run_scoped3A_1013, %dma_wait3A_1161] : memref<16x16xi32, #tpu.memory_space<vmem>> -> memref<1x16xi32, #tpu.memory_space<vmem>>
        %dma_wait3A_1163 = tpu.memref_squeeze %dma_wait3A_1162 : memref<1x16xi32, #tpu.memory_space<vmem>> -> memref<16xi32, #tpu.memory_space<vmem>>
        %dma_wait3A_1164 = tpu.memref_slice %arg13[%run_scoped3A_1012, %mul3A_1011] : memref<16x128xi32, #tpu.memory_space<vmem_shared>> -> memref<1x16xi32, #tpu.memory_space<vmem_shared>>
        %dma_wait3A_1165 = tpu.memref_squeeze %dma_wait3A_1164 : memref<1x16xi32, #tpu.memory_space<vmem_shared>> -> memref<16xi32, #tpu.memory_space<vmem_shared>>
        %dma_wait3A_1166 = arith.constant 0 : i32
        %dma_wait3A_1167 = tpu.memref_slice %arg11[%run_scoped3A_1013, %dma_wait3A_1166] : memref<16x16xi32, #tpu.memory_space<vmem>> -> memref<1x16xi32, #tpu.memory_space<vmem>>
        %dma_wait3A_1168 = tpu.memref_squeeze %dma_wait3A_1167 : memref<1x16xi32, #tpu.memory_space<vmem>> -> memref<16xi32, #tpu.memory_space<vmem>>
        %dma_wait3A_1169 = tpu.memref_slice %arg13[%run_scoped3A_1012, %mul3A_1011] : memref<16x128xi32, #tpu.memory_space<vmem_shared>> -> memref<1x16xi32, #tpu.memory_space<vmem_shared>>
        %dma_wait3A_1170 = tpu.memref_squeeze %dma_wait3A_1169 : memref<1x16xi32, #tpu.memory_space<vmem_shared>> -> memref<16xi32, #tpu.memory_space<vmem_shared>>
        tpu.wait_dma2 semaphore(%run_scoped3A_1150 : memref<!tpu.dma_semaphore, #tpu.memory_space<semaphore_mem>>) src(%dma_wait3A_1170 : memref<16xi32, #tpu.memory_space<vmem_shared>>) dst(%dma_wait3A_1168 : memref<16xi32, #tpu.memory_space<vmem>>)
        tpu.yield
      }) : () -> ()
      %mul3A_1014 = arith.constant 16 : i32
      %mul3A_1015 = arith.muli %arg1, %mul3A_1014 : i32
      %run_scoped3A_1016 = arith.constant 3 : i32
      %run_scoped3A_1017 = arith.constant 3 : i32
      "tpu.region"() ({
        %run_scoped3A_1150 = tpu.sem_alloc : memref<!tpu.dma_semaphore, #tpu.memory_space<semaphore_mem>>
        %dma_start3A_1151 = arith.constant 0 : i32
        %dma_start3A_1152 = tpu.memref_slice %arg11[%run_scoped3A_1017, %dma_start3A_1151] : memref<16x16xi32, #tpu.memory_space<vmem>> -> memref<1x16xi32, #tpu.memory_space<vmem>>
        %dma_start3A_1153 = tpu.memref_squeeze %dma_start3A_1152 : memref<1x16xi32, #tpu.memory_space<vmem>> -> memref<16xi32, #tpu.memory_space<vmem>>
        %dma_start3A_1154 = tpu.memref_slice %arg13[%run_scoped3A_1016, %mul3A_1015] : memref<16x128xi32, #tpu.memory_space<vmem_shared>> -> memref<1x16xi32, #tpu.memory_space<vmem_shared>>
        %dma_start3A_1155 = tpu.memref_squeeze %dma_start3A_1154 : memref<1x16xi32, #tpu.memory_space<vmem_shared>> -> memref<16xi32, #tpu.memory_space<vmem_shared>>
        %dma_start3A_1156 = arith.constant 0 : i32
        %dma_start3A_1157 = tpu.memref_slice %arg11[%run_scoped3A_1017, %dma_start3A_1156] : memref<16x16xi32, #tpu.memory_space<vmem>> -> memref<1x16xi32, #tpu.memory_space<vmem>>
        %dma_start3A_1158 = tpu.memref_squeeze %dma_start3A_1157 : memref<1x16xi32, #tpu.memory_space<vmem>> -> memref<16xi32, #tpu.memory_space<vmem>>
        %dma_start3A_1159 = tpu.memref_slice %arg13[%run_scoped3A_1016, %mul3A_1015] : memref<16x128xi32, #tpu.memory_space<vmem_shared>> -> memref<1x16xi32, #tpu.memory_space<vmem_shared>>
        %dma_start3A_1160 = tpu.memref_squeeze %dma_start3A_1159 : memref<1x16xi32, #tpu.memory_space<vmem_shared>> -> memref<16xi32, #tpu.memory_space<vmem_shared>>
        tpu.enqueue_dma source(%dma_start3A_1160 : memref<16xi32, #tpu.memory_space<vmem_shared>>) target(%dma_start3A_1158 : memref<16xi32, #tpu.memory_space<vmem>>) target_semaphore(%run_scoped3A_1150 : memref<!tpu.dma_semaphore, #tpu.memory_space<semaphore_mem>>)
        %dma_wait3A_1161 = arith.constant 0 : i32
        %dma_wait3A_1162 = tpu.memref_slice %arg11[%run_scoped3A_1017, %dma_wait3A_1161] : memref<16x16xi32, #tpu.memory_space<vmem>> -> memref<1x16xi32, #tpu.memory_space<vmem>>
        %dma_wait3A_1163 = tpu.memref_squeeze %dma_wait3A_1162 : memref<1x16xi32, #tpu.memory_space<vmem>> -> memref<16xi32, #tpu.memory_space<vmem>>
        %dma_wait3A_1164 = tpu.memref_slice %arg13[%run_scoped3A_1016, %mul3A_1015] : memref<16x128xi32, #tpu.memory_space<vmem_shared>> -> memref<1x16xi32, #tpu.memory_space<vmem_shared>>
        %dma_wait3A_1165 = tpu.memref_squeeze %dma_wait3A_1164 : memref<1x16xi32, #tpu.memory_space<vmem_shared>> -> memref<16xi32, #tpu.memory_space<vmem_shared>>
        %dma_wait3A_1166 = arith.constant 0 : i32
        %dma_wait3A_1167 = tpu.memref_slice %arg11[%run_scoped3A_1017, %dma_wait3A_1166] : memref<16x16xi32, #tpu.memory_space<vmem>> -> memref<1x16xi32, #tpu.memory_space<vmem>>
        %dma_wait3A_1168 = tpu.memref_squeeze %dma_wait3A_1167 : memref<1x16xi32, #tpu.memory_space<vmem>> -> memref<16xi32, #tpu.memory_space<vmem>>
        %dma_wait3A_1169 = tpu.memref_slice %arg13[%run_scoped3A_1016, %mul3A_1015] : memref<16x128xi32, #tpu.memory_space<vmem_shared>> -> memref<1x16xi32, #tpu.memory_space<vmem_shared>>
        %dma_wait3A_1170 = tpu.memref_squeeze %dma_wait3A_1169 : memref<1x16xi32, #tpu.memory_space<vmem_shared>> -> memref<16xi32, #tpu.memory_space<vmem_shared>>
        tpu.wait_dma2 semaphore(%run_scoped3A_1150 : memref<!tpu.dma_semaphore, #tpu.memory_space<semaphore_mem>>) src(%dma_wait3A_1170 : memref<16xi32, #tpu.memory_space<vmem_shared>>) dst(%dma_wait3A_1168 : memref<16xi32, #tpu.memory_space<vmem>>)
        tpu.yield
      }) : () -> ()
      %mul3A_1018 = arith.constant 16 : i32
      %mul3A_1019 = arith.muli %arg1, %mul3A_1018 : i32
      %run_scoped3A_1020 = arith.constant 4 : i32
      %run_scoped3A_1021 = arith.constant 4 : i32
      "tpu.region"() ({
        %run_scoped3A_1150 = tpu.sem_alloc : memref<!tpu.dma_semaphore, #tpu.memory_space<semaphore_mem>>
        %dma_start3A_1151 = arith.constant 0 : i32
        %dma_start3A_1152 = tpu.memref_slice %arg11[%run_scoped3A_1021, %dma_start3A_1151] : memref<16x16xi32, #tpu.memory_space<vmem>> -> memref<1x16xi32, #tpu.memory_space<vmem>>
        %dma_start3A_1153 = tpu.memref_squeeze %dma_start3A_1152 : memref<1x16xi32, #tpu.memory_space<vmem>> -> memref<16xi32, #tpu.memory_space<vmem>>
        %dma_start3A_1154 = tpu.memref_slice %arg13[%run_scoped3A_1020, %mul3A_1019] : memref<16x128xi32, #tpu.memory_space<vmem_shared>> -> memref<1x16xi32, #tpu.memory_space<vmem_shared>>
        %dma_start3A_1155 = tpu.memref_squeeze %dma_start3A_1154 : memref<1x16xi32, #tpu.memory_space<vmem_shared>> -> memref<16xi32, #tpu.memory_space<vmem_shared>>
        %dma_start3A_1156 = arith.constant 0 : i32
        %dma_start3A_1157 = tpu.memref_slice %arg11[%run_scoped3A_1021, %dma_start3A_1156] : memref<16x16xi32, #tpu.memory_space<vmem>> -> memref<1x16xi32, #tpu.memory_space<vmem>>
        %dma_start3A_1158 = tpu.memref_squeeze %dma_start3A_1157 : memref<1x16xi32, #tpu.memory_space<vmem>> -> memref<16xi32, #tpu.memory_space<vmem>>
        %dma_start3A_1159 = tpu.memref_slice %arg13[%run_scoped3A_1020, %mul3A_1019] : memref<16x128xi32, #tpu.memory_space<vmem_shared>> -> memref<1x16xi32, #tpu.memory_space<vmem_shared>>
        %dma_start3A_1160 = tpu.memref_squeeze %dma_start3A_1159 : memref<1x16xi32, #tpu.memory_space<vmem_shared>> -> memref<16xi32, #tpu.memory_space<vmem_shared>>
        tpu.enqueue_dma source(%dma_start3A_1160 : memref<16xi32, #tpu.memory_space<vmem_shared>>) target(%dma_start3A_1158 : memref<16xi32, #tpu.memory_space<vmem>>) target_semaphore(%run_scoped3A_1150 : memref<!tpu.dma_semaphore, #tpu.memory_space<semaphore_mem>>)
        %dma_wait3A_1161 = arith.constant 0 : i32
        %dma_wait3A_1162 = tpu.memref_slice %arg11[%run_scoped3A_1021, %dma_wait3A_1161] : memref<16x16xi32, #tpu.memory_space<vmem>> -> memref<1x16xi32, #tpu.memory_space<vmem>>
        %dma_wait3A_1163 = tpu.memref_squeeze %dma_wait3A_1162 : memref<1x16xi32, #tpu.memory_space<vmem>> -> memref<16xi32, #tpu.memory_space<vmem>>
        %dma_wait3A_1164 = tpu.memref_slice %arg13[%run_scoped3A_1020, %mul3A_1019] : memref<16x128xi32, #tpu.memory_space<vmem_shared>> -> memref<1x16xi32, #tpu.memory_space<vmem_shared>>
        %dma_wait3A_1165 = tpu.memref_squeeze %dma_wait3A_1164 : memref<1x16xi32, #tpu.memory_space<vmem_shared>> -> memref<16xi32, #tpu.memory_space<vmem_shared>>
        %dma_wait3A_1166 = arith.constant 0 : i32
        %dma_wait3A_1167 = tpu.memref_slice %arg11[%run_scoped3A_1021, %dma_wait3A_1166] : memref<16x16xi32, #tpu.memory_space<vmem>> -> memref<1x16xi32, #tpu.memory_space<vmem>>
        %dma_wait3A_1168 = tpu.memref_squeeze %dma_wait3A_1167 : memref<1x16xi32, #tpu.memory_space<vmem>> -> memref<16xi32, #tpu.memory_space<vmem>>
        %dma_wait3A_1169 = tpu.memref_slice %arg13[%run_scoped3A_1020, %mul3A_1019] : memref<16x128xi32, #tpu.memory_space<vmem_shared>> -> memref<1x16xi32, #tpu.memory_space<vmem_shared>>
        %dma_wait3A_1170 = tpu.memref_squeeze %dma_wait3A_1169 : memref<1x16xi32, #tpu.memory_space<vmem_shared>> -> memref<16xi32, #tpu.memory_space<vmem_shared>>
        tpu.wait_dma2 semaphore(%run_scoped3A_1150 : memref<!tpu.dma_semaphore, #tpu.memory_space<semaphore_mem>>) src(%dma_wait3A_1170 : memref<16xi32, #tpu.memory_space<vmem_shared>>) dst(%dma_wait3A_1168 : memref<16xi32, #tpu.memory_space<vmem>>)
        tpu.yield
      }) : () -> ()
      %mul3A_1022 = arith.constant 16 : i32
      %mul3A_1023 = arith.muli %arg1, %mul3A_1022 : i32
      %run_scoped3A_1024 = arith.constant 5 : i32
      %run_scoped3A_1025 = arith.constant 5 : i32
      "tpu.region"() ({
        %run_scoped3A_1150 = tpu.sem_alloc : memref<!tpu.dma_semaphore, #tpu.memory_space<semaphore_mem>>
        %dma_start3A_1151 = arith.constant 0 : i32
        %dma_start3A_1152 = tpu.memref_slice %arg11[%run_scoped3A_1025, %dma_start3A_1151] : memref<16x16xi32, #tpu.memory_space<vmem>> -> memref<1x16xi32, #tpu.memory_space<vmem>>
        %dma_start3A_1153 = tpu.memref_squeeze %dma_start3A_1152 : memref<1x16xi32, #tpu.memory_space<vmem>> -> memref<16xi32, #tpu.memory_space<vmem>>
        %dma_start3A_1154 = tpu.memref_slice %arg13[%run_scoped3A_1024, %mul3A_1023] : memref<16x128xi32, #tpu.memory_space<vmem_shared>> -> memref<1x16xi32, #tpu.memory_space<vmem_shared>>
        %dma_start3A_1155 = tpu.memref_squeeze %dma_start3A_1154 : memref<1x16xi32, #tpu.memory_space<vmem_shared>> -> memref<16xi32, #tpu.memory_space<vmem_shared>>
        %dma_start3A_1156 = arith.constant 0 : i32
        %dma_start3A_1157 = tpu.memref_slice %arg11[%run_scoped3A_1025, %dma_start3A_1156] : memref<16x16xi32, #tpu.memory_space<vmem>> -> memref<1x16xi32, #tpu.memory_space<vmem>>
        %dma_start3A_1158 = tpu.memref_squeeze %dma_start3A_1157 : memref<1x16xi32, #tpu.memory_space<vmem>> -> memref<16xi32, #tpu.memory_space<vmem>>
        %dma_start3A_1159 = tpu.memref_slice %arg13[%run_scoped3A_1024, %mul3A_1023] : memref<16x128xi32, #tpu.memory_space<vmem_shared>> -> memref<1x16xi32, #tpu.memory_space<vmem_shared>>
        %dma_start3A_1160 = tpu.memref_squeeze %dma_start3A_1159 : memref<1x16xi32, #tpu.memory_space<vmem_shared>> -> memref<16xi32, #tpu.memory_space<vmem_shared>>
        tpu.enqueue_dma source(%dma_start3A_1160 : memref<16xi32, #tpu.memory_space<vmem_shared>>) target(%dma_start3A_1158 : memref<16xi32, #tpu.memory_space<vmem>>) target_semaphore(%run_scoped3A_1150 : memref<!tpu.dma_semaphore, #tpu.memory_space<semaphore_mem>>)
        %dma_wait3A_1161 = arith.constant 0 : i32
        %dma_wait3A_1162 = tpu.memref_slice %arg11[%run_scoped3A_1025, %dma_wait3A_1161] : memref<16x16xi32, #tpu.memory_space<vmem>> -> memref<1x16xi32, #tpu.memory_space<vmem>>
        %dma_wait3A_1163 = tpu.memref_squeeze %dma_wait3A_1162 : memref<1x16xi32, #tpu.memory_space<vmem>> -> memref<16xi32, #tpu.memory_space<vmem>>
        %dma_wait3A_1164 = tpu.memref_slice %arg13[%run_scoped3A_1024, %mul3A_1023] : memref<16x128xi32, #tpu.memory_space<vmem_shared>> -> memref<1x16xi32, #tpu.memory_space<vmem_shared>>
        %dma_wait3A_1165 = tpu.memref_squeeze %dma_wait3A_1164 : memref<1x16xi32, #tpu.memory_space<vmem_shared>> -> memref<16xi32, #tpu.memory_space<vmem_shared>>
        %dma_wait3A_1166 = arith.constant 0 : i32
        %dma_wait3A_1167 = tpu.memref_slice %arg11[%run_scoped3A_1025, %dma_wait3A_1166] : memref<16x16xi32, #tpu.memory_space<vmem>> -> memref<1x16xi32, #tpu.memory_space<vmem>>
        %dma_wait3A_1168 = tpu.memref_squeeze %dma_wait3A_1167 : memref<1x16xi32, #tpu.memory_space<vmem>> -> memref<16xi32, #tpu.memory_space<vmem>>
        %dma_wait3A_1169 = tpu.memref_slice %arg13[%run_scoped3A_1024, %mul3A_1023] : memref<16x128xi32, #tpu.memory_space<vmem_shared>> -> memref<1x16xi32, #tpu.memory_space<vmem_shared>>
        %dma_wait3A_1170 = tpu.memref_squeeze %dma_wait3A_1169 : memref<1x16xi32, #tpu.memory_space<vmem_shared>> -> memref<16xi32, #tpu.memory_space<vmem_shared>>
        tpu.wait_dma2 semaphore(%run_scoped3A_1150 : memref<!tpu.dma_semaphore, #tpu.memory_space<semaphore_mem>>) src(%dma_wait3A_1170 : memref<16xi32, #tpu.memory_space<vmem_shared>>) dst(%dma_wait3A_1168 : memref<16xi32, #tpu.memory_space<vmem>>)
        tpu.yield
      }) : () -> ()
      %mul3A_1026 = arith.constant 16 : i32
      %mul3A_1027 = arith.muli %arg1, %mul3A_1026 : i32
      %run_scoped3A_1028 = arith.constant 6 : i32
      %run_scoped3A_1029 = arith.constant 6 : i32
      "tpu.region"() ({
        %run_scoped3A_1150 = tpu.sem_alloc : memref<!tpu.dma_semaphore, #tpu.memory_space<semaphore_mem>>
        %dma_start3A_1151 = arith.constant 0 : i32
        %dma_start3A_1152 = tpu.memref_slice %arg11[%run_scoped3A_1029, %dma_start3A_1151] : memref<16x16xi32, #tpu.memory_space<vmem>> -> memref<1x16xi32, #tpu.memory_space<vmem>>
        %dma_start3A_1153 = tpu.memref_squeeze %dma_start3A_1152 : memref<1x16xi32, #tpu.memory_space<vmem>> -> memref<16xi32, #tpu.memory_space<vmem>>
        %dma_start3A_1154 = tpu.memref_slice %arg13[%run_scoped3A_1028, %mul3A_1027] : memref<16x128xi32, #tpu.memory_space<vmem_shared>> -> memref<1x16xi32, #tpu.memory_space<vmem_shared>>
        %dma_start3A_1155 = tpu.memref_squeeze %dma_start3A_1154 : memref<1x16xi32, #tpu.memory_space<vmem_shared>> -> memref<16xi32, #tpu.memory_space<vmem_shared>>
        %dma_start3A_1156 = arith.constant 0 : i32
        %dma_start3A_1157 = tpu.memref_slice %arg11[%run_scoped3A_1029, %dma_start3A_1156] : memref<16x16xi32, #tpu.memory_space<vmem>> -> memref<1x16xi32, #tpu.memory_space<vmem>>
        %dma_start3A_1158 = tpu.memref_squeeze %dma_start3A_1157 : memref<1x16xi32, #tpu.memory_space<vmem>> -> memref<16xi32, #tpu.memory_space<vmem>>
        %dma_start3A_1159 = tpu.memref_slice %arg13[%run_scoped3A_1028, %mul3A_1027] : memref<16x128xi32, #tpu.memory_space<vmem_shared>> -> memref<1x16xi32, #tpu.memory_space<vmem_shared>>
        %dma_start3A_1160 = tpu.memref_squeeze %dma_start3A_1159 : memref<1x16xi32, #tpu.memory_space<vmem_shared>> -> memref<16xi32, #tpu.memory_space<vmem_shared>>
        tpu.enqueue_dma source(%dma_start3A_1160 : memref<16xi32, #tpu.memory_space<vmem_shared>>) target(%dma_start3A_1158 : memref<16xi32, #tpu.memory_space<vmem>>) target_semaphore(%run_scoped3A_1150 : memref<!tpu.dma_semaphore, #tpu.memory_space<semaphore_mem>>)
        %dma_wait3A_1161 = arith.constant 0 : i32
        %dma_wait3A_1162 = tpu.memref_slice %arg11[%run_scoped3A_1029, %dma_wait3A_1161] : memref<16x16xi32, #tpu.memory_space<vmem>> -> memref<1x16xi32, #tpu.memory_space<vmem>>
        %dma_wait3A_1163 = tpu.memref_squeeze %dma_wait3A_1162 : memref<1x16xi32, #tpu.memory_space<vmem>> -> memref<16xi32, #tpu.memory_space<vmem>>
        %dma_wait3A_1164 = tpu.memref_slice %arg13[%run_scoped3A_1028, %mul3A_1027] : memref<16x128xi32, #tpu.memory_space<vmem_shared>> -> memref<1x16xi32, #tpu.memory_space<vmem_shared>>
        %dma_wait3A_1165 = tpu.memref_squeeze %dma_wait3A_1164 : memref<1x16xi32, #tpu.memory_space<vmem_shared>> -> memref<16xi32, #tpu.memory_space<vmem_shared>>
        %dma_wait3A_1166 = arith.constant 0 : i32
        %dma_wait3A_1167 = tpu.memref_slice %arg11[%run_scoped3A_1029, %dma_wait3A_1166] : memref<16x16xi32, #tpu.memory_space<vmem>> -> memref<1x16xi32, #tpu.memory_space<vmem>>
        %dma_wait3A_1168 = tpu.memref_squeeze %dma_wait3A_1167 : memref<1x16xi32, #tpu.memory_space<vmem>> -> memref<16xi32, #tpu.memory_space<vmem>>
        %dma_wait3A_1169 = tpu.memref_slice %arg13[%run_scoped3A_1028, %mul3A_1027] : memref<16x128xi32, #tpu.memory_space<vmem_shared>> -> memref<1x16xi32, #tpu.memory_space<vmem_shared>>
        %dma_wait3A_1170 = tpu.memref_squeeze %dma_wait3A_1169 : memref<1x16xi32, #tpu.memory_space<vmem_shared>> -> memref<16xi32, #tpu.memory_space<vmem_shared>>
        tpu.wait_dma2 semaphore(%run_scoped3A_1150 : memref<!tpu.dma_semaphore, #tpu.memory_space<semaphore_mem>>) src(%dma_wait3A_1170 : memref<16xi32, #tpu.memory_space<vmem_shared>>) dst(%dma_wait3A_1168 : memref<16xi32, #tpu.memory_space<vmem>>)
        tpu.yield
      }) : () -> ()
      %mul3A_1030 = arith.constant 16 : i32
      %mul3A_1031 = arith.muli %arg1, %mul3A_1030 : i32
      %run_scoped3A_1032 = arith.constant 7 : i32
      %run_scoped3A_1033 = arith.constant 7 : i32
      "tpu.region"() ({
        %run_scoped3A_1150 = tpu.sem_alloc : memref<!tpu.dma_semaphore, #tpu.memory_space<semaphore_mem>>
        %dma_start3A_1151 = arith.constant 0 : i32
        %dma_start3A_1152 = tpu.memref_slice %arg11[%run_scoped3A_1033, %dma_start3A_1151] : memref<16x16xi32, #tpu.memory_space<vmem>> -> memref<1x16xi32, #tpu.memory_space<vmem>>
        %dma_start3A_1153 = tpu.memref_squeeze %dma_start3A_1152 : memref<1x16xi32, #tpu.memory_space<vmem>> -> memref<16xi32, #tpu.memory_space<vmem>>
        %dma_start3A_1154 = tpu.memref_slice %arg13[%run_scoped3A_1032, %mul3A_1031] : memref<16x128xi32, #tpu.memory_space<vmem_shared>> -> memref<1x16xi32, #tpu.memory_space<vmem_shared>>
        %dma_start3A_1155 = tpu.memref_squeeze %dma_start3A_1154 : memref<1x16xi32, #tpu.memory_space<vmem_shared>> -> memref<16xi32, #tpu.memory_space<vmem_shared>>
        %dma_start3A_1156 = arith.constant 0 : i32
        %dma_start3A_1157 = tpu.memref_slice %arg11[%run_scoped3A_1033, %dma_start3A_1156] : memref<16x16xi32, #tpu.memory_space<vmem>> -> memref<1x16xi32, #tpu.memory_space<vmem>>
        %dma_start3A_1158 = tpu.memref_squeeze %dma_start3A_1157 : memref<1x16xi32, #tpu.memory_space<vmem>> -> memref<16xi32, #tpu.memory_space<vmem>>
        %dma_start3A_1159 = tpu.memref_slice %arg13[%run_scoped3A_1032, %mul3A_1031] : memref<16x128xi32, #tpu.memory_space<vmem_shared>> -> memref<1x16xi32, #tpu.memory_space<vmem_shared>>
        %dma_start3A_1160 = tpu.memref_squeeze %dma_start3A_1159 : memref<1x16xi32, #tpu.memory_space<vmem_shared>> -> memref<16xi32, #tpu.memory_space<vmem_shared>>
        tpu.enqueue_dma source(%dma_start3A_1160 : memref<16xi32, #tpu.memory_space<vmem_shared>>) target(%dma_start3A_1158 : memref<16xi32, #tpu.memory_space<vmem>>) target_semaphore(%run_scoped3A_1150 : memref<!tpu.dma_semaphore, #tpu.memory_space<semaphore_mem>>)
        %dma_wait3A_1161 = arith.constant 0 : i32
        %dma_wait3A_1162 = tpu.memref_slice %arg11[%run_scoped3A_1033, %dma_wait3A_1161] : memref<16x16xi32, #tpu.memory_space<vmem>> -> memref<1x16xi32, #tpu.memory_space<vmem>>
        %dma_wait3A_1163 = tpu.memref_squeeze %dma_wait3A_1162 : memref<1x16xi32, #tpu.memory_space<vmem>> -> memref<16xi32, #tpu.memory_space<vmem>>
        %dma_wait3A_1164 = tpu.memref_slice %arg13[%run_scoped3A_1032, %mul3A_1031] : memref<16x128xi32, #tpu.memory_space<vmem_shared>> -> memref<1x16xi32, #tpu.memory_space<vmem_shared>>
        %dma_wait3A_1165 = tpu.memref_squeeze %dma_wait3A_1164 : memref<1x16xi32, #tpu.memory_space<vmem_shared>> -> memref<16xi32, #tpu.memory_space<vmem_shared>>
        %dma_wait3A_1166 = arith.constant 0 : i32
        %dma_wait3A_1167 = tpu.memref_slice %arg11[%run_scoped3A_1033, %dma_wait3A_1166] : memref<16x16xi32, #tpu.memory_space<vmem>> -> memref<1x16xi32, #tpu.memory_space<vmem>>
        %dma_wait3A_1168 = tpu.memref_squeeze %dma_wait3A_1167 : memref<1x16xi32, #tpu.memory_space<vmem>> -> memref<16xi32, #tpu.memory_space<vmem>>
        %dma_wait3A_1169 = tpu.memref_slice %arg13[%run_scoped3A_1032, %mul3A_1031] : memref<16x128xi32, #tpu.memory_space<vmem_shared>> -> memref<1x16xi32, #tpu.memory_space<vmem_shared>>
        %dma_wait3A_1170 = tpu.memref_squeeze %dma_wait3A_1169 : memref<1x16xi32, #tpu.memory_space<vmem_shared>> -> memref<16xi32, #tpu.memory_space<vmem_shared>>
        tpu.wait_dma2 semaphore(%run_scoped3A_1150 : memref<!tpu.dma_semaphore, #tpu.memory_space<semaphore_mem>>) src(%dma_wait3A_1170 : memref<16xi32, #tpu.memory_space<vmem_shared>>) dst(%dma_wait3A_1168 : memref<16xi32, #tpu.memory_space<vmem>>)
        tpu.yield
      }) : () -> ()
      %mul3A_1034 = arith.constant 16 : i32
      %mul3A_1035 = arith.muli %arg1, %mul3A_1034 : i32
      %run_scoped3A_1036 = arith.constant 8 : i32
      %run_scoped3A_1037 = arith.constant 8 : i32
      "tpu.region"() ({
        %run_scoped3A_1150 = tpu.sem_alloc : memref<!tpu.dma_semaphore, #tpu.memory_space<semaphore_mem>>
        %dma_start3A_1151 = arith.constant 0 : i32
        %dma_start3A_1152 = tpu.memref_slice %arg11[%run_scoped3A_1037, %dma_start3A_1151] : memref<16x16xi32, #tpu.memory_space<vmem>> -> memref<1x16xi32, #tpu.memory_space<vmem>>
        %dma_start3A_1153 = tpu.memref_squeeze %dma_start3A_1152 : memref<1x16xi32, #tpu.memory_space<vmem>> -> memref<16xi32, #tpu.memory_space<vmem>>
        %dma_start3A_1154 = tpu.memref_slice %arg13[%run_scoped3A_1036, %mul3A_1035] : memref<16x128xi32, #tpu.memory_space<vmem_shared>> -> memref<1x16xi32, #tpu.memory_space<vmem_shared>>
        %dma_start3A_1155 = tpu.memref_squeeze %dma_start3A_1154 : memref<1x16xi32, #tpu.memory_space<vmem_shared>> -> memref<16xi32, #tpu.memory_space<vmem_shared>>
        %dma_start3A_1156 = arith.constant 0 : i32
        %dma_start3A_1157 = tpu.memref_slice %arg11[%run_scoped3A_1037, %dma_start3A_1156] : memref<16x16xi32, #tpu.memory_space<vmem>> -> memref<1x16xi32, #tpu.memory_space<vmem>>
        %dma_start3A_1158 = tpu.memref_squeeze %dma_start3A_1157 : memref<1x16xi32, #tpu.memory_space<vmem>> -> memref<16xi32, #tpu.memory_space<vmem>>
        %dma_start3A_1159 = tpu.memref_slice %arg13[%run_scoped3A_1036, %mul3A_1035] : memref<16x128xi32, #tpu.memory_space<vmem_shared>> -> memref<1x16xi32, #tpu.memory_space<vmem_shared>>
        %dma_start3A_1160 = tpu.memref_squeeze %dma_start3A_1159 : memref<1x16xi32, #tpu.memory_space<vmem_shared>> -> memref<16xi32, #tpu.memory_space<vmem_shared>>
        tpu.enqueue_dma source(%dma_start3A_1160 : memref<16xi32, #tpu.memory_space<vmem_shared>>) target(%dma_start3A_1158 : memref<16xi32, #tpu.memory_space<vmem>>) target_semaphore(%run_scoped3A_1150 : memref<!tpu.dma_semaphore, #tpu.memory_space<semaphore_mem>>)
        %dma_wait3A_1161 = arith.constant 0 : i32
        %dma_wait3A_1162 = tpu.memref_slice %arg11[%run_scoped3A_1037, %dma_wait3A_1161] : memref<16x16xi32, #tpu.memory_space<vmem>> -> memref<1x16xi32, #tpu.memory_space<vmem>>
        %dma_wait3A_1163 = tpu.memref_squeeze %dma_wait3A_1162 : memref<1x16xi32, #tpu.memory_space<vmem>> -> memref<16xi32, #tpu.memory_space<vmem>>
        %dma_wait3A_1164 = tpu.memref_slice %arg13[%run_scoped3A_1036, %mul3A_1035] : memref<16x128xi32, #tpu.memory_space<vmem_shared>> -> memref<1x16xi32, #tpu.memory_space<vmem_shared>>
        %dma_wait3A_1165 = tpu.memref_squeeze %dma_wait3A_1164 : memref<1x16xi32, #tpu.memory_space<vmem_shared>> -> memref<16xi32, #tpu.memory_space<vmem_shared>>
        %dma_wait3A_1166 = arith.constant 0 : i32
        %dma_wait3A_1167 = tpu.memref_slice %arg11[%run_scoped3A_1037, %dma_wait3A_1166] : memref<16x16xi32, #tpu.memory_space<vmem>> -> memref<1x16xi32, #tpu.memory_space<vmem>>
        %dma_wait3A_1168 = tpu.memref_squeeze %dma_wait3A_1167 : memref<1x16xi32, #tpu.memory_space<vmem>> -> memref<16xi32, #tpu.memory_space<vmem>>
        %dma_wait3A_1169 = tpu.memref_slice %arg13[%run_scoped3A_1036, %mul3A_1035] : memref<16x128xi32, #tpu.memory_space<vmem_shared>> -> memref<1x16xi32, #tpu.memory_space<vmem_shared>>
        %dma_wait3A_1170 = tpu.memref_squeeze %dma_wait3A_1169 : memref<1x16xi32, #tpu.memory_space<vmem_shared>> -> memref<16xi32, #tpu.memory_space<vmem_shared>>
        tpu.wait_dma2 semaphore(%run_scoped3A_1150 : memref<!tpu.dma_semaphore, #tpu.memory_space<semaphore_mem>>) src(%dma_wait3A_1170 : memref<16xi32, #tpu.memory_space<vmem_shared>>) dst(%dma_wait3A_1168 : memref<16xi32, #tpu.memory_space<vmem>>)
        tpu.yield
      }) : () -> ()
      %mul3A_1038 = arith.constant 16 : i32
      %mul3A_1039 = arith.muli %arg1, %mul3A_1038 : i32
      %run_scoped3A_1040 = arith.constant 9 : i32
      %run_scoped3A_1041 = arith.constant 9 : i32
      "tpu.region"() ({
        %run_scoped3A_1150 = tpu.sem_alloc : memref<!tpu.dma_semaphore, #tpu.memory_space<semaphore_mem>>
        %dma_start3A_1151 = arith.constant 0 : i32
        %dma_start3A_1152 = tpu.memref_slice %arg11[%run_scoped3A_1041, %dma_start3A_1151] : memref<16x16xi32, #tpu.memory_space<vmem>> -> memref<1x16xi32, #tpu.memory_space<vmem>>
        %dma_start3A_1153 = tpu.memref_squeeze %dma_start3A_1152 : memref<1x16xi32, #tpu.memory_space<vmem>> -> memref<16xi32, #tpu.memory_space<vmem>>
        %dma_start3A_1154 = tpu.memref_slice %arg13[%run_scoped3A_1040, %mul3A_1039] : memref<16x128xi32, #tpu.memory_space<vmem_shared>> -> memref<1x16xi32, #tpu.memory_space<vmem_shared>>
        %dma_start3A_1155 = tpu.memref_squeeze %dma_start3A_1154 : memref<1x16xi32, #tpu.memory_space<vmem_shared>> -> memref<16xi32, #tpu.memory_space<vmem_shared>>
        %dma_start3A_1156 = arith.constant 0 : i32
        %dma_start3A_1157 = tpu.memref_slice %arg11[%run_scoped3A_1041, %dma_start3A_1156] : memref<16x16xi32, #tpu.memory_space<vmem>> -> memref<1x16xi32, #tpu.memory_space<vmem>>
        %dma_start3A_1158 = tpu.memref_squeeze %dma_start3A_1157 : memref<1x16xi32, #tpu.memory_space<vmem>> -> memref<16xi32, #tpu.memory_space<vmem>>
        %dma_start3A_1159 = tpu.memref_slice %arg13[%run_scoped3A_1040, %mul3A_1039] : memref<16x128xi32, #tpu.memory_space<vmem_shared>> -> memref<1x16xi32, #tpu.memory_space<vmem_shared>>
        %dma_start3A_1160 = tpu.memref_squeeze %dma_start3A_1159 : memref<1x16xi32, #tpu.memory_space<vmem_shared>> -> memref<16xi32, #tpu.memory_space<vmem_shared>>
        tpu.enqueue_dma source(%dma_start3A_1160 : memref<16xi32, #tpu.memory_space<vmem_shared>>) target(%dma_start3A_1158 : memref<16xi32, #tpu.memory_space<vmem>>) target_semaphore(%run_scoped3A_1150 : memref<!tpu.dma_semaphore, #tpu.memory_space<semaphore_mem>>)
        %dma_wait3A_1161 = arith.constant 0 : i32
        %dma_wait3A_1162 = tpu.memref_slice %arg11[%run_scoped3A_1041, %dma_wait3A_1161] : memref<16x16xi32, #tpu.memory_space<vmem>> -> memref<1x16xi32, #tpu.memory_space<vmem>>
        %dma_wait3A_1163 = tpu.memref_squeeze %dma_wait3A_1162 : memref<1x16xi32, #tpu.memory_space<vmem>> -> memref<16xi32, #tpu.memory_space<vmem>>
        %dma_wait3A_1164 = tpu.memref_slice %arg13[%run_scoped3A_1040, %mul3A_1039] : memref<16x128xi32, #tpu.memory_space<vmem_shared>> -> memref<1x16xi32, #tpu.memory_space<vmem_shared>>
        %dma_wait3A_1165 = tpu.memref_squeeze %dma_wait3A_1164 : memref<1x16xi32, #tpu.memory_space<vmem_shared>> -> memref<16xi32, #tpu.memory_space<vmem_shared>>
        %dma_wait3A_1166 = arith.constant 0 : i32
        %dma_wait3A_1167 = tpu.memref_slice %arg11[%run_scoped3A_1041, %dma_wait3A_1166] : memref<16x16xi32, #tpu.memory_space<vmem>> -> memref<1x16xi32, #tpu.memory_space<vmem>>
        %dma_wait3A_1168 = tpu.memref_squeeze %dma_wait3A_1167 : memref<1x16xi32, #tpu.memory_space<vmem>> -> memref<16xi32, #tpu.memory_space<vmem>>
        %dma_wait3A_1169 = tpu.memref_slice %arg13[%run_scoped3A_1040, %mul3A_1039] : memref<16x128xi32, #tpu.memory_space<vmem_shared>> -> memref<1x16xi32, #tpu.memory_space<vmem_shared>>
        %dma_wait3A_1170 = tpu.memref_squeeze %dma_wait3A_1169 : memref<1x16xi32, #tpu.memory_space<vmem_shared>> -> memref<16xi32, #tpu.memory_space<vmem_shared>>
        tpu.wait_dma2 semaphore(%run_scoped3A_1150 : memref<!tpu.dma_semaphore, #tpu.memory_space<semaphore_mem>>) src(%dma_wait3A_1170 : memref<16xi32, #tpu.memory_space<vmem_shared>>) dst(%dma_wait3A_1168 : memref<16xi32, #tpu.memory_space<vmem>>)
        tpu.yield
      }) : () -> ()
      %mul3A_1042 = arith.constant 16 : i32
      %mul3A_1043 = arith.muli %arg1, %mul3A_1042 : i32
      %run_scoped3A_1044 = arith.constant 10 : i32
      %run_scoped3A_1045 = arith.constant 10 : i32
      "tpu.region"() ({
        %run_scoped3A_1150 = tpu.sem_alloc : memref<!tpu.dma_semaphore, #tpu.memory_space<semaphore_mem>>
        %dma_start3A_1151 = arith.constant 0 : i32
        %dma_start3A_1152 = tpu.memref_slice %arg11[%run_scoped3A_1045, %dma_start3A_1151] : memref<16x16xi32, #tpu.memory_space<vmem>> -> memref<1x16xi32, #tpu.memory_space<vmem>>
        %dma_start3A_1153 = tpu.memref_squeeze %dma_start3A_1152 : memref<1x16xi32, #tpu.memory_space<vmem>> -> memref<16xi32, #tpu.memory_space<vmem>>
        %dma_start3A_1154 = tpu.memref_slice %arg13[%run_scoped3A_1044, %mul3A_1043] : memref<16x128xi32, #tpu.memory_space<vmem_shared>> -> memref<1x16xi32, #tpu.memory_space<vmem_shared>>
        %dma_start3A_1155 = tpu.memref_squeeze %dma_start3A_1154 : memref<1x16xi32, #tpu.memory_space<vmem_shared>> -> memref<16xi32, #tpu.memory_space<vmem_shared>>
        %dma_start3A_1156 = arith.constant 0 : i32
        %dma_start3A_1157 = tpu.memref_slice %arg11[%run_scoped3A_1045, %dma_start3A_1156] : memref<16x16xi32, #tpu.memory_space<vmem>> -> memref<1x16xi32, #tpu.memory_space<vmem>>
        %dma_start3A_1158 = tpu.memref_squeeze %dma_start3A_1157 : memref<1x16xi32, #tpu.memory_space<vmem>> -> memref<16xi32, #tpu.memory_space<vmem>>
        %dma_start3A_1159 = tpu.memref_slice %arg13[%run_scoped3A_1044, %mul3A_1043] : memref<16x128xi32, #tpu.memory_space<vmem_shared>> -> memref<1x16xi32, #tpu.memory_space<vmem_shared>>
        %dma_start3A_1160 = tpu.memref_squeeze %dma_start3A_1159 : memref<1x16xi32, #tpu.memory_space<vmem_shared>> -> memref<16xi32, #tpu.memory_space<vmem_shared>>
        tpu.enqueue_dma source(%dma_start3A_1160 : memref<16xi32, #tpu.memory_space<vmem_shared>>) target(%dma_start3A_1158 : memref<16xi32, #tpu.memory_space<vmem>>) target_semaphore(%run_scoped3A_1150 : memref<!tpu.dma_semaphore, #tpu.memory_space<semaphore_mem>>)
        %dma_wait3A_1161 = arith.constant 0 : i32
        %dma_wait3A_1162 = tpu.memref_slice %arg11[%run_scoped3A_1045, %dma_wait3A_1161] : memref<16x16xi32, #tpu.memory_space<vmem>> -> memref<1x16xi32, #tpu.memory_space<vmem>>
        %dma_wait3A_1163 = tpu.memref_squeeze %dma_wait3A_1162 : memref<1x16xi32, #tpu.memory_space<vmem>> -> memref<16xi32, #tpu.memory_space<vmem>>
        %dma_wait3A_1164 = tpu.memref_slice %arg13[%run_scoped3A_1044, %mul3A_1043] : memref<16x128xi32, #tpu.memory_space<vmem_shared>> -> memref<1x16xi32, #tpu.memory_space<vmem_shared>>
        %dma_wait3A_1165 = tpu.memref_squeeze %dma_wait3A_1164 : memref<1x16xi32, #tpu.memory_space<vmem_shared>> -> memref<16xi32, #tpu.memory_space<vmem_shared>>
        %dma_wait3A_1166 = arith.constant 0 : i32
        %dma_wait3A_1167 = tpu.memref_slice %arg11[%run_scoped3A_1045, %dma_wait3A_1166] : memref<16x16xi32, #tpu.memory_space<vmem>> -> memref<1x16xi32, #tpu.memory_space<vmem>>
        %dma_wait3A_1168 = tpu.memref_squeeze %dma_wait3A_1167 : memref<1x16xi32, #tpu.memory_space<vmem>> -> memref<16xi32, #tpu.memory_space<vmem>>
        %dma_wait3A_1169 = tpu.memref_slice %arg13[%run_scoped3A_1044, %mul3A_1043] : memref<16x128xi32, #tpu.memory_space<vmem_shared>> -> memref<1x16xi32, #tpu.memory_space<vmem_shared>>
        %dma_wait3A_1170 = tpu.memref_squeeze %dma_wait3A_1169 : memref<1x16xi32, #tpu.memory_space<vmem_shared>> -> memref<16xi32, #tpu.memory_space<vmem_shared>>
        tpu.wait_dma2 semaphore(%run_scoped3A_1150 : memref<!tpu.dma_semaphore, #tpu.memory_space<semaphore_mem>>) src(%dma_wait3A_1170 : memref<16xi32, #tpu.memory_space<vmem_shared>>) dst(%dma_wait3A_1168 : memref<16xi32, #tpu.memory_space<vmem>>)
        tpu.yield
      }) : () -> ()
      %mul3A_1046 = arith.constant 16 : i32
      %mul3A_1047 = arith.muli %arg1, %mul3A_1046 : i32
      %run_scoped3A_1048 = arith.constant 11 : i32
      %run_scoped3A_1049 = arith.constant 11 : i32
      "tpu.region"() ({
        %run_scoped3A_1150 = tpu.sem_alloc : memref<!tpu.dma_semaphore, #tpu.memory_space<semaphore_mem>>
        %dma_start3A_1151 = arith.constant 0 : i32
        %dma_start3A_1152 = tpu.memref_slice %arg11[%run_scoped3A_1049, %dma_start3A_1151] : memref<16x16xi32, #tpu.memory_space<vmem>> -> memref<1x16xi32, #tpu.memory_space<vmem>>
        %dma_start3A_1153 = tpu.memref_squeeze %dma_start3A_1152 : memref<1x16xi32, #tpu.memory_space<vmem>> -> memref<16xi32, #tpu.memory_space<vmem>>
        %dma_start3A_1154 = tpu.memref_slice %arg13[%run_scoped3A_1048, %mul3A_1047] : memref<16x128xi32, #tpu.memory_space<vmem_shared>> -> memref<1x16xi32, #tpu.memory_space<vmem_shared>>
        %dma_start3A_1155 = tpu.memref_squeeze %dma_start3A_1154 : memref<1x16xi32, #tpu.memory_space<vmem_shared>> -> memref<16xi32, #tpu.memory_space<vmem_shared>>
        %dma_start3A_1156 = arith.constant 0 : i32
        %dma_start3A_1157 = tpu.memref_slice %arg11[%run_scoped3A_1049, %dma_start3A_1156] : memref<16x16xi32, #tpu.memory_space<vmem>> -> memref<1x16xi32, #tpu.memory_space<vmem>>
        %dma_start3A_1158 = tpu.memref_squeeze %dma_start3A_1157 : memref<1x16xi32, #tpu.memory_space<vmem>> -> memref<16xi32, #tpu.memory_space<vmem>>
        %dma_start3A_1159 = tpu.memref_slice %arg13[%run_scoped3A_1048, %mul3A_1047] : memref<16x128xi32, #tpu.memory_space<vmem_shared>> -> memref<1x16xi32, #tpu.memory_space<vmem_shared>>
        %dma_start3A_1160 = tpu.memref_squeeze %dma_start3A_1159 : memref<1x16xi32, #tpu.memory_space<vmem_shared>> -> memref<16xi32, #tpu.memory_space<vmem_shared>>
        tpu.enqueue_dma source(%dma_start3A_1160 : memref<16xi32, #tpu.memory_space<vmem_shared>>) target(%dma_start3A_1158 : memref<16xi32, #tpu.memory_space<vmem>>) target_semaphore(%run_scoped3A_1150 : memref<!tpu.dma_semaphore, #tpu.memory_space<semaphore_mem>>)
        %dma_wait3A_1161 = arith.constant 0 : i32
        %dma_wait3A_1162 = tpu.memref_slice %arg11[%run_scoped3A_1049, %dma_wait3A_1161] : memref<16x16xi32, #tpu.memory_space<vmem>> -> memref<1x16xi32, #tpu.memory_space<vmem>>
        %dma_wait3A_1163 = tpu.memref_squeeze %dma_wait3A_1162 : memref<1x16xi32, #tpu.memory_space<vmem>> -> memref<16xi32, #tpu.memory_space<vmem>>
        %dma_wait3A_1164 = tpu.memref_slice %arg13[%run_scoped3A_1048, %mul3A_1047] : memref<16x128xi32, #tpu.memory_space<vmem_shared>> -> memref<1x16xi32, #tpu.memory_space<vmem_shared>>
        %dma_wait3A_1165 = tpu.memref_squeeze %dma_wait3A_1164 : memref<1x16xi32, #tpu.memory_space<vmem_shared>> -> memref<16xi32, #tpu.memory_space<vmem_shared>>
        %dma_wait3A_1166 = arith.constant 0 : i32
        %dma_wait3A_1167 = tpu.memref_slice %arg11[%run_scoped3A_1049, %dma_wait3A_1166] : memref<16x16xi32, #tpu.memory_space<vmem>> -> memref<1x16xi32, #tpu.memory_space<vmem>>
        %dma_wait3A_1168 = tpu.memref_squeeze %dma_wait3A_1167 : memref<1x16xi32, #tpu.memory_space<vmem>> -> memref<16xi32, #tpu.memory_space<vmem>>
        %dma_wait3A_1169 = tpu.memref_slice %arg13[%run_scoped3A_1048, %mul3A_1047] : memref<16x128xi32, #tpu.memory_space<vmem_shared>> -> memref<1x16xi32, #tpu.memory_space<vmem_shared>>
        %dma_wait3A_1170 = tpu.memref_squeeze %dma_wait3A_1169 : memref<1x16xi32, #tpu.memory_space<vmem_shared>> -> memref<16xi32, #tpu.memory_space<vmem_shared>>
        tpu.wait_dma2 semaphore(%run_scoped3A_1150 : memref<!tpu.dma_semaphore, #tpu.memory_space<semaphore_mem>>) src(%dma_wait3A_1170 : memref<16xi32, #tpu.memory_space<vmem_shared>>) dst(%dma_wait3A_1168 : memref<16xi32, #tpu.memory_space<vmem>>)
        tpu.yield
      }) : () -> ()
      %mul3A_1050 = arith.constant 16 : i32
      %mul3A_1051 = arith.muli %arg1, %mul3A_1050 : i32
      %run_scoped3A_1052 = arith.constant 12 : i32
      %run_scoped3A_1053 = arith.constant 12 : i32
      "tpu.region"() ({
        %run_scoped3A_1150 = tpu.sem_alloc : memref<!tpu.dma_semaphore, #tpu.memory_space<semaphore_mem>>
        %dma_start3A_1151 = arith.constant 0 : i32
        %dma_start3A_1152 = tpu.memref_slice %arg11[%run_scoped3A_1053, %dma_start3A_1151] : memref<16x16xi32, #tpu.memory_space<vmem>> -> memref<1x16xi32, #tpu.memory_space<vmem>>
        %dma_start3A_1153 = tpu.memref_squeeze %dma_start3A_1152 : memref<1x16xi32, #tpu.memory_space<vmem>> -> memref<16xi32, #tpu.memory_space<vmem>>
        %dma_start3A_1154 = tpu.memref_slice %arg13[%run_scoped3A_1052, %mul3A_1051] : memref<16x128xi32, #tpu.memory_space<vmem_shared>> -> memref<1x16xi32, #tpu.memory_space<vmem_shared>>
        %dma_start3A_1155 = tpu.memref_squeeze %dma_start3A_1154 : memref<1x16xi32, #tpu.memory_space<vmem_shared>> -> memref<16xi32, #tpu.memory_space<vmem_shared>>
        %dma_start3A_1156 = arith.constant 0 : i32
        %dma_start3A_1157 = tpu.memref_slice %arg11[%run_scoped3A_1053, %dma_start3A_1156] : memref<16x16xi32, #tpu.memory_space<vmem>> -> memref<1x16xi32, #tpu.memory_space<vmem>>
        %dma_start3A_1158 = tpu.memref_squeeze %dma_start3A_1157 : memref<1x16xi32, #tpu.memory_space<vmem>> -> memref<16xi32, #tpu.memory_space<vmem>>
        %dma_start3A_1159 = tpu.memref_slice %arg13[%run_scoped3A_1052, %mul3A_1051] : memref<16x128xi32, #tpu.memory_space<vmem_shared>> -> memref<1x16xi32, #tpu.memory_space<vmem_shared>>
        %dma_start3A_1160 = tpu.memref_squeeze %dma_start3A_1159 : memref<1x16xi32, #tpu.memory_space<vmem_shared>> -> memref<16xi32, #tpu.memory_space<vmem_shared>>
        tpu.enqueue_dma source(%dma_start3A_1160 : memref<16xi32, #tpu.memory_space<vmem_shared>>) target(%dma_start3A_1158 : memref<16xi32, #tpu.memory_space<vmem>>) target_semaphore(%run_scoped3A_1150 : memref<!tpu.dma_semaphore, #tpu.memory_space<semaphore_mem>>)
        %dma_wait3A_1161 = arith.constant 0 : i32
        %dma_wait3A_1162 = tpu.memref_slice %arg11[%run_scoped3A_1053, %dma_wait3A_1161] : memref<16x16xi32, #tpu.memory_space<vmem>> -> memref<1x16xi32, #tpu.memory_space<vmem>>
        %dma_wait3A_1163 = tpu.memref_squeeze %dma_wait3A_1162 : memref<1x16xi32, #tpu.memory_space<vmem>> -> memref<16xi32, #tpu.memory_space<vmem>>
        %dma_wait3A_1164 = tpu.memref_slice %arg13[%run_scoped3A_1052, %mul3A_1051] : memref<16x128xi32, #tpu.memory_space<vmem_shared>> -> memref<1x16xi32, #tpu.memory_space<vmem_shared>>
        %dma_wait3A_1165 = tpu.memref_squeeze %dma_wait3A_1164 : memref<1x16xi32, #tpu.memory_space<vmem_shared>> -> memref<16xi32, #tpu.memory_space<vmem_shared>>
        %dma_wait3A_1166 = arith.constant 0 : i32
        %dma_wait3A_1167 = tpu.memref_slice %arg11[%run_scoped3A_1053, %dma_wait3A_1166] : memref<16x16xi32, #tpu.memory_space<vmem>> -> memref<1x16xi32, #tpu.memory_space<vmem>>
        %dma_wait3A_1168 = tpu.memref_squeeze %dma_wait3A_1167 : memref<1x16xi32, #tpu.memory_space<vmem>> -> memref<16xi32, #tpu.memory_space<vmem>>
        %dma_wait3A_1169 = tpu.memref_slice %arg13[%run_scoped3A_1052, %mul3A_1051] : memref<16x128xi32, #tpu.memory_space<vmem_shared>> -> memref<1x16xi32, #tpu.memory_space<vmem_shared>>
        %dma_wait3A_1170 = tpu.memref_squeeze %dma_wait3A_1169 : memref<1x16xi32, #tpu.memory_space<vmem_shared>> -> memref<16xi32, #tpu.memory_space<vmem_shared>>
        tpu.wait_dma2 semaphore(%run_scoped3A_1150 : memref<!tpu.dma_semaphore, #tpu.memory_space<semaphore_mem>>) src(%dma_wait3A_1170 : memref<16xi32, #tpu.memory_space<vmem_shared>>) dst(%dma_wait3A_1168 : memref<16xi32, #tpu.memory_space<vmem>>)
        tpu.yield
      }) : () -> ()
      %mul3A_1054 = arith.constant 16 : i32
      %mul3A_1055 = arith.muli %arg1, %mul3A_1054 : i32
      %run_scoped3A_1056 = arith.constant 13 : i32
      %run_scoped3A_1057 = arith.constant 13 : i32
      "tpu.region"() ({
        %run_scoped3A_1150 = tpu.sem_alloc : memref<!tpu.dma_semaphore, #tpu.memory_space<semaphore_mem>>
        %dma_start3A_1151 = arith.constant 0 : i32
        %dma_start3A_1152 = tpu.memref_slice %arg11[%run_scoped3A_1057, %dma_start3A_1151] : memref<16x16xi32, #tpu.memory_space<vmem>> -> memref<1x16xi32, #tpu.memory_space<vmem>>
        %dma_start3A_1153 = tpu.memref_squeeze %dma_start3A_1152 : memref<1x16xi32, #tpu.memory_space<vmem>> -> memref<16xi32, #tpu.memory_space<vmem>>
        %dma_start3A_1154 = tpu.memref_slice %arg13[%run_scoped3A_1056, %mul3A_1055] : memref<16x128xi32, #tpu.memory_space<vmem_shared>> -> memref<1x16xi32, #tpu.memory_space<vmem_shared>>
        %dma_start3A_1155 = tpu.memref_squeeze %dma_start3A_1154 : memref<1x16xi32, #tpu.memory_space<vmem_shared>> -> memref<16xi32, #tpu.memory_space<vmem_shared>>
        %dma_start3A_1156 = arith.constant 0 : i32
        %dma_start3A_1157 = tpu.memref_slice %arg11[%run_scoped3A_1057, %dma_start3A_1156] : memref<16x16xi32, #tpu.memory_space<vmem>> -> memref<1x16xi32, #tpu.memory_space<vmem>>
        %dma_start3A_1158 = tpu.memref_squeeze %dma_start3A_1157 : memref<1x16xi32, #tpu.memory_space<vmem>> -> memref<16xi32, #tpu.memory_space<vmem>>
        %dma_start3A_1159 = tpu.memref_slice %arg13[%run_scoped3A_1056, %mul3A_1055] : memref<16x128xi32, #tpu.memory_space<vmem_shared>> -> memref<1x16xi32, #tpu.memory_space<vmem_shared>>
        %dma_start3A_1160 = tpu.memref_squeeze %dma_start3A_1159 : memref<1x16xi32, #tpu.memory_space<vmem_shared>> -> memref<16xi32, #tpu.memory_space<vmem_shared>>
        tpu.enqueue_dma source(%dma_start3A_1160 : memref<16xi32, #tpu.memory_space<vmem_shared>>) target(%dma_start3A_1158 : memref<16xi32, #tpu.memory_space<vmem>>) target_semaphore(%run_scoped3A_1150 : memref<!tpu.dma_semaphore, #tpu.memory_space<semaphore_mem>>)
        %dma_wait3A_1161 = arith.constant 0 : i32
        %dma_wait3A_1162 = tpu.memref_slice %arg11[%run_scoped3A_1057, %dma_wait3A_1161] : memref<16x16xi32, #tpu.memory_space<vmem>> -> memref<1x16xi32, #tpu.memory_space<vmem>>
        %dma_wait3A_1163 = tpu.memref_squeeze %dma_wait3A_1162 : memref<1x16xi32, #tpu.memory_space<vmem>> -> memref<16xi32, #tpu.memory_space<vmem>>
        %dma_wait3A_1164 = tpu.memref_slice %arg13[%run_scoped3A_1056, %mul3A_1055] : memref<16x128xi32, #tpu.memory_space<vmem_shared>> -> memref<1x16xi32, #tpu.memory_space<vmem_shared>>
        %dma_wait3A_1165 = tpu.memref_squeeze %dma_wait3A_1164 : memref<1x16xi32, #tpu.memory_space<vmem_shared>> -> memref<16xi32, #tpu.memory_space<vmem_shared>>
        %dma_wait3A_1166 = arith.constant 0 : i32
        %dma_wait3A_1167 = tpu.memref_slice %arg11[%run_scoped3A_1057, %dma_wait3A_1166] : memref<16x16xi32, #tpu.memory_space<vmem>> -> memref<1x16xi32, #tpu.memory_space<vmem>>
        %dma_wait3A_1168 = tpu.memref_squeeze %dma_wait3A_1167 : memref<1x16xi32, #tpu.memory_space<vmem>> -> memref<16xi32, #tpu.memory_space<vmem>>
        %dma_wait3A_1169 = tpu.memref_slice %arg13[%run_scoped3A_1056, %mul3A_1055] : memref<16x128xi32, #tpu.memory_space<vmem_shared>> -> memref<1x16xi32, #tpu.memory_space<vmem_shared>>
        %dma_wait3A_1170 = tpu.memref_squeeze %dma_wait3A_1169 : memref<1x16xi32, #tpu.memory_space<vmem_shared>> -> memref<16xi32, #tpu.memory_space<vmem_shared>>
        tpu.wait_dma2 semaphore(%run_scoped3A_1150 : memref<!tpu.dma_semaphore, #tpu.memory_space<semaphore_mem>>) src(%dma_wait3A_1170 : memref<16xi32, #tpu.memory_space<vmem_shared>>) dst(%dma_wait3A_1168 : memref<16xi32, #tpu.memory_space<vmem>>)
        tpu.yield
      }) : () -> ()
      %mul3A_1058 = arith.constant 16 : i32
      %mul3A_1059 = arith.muli %arg1, %mul3A_1058 : i32
      %run_scoped3A_1060 = arith.constant 14 : i32
      %run_scoped3A_1061 = arith.constant 14 : i32
      "tpu.region"() ({
        %run_scoped3A_1150 = tpu.sem_alloc : memref<!tpu.dma_semaphore, #tpu.memory_space<semaphore_mem>>
        %dma_start3A_1151 = arith.constant 0 : i32
        %dma_start3A_1152 = tpu.memref_slice %arg11[%run_scoped3A_1061, %dma_start3A_1151] : memref<16x16xi32, #tpu.memory_space<vmem>> -> memref<1x16xi32, #tpu.memory_space<vmem>>
        %dma_start3A_1153 = tpu.memref_squeeze %dma_start3A_1152 : memref<1x16xi32, #tpu.memory_space<vmem>> -> memref<16xi32, #tpu.memory_space<vmem>>
        %dma_start3A_1154 = tpu.memref_slice %arg13[%run_scoped3A_1060, %mul3A_1059] : memref<16x128xi32, #tpu.memory_space<vmem_shared>> -> memref<1x16xi32, #tpu.memory_space<vmem_shared>>
        %dma_start3A_1155 = tpu.memref_squeeze %dma_start3A_1154 : memref<1x16xi32, #tpu.memory_space<vmem_shared>> -> memref<16xi32, #tpu.memory_space<vmem_shared>>
        %dma_start3A_1156 = arith.constant 0 : i32
        %dma_start3A_1157 = tpu.memref_slice %arg11[%run_scoped3A_1061, %dma_start3A_1156] : memref<16x16xi32, #tpu.memory_space<vmem>> -> memref<1x16xi32, #tpu.memory_space<vmem>>
        %dma_start3A_1158 = tpu.memref_squeeze %dma_start3A_1157 : memref<1x16xi32, #tpu.memory_space<vmem>> -> memref<16xi32, #tpu.memory_space<vmem>>
        %dma_start3A_1159 = tpu.memref_slice %arg13[%run_scoped3A_1060, %mul3A_1059] : memref<16x128xi32, #tpu.memory_space<vmem_shared>> -> memref<1x16xi32, #tpu.memory_space<vmem_shared>>
        %dma_start3A_1160 = tpu.memref_squeeze %dma_start3A_1159 : memref<1x16xi32, #tpu.memory_space<vmem_shared>> -> memref<16xi32, #tpu.memory_space<vmem_shared>>
        tpu.enqueue_dma source(%dma_start3A_1160 : memref<16xi32, #tpu.memory_space<vmem_shared>>) target(%dma_start3A_1158 : memref<16xi32, #tpu.memory_space<vmem>>) target_semaphore(%run_scoped3A_1150 : memref<!tpu.dma_semaphore, #tpu.memory_space<semaphore_mem>>)
        %dma_wait3A_1161 = arith.constant 0 : i32
        %dma_wait3A_1162 = tpu.memref_slice %arg11[%run_scoped3A_1061, %dma_wait3A_1161] : memref<16x16xi32, #tpu.memory_space<vmem>> -> memref<1x16xi32, #tpu.memory_space<vmem>>
        %dma_wait3A_1163 = tpu.memref_squeeze %dma_wait3A_1162 : memref<1x16xi32, #tpu.memory_space<vmem>> -> memref<16xi32, #tpu.memory_space<vmem>>
        %dma_wait3A_1164 = tpu.memref_slice %arg13[%run_scoped3A_1060, %mul3A_1059] : memref<16x128xi32, #tpu.memory_space<vmem_shared>> -> memref<1x16xi32, #tpu.memory_space<vmem_shared>>
        %dma_wait3A_1165 = tpu.memref_squeeze %dma_wait3A_1164 : memref<1x16xi32, #tpu.memory_space<vmem_shared>> -> memref<16xi32, #tpu.memory_space<vmem_shared>>
        %dma_wait3A_1166 = arith.constant 0 : i32
        %dma_wait3A_1167 = tpu.memref_slice %arg11[%run_scoped3A_1061, %dma_wait3A_1166] : memref<16x16xi32, #tpu.memory_space<vmem>> -> memref<1x16xi32, #tpu.memory_space<vmem>>
        %dma_wait3A_1168 = tpu.memref_squeeze %dma_wait3A_1167 : memref<1x16xi32, #tpu.memory_space<vmem>> -> memref<16xi32, #tpu.memory_space<vmem>>
        %dma_wait3A_1169 = tpu.memref_slice %arg13[%run_scoped3A_1060, %mul3A_1059] : memref<16x128xi32, #tpu.memory_space<vmem_shared>> -> memref<1x16xi32, #tpu.memory_space<vmem_shared>>
        %dma_wait3A_1170 = tpu.memref_squeeze %dma_wait3A_1169 : memref<1x16xi32, #tpu.memory_space<vmem_shared>> -> memref<16xi32, #tpu.memory_space<vmem_shared>>
        tpu.wait_dma2 semaphore(%run_scoped3A_1150 : memref<!tpu.dma_semaphore, #tpu.memory_space<semaphore_mem>>) src(%dma_wait3A_1170 : memref<16xi32, #tpu.memory_space<vmem_shared>>) dst(%dma_wait3A_1168 : memref<16xi32, #tpu.memory_space<vmem>>)
        tpu.yield
      }) : () -> ()
      %mul3A_1062 = arith.constant 16 : i32
      %mul3A_1063 = arith.muli %arg1, %mul3A_1062 : i32
      %run_scoped3A_1064 = arith.constant 15 : i32
      %run_scoped3A_1065 = arith.constant 15 : i32
      "tpu.region"() ({
        %run_scoped3A_1150 = tpu.sem_alloc : memref<!tpu.dma_semaphore, #tpu.memory_space<semaphore_mem>>
        %dma_start3A_1151 = arith.constant 0 : i32
        %dma_start3A_1152 = tpu.memref_slice %arg11[%run_scoped3A_1065, %dma_start3A_1151] : memref<16x16xi32, #tpu.memory_space<vmem>> -> memref<1x16xi32, #tpu.memory_space<vmem>>
        %dma_start3A_1153 = tpu.memref_squeeze %dma_start3A_1152 : memref<1x16xi32, #tpu.memory_space<vmem>> -> memref<16xi32, #tpu.memory_space<vmem>>
        %dma_start3A_1154 = tpu.memref_slice %arg13[%run_scoped3A_1064, %mul3A_1063] : memref<16x128xi32, #tpu.memory_space<vmem_shared>> -> memref<1x16xi32, #tpu.memory_space<vmem_shared>>
        %dma_start3A_1155 = tpu.memref_squeeze %dma_start3A_1154 : memref<1x16xi32, #tpu.memory_space<vmem_shared>> -> memref<16xi32, #tpu.memory_space<vmem_shared>>
        %dma_start3A_1156 = arith.constant 0 : i32
        %dma_start3A_1157 = tpu.memref_slice %arg11[%run_scoped3A_1065, %dma_start3A_1156] : memref<16x16xi32, #tpu.memory_space<vmem>> -> memref<1x16xi32, #tpu.memory_space<vmem>>
        %dma_start3A_1158 = tpu.memref_squeeze %dma_start3A_1157 : memref<1x16xi32, #tpu.memory_space<vmem>> -> memref<16xi32, #tpu.memory_space<vmem>>
        %dma_start3A_1159 = tpu.memref_slice %arg13[%run_scoped3A_1064, %mul3A_1063] : memref<16x128xi32, #tpu.memory_space<vmem_shared>> -> memref<1x16xi32, #tpu.memory_space<vmem_shared>>
        %dma_start3A_1160 = tpu.memref_squeeze %dma_start3A_1159 : memref<1x16xi32, #tpu.memory_space<vmem_shared>> -> memref<16xi32, #tpu.memory_space<vmem_shared>>
        tpu.enqueue_dma source(%dma_start3A_1160 : memref<16xi32, #tpu.memory_space<vmem_shared>>) target(%dma_start3A_1158 : memref<16xi32, #tpu.memory_space<vmem>>) target_semaphore(%run_scoped3A_1150 : memref<!tpu.dma_semaphore, #tpu.memory_space<semaphore_mem>>)
        %dma_wait3A_1161 = arith.constant 0 : i32
        %dma_wait3A_1162 = tpu.memref_slice %arg11[%run_scoped3A_1065, %dma_wait3A_1161] : memref<16x16xi32, #tpu.memory_space<vmem>> -> memref<1x16xi32, #tpu.memory_space<vmem>>
        %dma_wait3A_1163 = tpu.memref_squeeze %dma_wait3A_1162 : memref<1x16xi32, #tpu.memory_space<vmem>> -> memref<16xi32, #tpu.memory_space<vmem>>
        %dma_wait3A_1164 = tpu.memref_slice %arg13[%run_scoped3A_1064, %mul3A_1063] : memref<16x128xi32, #tpu.memory_space<vmem_shared>> -> memref<1x16xi32, #tpu.memory_space<vmem_shared>>
        %dma_wait3A_1165 = tpu.memref_squeeze %dma_wait3A_1164 : memref<1x16xi32, #tpu.memory_space<vmem_shared>> -> memref<16xi32, #tpu.memory_space<vmem_shared>>
        %dma_wait3A_1166 = arith.constant 0 : i32
        %dma_wait3A_1167 = tpu.memref_slice %arg11[%run_scoped3A_1065, %dma_wait3A_1166] : memref<16x16xi32, #tpu.memory_space<vmem>> -> memref<1x16xi32, #tpu.memory_space<vmem>>
        %dma_wait3A_1168 = tpu.memref_squeeze %dma_wait3A_1167 : memref<1x16xi32, #tpu.memory_space<vmem>> -> memref<16xi32, #tpu.memory_space<vmem>>
        %dma_wait3A_1169 = tpu.memref_slice %arg13[%run_scoped3A_1064, %mul3A_1063] : memref<16x128xi32, #tpu.memory_space<vmem_shared>> -> memref<1x16xi32, #tpu.memory_space<vmem_shared>>
        %dma_wait3A_1170 = tpu.memref_squeeze %dma_wait3A_1169 : memref<1x16xi32, #tpu.memory_space<vmem_shared>> -> memref<16xi32, #tpu.memory_space<vmem_shared>>
        tpu.wait_dma2 semaphore(%run_scoped3A_1150 : memref<!tpu.dma_semaphore, #tpu.memory_space<semaphore_mem>>) src(%dma_wait3A_1170 : memref<16xi32, #tpu.memory_space<vmem_shared>>) dst(%dma_wait3A_1168 : memref<16xi32, #tpu.memory_space<vmem>>)
        tpu.yield
      }) : () -> ()
      %get3A_1066 = arith.constant 0 : i32
      %get3A_1067 = arith.index_cast %get3A_1066 : i32 to index
      %get3A_1068 = arith.constant 0 : index
      %get3A_1069 = tpu.vector_load %arg11[%get3A_1067, %get3A_1068] {strides = array<i32>} : memref<16x16xi32, #tpu.memory_space<vmem>>, vector<16xi32>,
      %add3A_1070 = arith.addi %broadcast_in_dim3A_4, %get3A_1069 : vector<16xi32>
      %get3A_1071 = arith.constant 1 : i32
      %get3A_1072 = arith.index_cast %get3A_1071 : i32 to index
      %get3A_1073 = arith.constant 0 : index
      %get3A_1074 = tpu.vector_load %arg11[%get3A_1072, %get3A_1073] {strides = array<i32>} : memref<16x16xi32, #tpu.memory_space<vmem>>, vector<16xi32>,
      %add3A_1075 = arith.addi %add3A_1070, %get3A_1074 : vector<16xi32>
      %get3A_1076 = arith.constant 2 : i32
      %get3A_1077 = arith.index_cast %get3A_1076 : i32 to index
      %get3A_1078 = arith.constant 0 : index
      %get3A_1079 = tpu.vector_load %arg11[%get3A_1077, %get3A_1078] {strides = array<i32>} : memref<16x16xi32, #tpu.memory_space<vmem>>, vector<16xi32>,
      %add3A_1080 = arith.addi %add3A_1075, %get3A_1079 : vector<16xi32>
      %get3A_1081 = arith.constant 3 : i32
      %get3A_1082 = arith.index_cast %get3A_1081 : i32 to index
      %get3A_1083 = arith.constant 0 : index
      %get3A_1084 = tpu.vector_load %arg11[%get3A_1082, %get3A_1083] {strides = array<i32>} : memref<16x16xi32, #tpu.memory_space<vmem>>, vector<16xi32>,
      %add3A_1085 = arith.addi %add3A_1080, %get3A_1084 : vector<16xi32>
      %get3A_1086 = arith.constant 4 : i32
      %get3A_1087 = arith.index_cast %get3A_1086 : i32 to index
      %get3A_1088 = arith.constant 0 : index
      %get3A_1089 = tpu.vector_load %arg11[%get3A_1087, %get3A_1088] {strides = array<i32>} : memref<16x16xi32, #tpu.memory_space<vmem>>, vector<16xi32>,
      %add3A_1090 = arith.addi %add3A_1085, %get3A_1089 : vector<16xi32>
      %get3A_1091 = arith.constant 5 : i32
      %get3A_1092 = arith.index_cast %get3A_1091 : i32 to index
      %get3A_1093 = arith.constant 0 : index
      %get3A_1094 = tpu.vector_load %arg11[%get3A_1092, %get3A_1093] {strides = array<i32>} : memref<16x16xi32, #tpu.memory_space<vmem>>, vector<16xi32>,
      %add3A_1095 = arith.addi %add3A_1090, %get3A_1094 : vector<16xi32>
      %get3A_1096 = arith.constant 6 : i32
      %get3A_1097 = arith.index_cast %get3A_1096 : i32 to index
      %get3A_1098 = arith.constant 0 : index
      %get3A_1099 = tpu.vector_load %arg11[%get3A_1097, %get3A_1098] {strides = array<i32>} : memref<16x16xi32, #tpu.memory_space<vmem>>, vector<16xi32>,
      %add3A_1100 = arith.addi %add3A_1095, %get3A_1099 : vector<16xi32>
      %get3A_1101 = arith.constant 7 : i32
      %get3A_1102 = arith.index_cast %get3A_1101 : i32 to index
      %get3A_1103 = arith.constant 0 : index
      %get3A_1104 = tpu.vector_load %arg11[%get3A_1102, %get3A_1103] {strides = array<i32>} : memref<16x16xi32, #tpu.memory_space<vmem>>, vector<16xi32>,
      %add3A_1105 = arith.addi %add3A_1100, %get3A_1104 : vector<16xi32>
      %get3A_1106 = arith.constant 8 : i32
      %get3A_1107 = arith.index_cast %get3A_1106 : i32 to index
      %get3A_1108 = arith.constant 0 : index
      %get3A_1109 = tpu.vector_load %arg11[%get3A_1107, %get3A_1108] {strides = array<i32>} : memref<16x16xi32, #tpu.memory_space<vmem>>, vector<16xi32>,
      %add3A_1110 = arith.addi %add3A_1105, %get3A_1109 : vector<16xi32>
      %get3A_1111 = arith.constant 9 : i32
      %get3A_1112 = arith.index_cast %get3A_1111 : i32 to index
      %get3A_1113 = arith.constant 0 : index
      %get3A_1114 = tpu.vector_load %arg11[%get3A_1112, %get3A_1113] {strides = array<i32>} : memref<16x16xi32, #tpu.memory_space<vmem>>, vector<16xi32>,
      %add3A_1115 = arith.addi %add3A_1110, %get3A_1114 : vector<16xi32>
      %get3A_1116 = arith.constant 10 : i32
      %get3A_1117 = arith.index_cast %get3A_1116 : i32 to index
      %get3A_1118 = arith.constant 0 : index
      %get3A_1119 = tpu.vector_load %arg11[%get3A_1117, %get3A_1118] {strides = array<i32>} : memref<16x16xi32, #tpu.memory_space<vmem>>, vector<16xi32>,
      %add3A_1120 = arith.addi %add3A_1115, %get3A_1119 : vector<16xi32>
      %get3A_1121 = arith.constant 11 : i32
      %get3A_1122 = arith.index_cast %get3A_1121 : i32 to index
      %get3A_1123 = arith.constant 0 : index
      %get3A_1124 = tpu.vector_load %arg11[%get3A_1122, %get3A_1123] {strides = array<i32>} : memref<16x16xi32, #tpu.memory_space<vmem>>, vector<16xi32>,
      %add3A_1125 = arith.addi %add3A_1120, %get3A_1124 : vector<16xi32>
      %get3A_1126 = arith.constant 12 : i32
      %get3A_1127 = arith.index_cast %get3A_1126 : i32 to index
      %get3A_1128 = arith.constant 0 : index
      %get3A_1129 = tpu.vector_load %arg11[%get3A_1127, %get3A_1128] {strides = array<i32>} : memref<16x16xi32, #tpu.memory_space<vmem>>, vector<16xi32>,
      %add3A_1130 = arith.addi %add3A_1125, %get3A_1129 : vector<16xi32>
      %get3A_1131 = arith.constant 13 : i32
      %get3A_1132 = arith.index_cast %get3A_1131 : i32 to index
      %get3A_1133 = arith.constant 0 : index
      %get3A_1134 = tpu.vector_load %arg11[%get3A_1132, %get3A_1133] {strides = array<i32>} : memref<16x16xi32, #tpu.memory_space<vmem>>, vector<16xi32>,
      %add3A_1135 = arith.addi %add3A_1130, %get3A_1134 : vector<16xi32>
      %get3A_1136 = arith.constant 14 : i32
      %get3A_1137 = arith.index_cast %get3A_1136 : i32 to index
      %get3A_1138 = arith.constant 0 : index
      %get3A_1139 = tpu.vector_load %arg11[%get3A_1137, %get3A_1138] {strides = array<i32>} : memref<16x16xi32, #tpu.memory_space<vmem>>, vector<16xi32>,
      %add3A_1140 = arith.addi %add3A_1135, %get3A_1139 : vector<16xi32>
      %get3A_1141 = arith.constant 15 : i32
      %get3A_1142 = arith.index_cast %get3A_1141 : i32 to index
      %get3A_1143 = arith.constant 0 : index
      %get3A_1144 = tpu.vector_load %arg11[%get3A_1142, %get3A_1143] {strides = array<i32>} : memref<16x16xi32, #tpu.memory_space<vmem>>, vector<16xi32>,
      %add3A_1145 = arith.addi %add3A_1140, %get3A_1144 : vector<16xi32>
      %swap3A_1146 = arith.constant 0 : index
      %swap3A_1147 = tpu.vector_load %arg12[%swap3A_1146] {strides = array<i32>} : memref<16xi32, #tpu.memory_space<vmem>>, vector<16xi32>,
      tpu.vector_store %arg12[%swap3A_1146], %add3A_1145 {strides = array<i32>} : memref<16xi32, #tpu.memory_space<vmem>>, vector<16xi32>,
      %mul3A_1148 = arith.constant 16 : i32
      %mul3A_1149 = arith.muli %arg1, %mul3A_1148 : i32
      "tpu.region"() ({
        %run_scoped3A_1150 = tpu.sem_alloc : memref<!tpu.dma_semaphore, #tpu.memory_space<semaphore_mem>>
        %dma_start3A_1151 = tpu.memref_slice %arg5[%arg0, %mul3A_1149] : memref<2x128xi32, #tpu.memory_space<hbm>> -> memref<1x16xi32, #tpu.memory_space<hbm>>
        %dma_start3A_1152 = tpu.memref_squeeze %dma_start3A_1151 : memref<1x16xi32, #tpu.memory_space<hbm>> -> memref<16xi32, #tpu.memory_space<hbm>>
        %dma_start3A_1153 = tpu.memref_slice %arg5[%arg0, %mul3A_1149] : memref<2x128xi32, #tpu.memory_space<hbm>> -> memref<1x16xi32, #tpu.memory_space<hbm>>
        %dma_start3A_1154 = tpu.memref_squeeze %dma_start3A_1153 : memref<1x16xi32, #tpu.memory_space<hbm>> -> memref<16xi32, #tpu.memory_space<hbm>>
        tpu.enqueue_dma source(%arg12 : memref<16xi32, #tpu.memory_space<vmem>>) target(%dma_start3A_1154 : memref<16xi32, #tpu.memory_space<hbm>>) target_semaphore(%run_scoped3A_1150 : memref<!tpu.dma_semaphore, #tpu.memory_space<semaphore_mem>>)
        %dma_wait3A_1155 = tpu.memref_slice %arg5[%arg0, %mul3A_1149] : memref<2x128xi32, #tpu.memory_space<hbm>> -> memref<1x16xi32, #tpu.memory_space<hbm>>
        %dma_wait3A_1156 = tpu.memref_squeeze %dma_wait3A_1155 : memref<1x16xi32, #tpu.memory_space<hbm>> -> memref<16xi32, #tpu.memory_space<hbm>>
        %dma_wait3A_1157 = tpu.memref_slice %arg5[%arg0, %mul3A_1149] : memref<2x128xi32, #tpu.memory_space<hbm>> -> memref<1x16xi32, #tpu.memory_space<hbm>>
        %dma_wait3A_1158 = tpu.memref_squeeze %dma_wait3A_1157 : memref<1x16xi32, #tpu.memory_space<hbm>> -> memref<16xi32, #tpu.memory_space<hbm>>
        tpu.wait_dma2 semaphore(%run_scoped3A_1150 : memref<!tpu.dma_semaphore, #tpu.memory_space<semaphore_mem>>) src(%arg12 : memref<16xi32, #tpu.memory_space<vmem>>) dst(%dma_wait3A_1158 : memref<16xi32, #tpu.memory_space<hbm>>)
        tpu.yield
      }) : () -> ()
    } else {
    }
    return
  }
}

</mosaic_0001>

<sc_bundles>
// kernel: kernel.3.cloned.1.call-start
scs
__scs_entry_jumppad:
0x0: {  	(pc) =	sbr.rel $0x88, $3  }
0x1: {  	(tag) =	ssettag $0x0;
	lr =	simm.s32 $0x1  }
0x2: {  	[smem:$0x3FA0] =	sst lr;
	_ =	strace $0xD0000000  }
0x3: {  	_ = 	snop  }
0x4: {  	_ = 	snop  }
0x5: {  	_ = 	snop  }
0x6: {  	_ = 	snop  }
0x7: {  	_ = 	snop  }
__scs_overlays_trampoline_lowered:
0x8: {  	[smem:$0x3FAF] =	sst s0  }
0x9: {  	[smem:$0x3FB0] =	sst s1  }
0xa: {  	[smem:$0x3FB1] =	sst s2  }
0xb: {  	[smem:$0x3FB2] =	sst s3  }
0xc: {  	[smem:$0x3FB3] =	sst s4  }
0xd: {  	[smem:$0x3FB4] =	sst s5  }
0xe: {  	[smem:$0x3FB5] =	sst s6  }
0xf: {  	[smem:$0x3FB6] =	sst s7  }
0x10: {  	[smem:$0x3FB7] =	sst s8  }
0x11: {  	[smem:$0x3FB8] =	sst s9;
	s0 =	simm.s32 @!p0 $0x0  }
0x12: {  	s1 =	sld [smem:$0x3F9E];
	s0 =	simm.s32 @p0 $0x1  }
0x13: {  	[smem:$0x3FB9] =	sst s0;
	s0 =	simm.s32 @!p1 $0x0  }
0x14: {  	s2 =	sld [smem:$0x3F9D];
	s0 =	simm.s32 @p1 $0x1  }
0x15: {  	[smem:$0x3FBA] =	sst s0;
	s0 =	simm.s32 @!p2 $0x0  }
0x16: {  	s3 =	sld [smem:$0x3FDB];
	s0 =	simm.s32 @p2 $0x1  }
0x17: {  	s4 =	simm.s32 $0x1BF5;
	[smem:$0x3FBC] =	sst s0  }
0x18: {  	s0 =	sld [smem:$0x3F9F];
	_ =	swait.ge [sflag:s4], $0x0  }
0x19: {  	s7 =	sld [smem:$0x3FA0]  }
0x1a: {  	s8 =	sadd.s32 $0xFFFFE003, lr  }
0x1b: {  	s9 =	sadd.s32 $0xFFFFFEF7, lr;
	s5 =	simm.s32 $0xFFFFFFFF;
	p2 =	slt.u32 s8, $0xFFFFF086  }
0x1c: {  	p1 =	slt.u32 s9, $0xF7A;
	s5 =	simm.s32 @!p2 $0x0  }
0x1d: {  	s5 =	simm.s32 @p1 $0x1;
	p0 =	seq.s32 s7, s2  }
0x1e: {  	s7 =	smul.u32 @!p0 $0xF7A, s2;
	p2 =	seq.s32 @!p0 s5, $0x0  }
0x1f: {  	s9 =	smul.u32 $0xF7A, s1;
	s8 =	simm.s32 @!p0 $0x1BF5;
	p2 =	por !p2, p0  }
0x20: {  	[sflag:s8] =	ssyncset.s32 @!p0 $0xFFFFF086;
	s6 =	sadd.s32 @!p0 s3, s7;
	s7 =	simm.s32 @!p0 $0x108  }
0x21: {  	s3 =	sadd.s32 s3, s9;
	s6 =	sadd.s32 @!p0 $0x88, s6;
	s7 =	simm.s32 @p2 $0x1082  }
0x22: {  	[simem:s7], [sflag:s8] =	dma.local @!p0 [hbm:s6], $0xF7A  }
0x23: {  	s9 =	sor.u32 $0xD0000000, s2;
	s6 =	simm.s32 $0x108;
	_ =	swait.ge @!p0 [sflag:s8], $0x0  }
0x24: {  	s3 =	sadd.s32 $0x88, s3;
	s6 =	simm.s32 @!p1 $0x1082;
	[sflag:s4] =	ssyncset.s32 $0xFFFFF086  }
0x25: {  	[simem:s6], [sflag:s4] =	dma.local [hbm:s3], $0xF7A  }
0x26: {  	[smem:$0x3FA0] =	sst s1;
	(tag) =	ssettag s2;
	_ =	strace s9  }
0x27: {  	s1 =	sld [smem:$0x3FB0]  }
0x28: {  	s2 =	sld [smem:$0x3FB1]  }
0x29: {  	s4 =	sld [smem:$0x3FB3]  }
0x2a: {  	p0 =	seq.s32 s5, $0x0;
	s5 =	sld [smem:$0x3FB4]  }
0x2b: {  	s6 =	sld [smem:$0x3FB5]  }
0x2c: {  	s7 =	sld [smem:$0x3FB6]  }
0x2d: {  	s3 =	simm.s32 $0x108;
	s8 =	sld [smem:$0x3FB7]  }
0x2e: {  	s3 =	simm.s32 @!p0 $0x1082;
	s9 =	sld [smem:$0x3FB8]  }
0x2f: {  	lr =	sadd.s32 s0, s3;
	s0 =	sld [smem:$0x3FAF]  }
0x30: {  	s3 =	sld [smem:$0x3FB2]  }
0x31: {  	[smem:$0x3FBB] =	sst s10  }
0x32: {  	s10 =	sld [smem:$0x3FB9];
	_ =	sdelay $0x3  }
0x33: {  	p0 =	seq.s32 s10, $0x1;
	s10 =	sld [smem:$0x3FBB];
	_ =	sdelay $0x3  }
0x34: {  	[smem:$0x3FBB] =	sst s10  }
0x35: {  	s10 =	sld [smem:$0x3FBA];
	_ =	sdelay $0x3  }
0x36: {  	p1 =	seq.s32 s10, $0x1;
	s10 =	sld [smem:$0x3FBB];
	_ =	sdelay $0x3  }
0x37: {  	[smem:$0x3FBB] =	sst s10  }
0x38: {  	s10 =	sld [smem:$0x3FBC]  }
0x39: {  	_ = 	snop;
	(pc) =	sbr.ind lr, $3  }
0x3a: {  	_ = 	snop  }
0x3b: {  	_ = 	snop  }
0x3c: {  	p2 =	seq.s32 s10, $0x1;
	s10 =	sld [smem:$0x3FBB]  }
0x3d: {  	_ =	shalt  }
0x3e: {  	_ =	shalt  }
0x3f: {  	_ =	shalt  }
0x40: {  	_ =	shalt  }
0x41: {  	_ =	shalt  }
0x42: {  	_ =	shalt  }
0x43: {  	_ =	shalt  }
0x44: {  	_ =	shalt  }
0x45: {  	_ =	shalt  }
0x46: {  	_ =	shalt  }
0x47: {  	_ =	shalt  }
0x48: {  	_ =	shalt  }
0x49: {  	_ =	shalt  }
0x4a: {  	_ =	shalt  }
0x4b: {  	_ =	shalt  }
0x4c: {  	_ =	shalt  }
0x4d: {  	_ =	shalt  }
0x4e: {  	_ =	shalt  }
0x4f: {  	_ =	shalt  }
0x50: {  	_ =	shalt  }
0x51: {  	_ =	shalt  }
0x52: {  	_ =	shalt  }
0x53: {  	_ =	shalt  }
0x54: {  	_ =	shalt  }
0x55: {  	_ =	shalt  }
0x56: {  	_ =	shalt  }
0x57: {  	_ =	shalt  }
0x58: {  	_ =	shalt  }
0x59: {  	_ =	shalt  }
0x5a: {  	_ =	shalt  }
0x5b: {  	_ =	shalt  }
0x5c: {  	_ =	shalt  }
0x5d: {  	_ =	shalt  }
0x5e: {  	_ =	shalt  }
0x5f: {  	_ =	shalt  }
0x60: {  	_ =	shalt  }
0x61: {  	_ =	shalt  }
0x62: {  	_ =	shalt  }
0x63: {  	_ =	shalt  }
0x64: {  	_ =	shalt  }
0x65: {  	_ =	shalt  }
0x66: {  	_ =	shalt  }
0x67: {  	_ =	shalt  }
0x68: {  	_ =	shalt  }
0x69: {  	_ =	shalt  }
0x6a: {  	_ =	shalt  }
0x6b: {  	_ =	shalt  }
0x6c: {  	_ =	shalt  }
0x6d: {  	_ =	shalt  }
0x6e: {  	_ =	shalt  }
0x6f: {  	_ =	shalt  }
0x70: {  	_ =	shalt  }
0x71: {  	_ =	shalt  }
0x72: {  	_ =	shalt  }
0x73: {  	_ =	shalt  }
0x74: {  	_ =	shalt  }
0x75: {  	_ =	shalt  }
0x76: {  	_ =	shalt  }
0x77: {  	_ =	shalt  }
0x78: {  	_ =	shalt  }
0x79: {  	_ =	shalt  }
0x7a: {  	_ =	shalt  }
0x7b: {  	_ =	shalt  }
0x7c: {  	_ =	shalt  }
0x7d: {  	_ =	shalt  }
0x7e: {  	_ =	shalt  }
0x7f: {  	_ =	shalt  }
0x80: {  	_ =	shalt  }
0x81: {  	_ =	shalt  }
0x82: {  	_ =	shalt  }
0x83: {  	_ =	shalt  }
0x84: {  	_ =	shalt  }
0x85: {  	_ =	shalt  }
0x86: {  	_ =	shalt  }
0x87: {  	_ =	shalt  }
.Lfunc_end0:
.L_simem_size_0:
called_computation_lowered:
.L_overlay_start_0:
0x88: {  	s2 =	sld [smem:$0x3FD9]  }
0x89: {  	s3 =	sld [smem:$0x3FFE];
	_ =	sdelay $0x1  }
0x8a: {  	s1 =	srdreg.scid  }
0x8b: {  	s0 =	sand.u32 $0x1, s1  }
0x8c: {  	s17 =	sshll.u32 s0, $0xA;
	s2 =	sadd.s32 s3, s2  }
0x8d: {  	s2 =	sadd.s32 s2, s17  }
0x8e: {  	[smem:$0x3FC7] =	sst s2  }
0x8f: {  	_ = 	snop  }
0x90: {  	s2 =	sld [smem:$0x3FC9]  }
0x91: {  	s18 =	sld [smem:$0x3FD0];
	(tm) =	ssettm $0x1  }
0x92: {  	s4 =	sld [smem:$0x3FFB];
	_ =	sdelay $0x3  }
0x93: {  	_ =	strace s4  }
0x94: {  	s4 =	sld [smem:$0x3FFC];
	_ =	sdelay $0x3  }
0x95: {  	_ =	strace s4  }
0x96: {  	s4 =	sld [smem:$0x3FFD];
	_ =	sdelay $0x3  }
0x97: {  	_ =	strace s4  }
0x98: {  	_ =	strace $0x8FFFFFFF  }
0x99: {  	s19 =	sld [smem:$0x3FDB];
	_ =	sdelay $0x1  }
0x9a: {  	s5 =	simm.s32 $_scs_section_size  }
0x9b: {  	s6 =	simm.s32 $_size__tile_overlayer_lowered;
	s7 =	simm.s32 $_tile_overlayer_lowered  }
0x9c: {  	s22 =	simm.s32 $0x1BFF;
	s21 =	sshll.u32 s7, $0x1;
	s4 =	sadd.s32 s5, s19  }
0x9d: {  	s8 =	simm.s32 $0x0;
	s20 =	sshll.u32 s6, $0x1;
	s6 =	sadd.s32 s21, s4  }
0x9e: {  	[timem:s8], [sflag:s22] =	dma.local [hbm:s6], s20  }
0x9f: {  	_ =	swait.ge [sflag:s22], s20  }
0xa0: {  	s5 =	ssub.s32 $0x0, s20;
	[sflag:s22] =	ssyncset.done $0x0  }
0xa1: {  	[sflag:s22] =	ssyncadd.s32 s5;
	_ =	sdelay $0x1  }
0xa2: {  	s23 =	simm.s32 $0x1B8B  }
0xa3: {  	_ =	swait.ge [sflag:s23], $0x1  }
0xa4: {  	[sflag:s23] =	ssyncset.done $0x0  }
0xa5: {  	s25 =	simm.s32 $0x1B8E;
	s24 =	sld [smem:$0x3FFE];
	[sflag:s23] =	ssyncadd.s32 $0xFFFFFFFF  }
0xa6: {  	s26 =	simm.s32 $execute0_lowered;
	[smem:$0x3FD2] =	sst s25  }
0xa7: {  	s6 =	sshll.u32 s26, $0x1;
	_ =	strace $0x80000046;
	[dreg:$0x1] =	wrdreg $0xFFFFFFFF  }
0xa8: {  	s28 =	simm.s32 $_size_execute0_lowered;
	s4 =	sadd.s32 s4, s6;
	[dreg:$0x0] =	wrdreg $0x0  }
0xa9: {  	s6 =	sshll.u32 s28, $0x1;
	[dreg:$0x2] =	wrdreg s4  }
0xaa: {  	[dreg:$0x3] =	wrdreg s6  }
0xab: {  	[dreg:$0x4] =	wrdreg $0xC0  }
0xac: {  	_ =	task [dreg:s8], $0x5FFFF  }
0xad: {  	[dreg:$0x1] =	wrdreg $0xFFFFFFFF  }
0xae: {  	[dreg:$0x0] =	wrdreg $0x60  }
0xaf: {  	[dreg:$0x2] =	wrdreg s2  }
0xb0: {  	[dreg:$0x3] =	wrdreg s24  }
0xb1: {  	[dreg:$0x4] =	wrdreg s18  }
0xb2: {  	[dreg:$0x5] =	wrdreg $0x2E000  }
0xb3: {  	[dreg:$0x6] =	wrdreg $0x9  }
0xb4: {  	_ =	task.clear_ibuf [dreg:s8], $0x7FFFF;
	_ =	strace $0x90000046  }
0xb5: {  	s29 =	simm.s32 $0x9;
	_ =	strace $0x80000048  }
0xb6: {  	_ =	swait.ge [sflag:s29], $0x1  }
0xb7: {  	[sflag:s29] =	ssyncadd.s32 $0xFFFFFFFF  }
0xb8: {  	_ =	strace $0x90000048  }
0xb9: {  	_ =	sfence  }
0xba: {  	s30 =	sld [smem:$0x0];
	_ =	sdelay $0x2  }
0xbb: {  	s31 =	sshll.u32 s1, $0xD;
	s1 =	sshrl.u32 s1, $0x2  }
0xbc: {  	s3 =	sand.u32 $0x4000, s31;
	s1 =	sadd.s32 s1, s30  }
0xbd: {  	s0 =	sor.u32 s3, s0;
	s1 =	sshll.u32 s1, $0x11  }
0xbe: {  	s0 =	sor.u32 s1, s0  }
0xbf: {  	s0 =	sadd.s32 $0x8F2B, s0  }
0xc0: {  	[sflag:s0] =	ssyncadd.remote.s32 $0x1  }
0xc1: {  	_ =	sfence.sel $0xFFFF  }
0xc2: {  	[dreg:$0x0] =	wrdreg $0xFFFFFFFF;
	(pc) =	sbr.abs _section_cstart, $3  }
0xc3: {  	[dreg:$0x1] =	wrdreg $0xFFFFFFFF  }
0xc4: {  	_ =	task.clear_ibuf [dreg:s8], $0x2FFFF;
	_ =	strace $0x9FFFFFFF  }
0xc5: {  	(tm) =	ssettm $0x7FFFFFFF  }
tec
execute0_lowered:
.L_overlay_start_1:
0x0: {  	(tag) =	ssettag $0x1  }
0x1: {  	s0 =	rddreg [dreg:$0x0]  }
0x2: {  	s1 =	rddreg [dreg:$0x1]  }
0x3: {  	s2 =	srdreg.scid;
	s4 =	rddreg [dreg:$0x2]  }
0x4: {  	s23 =	stileid.u32;
	s19 =	rddreg [dreg:$0x3]  }
0x5: {  	s5 =	sand.u32 $0x1, s2;
	s17 =	sshll.u32 s23, $0x1;
	s2 =	simm.s32 $0x0  }
0x6: {  	p2 =	sgt.u32 s23, $0x7;
	s21 =	sor.u32 s5, s17;
	[smem:$0x7FF] =	sst s2  }
0x7: {  	s20 =	ssub.s32 $0x2, s5;
	s5 =	sshll.u32 s5, $0x7;
	s3 =	smul.u32 $0x18, s21  }
0x8: {  	s6 =	smin.u32 s21, $0xD;
	_ =	strace $0x80000047;
	s7 =	sshll.u32 s21, $0x4  }
0x9: {  	s8 =	sshrl.u32 s20, $0x1;
	s25 =	sadd.s32 $0xFFFFFFF3, s21;
	p0 =	sgt.u32 s21, $0xC  }
0xa: {  	s18 =	sadd.s32 $0xFFFFFF30, s7;
	p1 =	sgt.u32 s25, $0x1;
	s3 =	sadd.s32 s6, s3  }
0xb: {  	s6 =	sshrl.u32 s18, $0x3;
	s18 =	sshll.u32 s23, $0x7;
	s3 =	sshll.u32 s3, $0x5  }
0xc: {  	s18 =	sadd.s32 s18, s19;
	s3 =	sadd.s32 s0, s3;
	s0 =	sadd.s32 s6, s1  }
0xd: {  	s1 =	ssub.s32 s20, s8;
	s20 =	sshll.u32 s23, $0x4;
	s22 =	sadd.s32 $0x20, s3  }
0xe: {  	s24 =	sadd.s32 $0x40, s3;
	s6 =	sadd.s32 $0x60, s3;
	s7 =	sadd.s32 $0x80, s3  }
0xf: {  	s8 =	sadd.s32 $0xA0, s3;
	s9 =	sadd.s32 $0xC0, s3;
	s10 =	sadd.s32 $0xE0, s3  }
0x10: {  	s11 =	sadd.s32 $0x100, s3;
	s12 =	sadd.s32 $0x120, s3;
	[dreg:$0x5] =	wrdreg s22  }
0x11: {  	s13 =	sadd.s32 $0x140, s3;
	s26 =	sadd.s32 $0x400, s0;
	[dreg:$0x6] =	wrdreg s24  }
0x12: {  	s14 =	sadd.s32 $0x160, s3;
	s0 =	sadd.s32 $0x200, s0;
	[dreg:$0x9] =	wrdreg s26  }
0x13: {  	s15 =	sadd.s32 $0x180, s3;
	s19 =	sadd.s32 s20, s19;
	[dreg:$0xa] =	wrdreg s0  }
0x14: {  	s16 =	sadd.s32 $0x1A0, s3;
	s21 =	sadd.s32 $0x80, s19;
	[dreg:$0x7] =	wrdreg s19  }
0x15: {  	s5 =	sadd.s32 s20, s5;
	s23 =	sadd.s32 $0x100, s19;
	[dreg:$0xc] =	wrdreg s21  }
0x16: {  	s5 =	sshrl.u32 s5, $0x3;
	s24 =	sadd.s32 $0x180, s19;
	[dreg:$0xd] =	wrdreg s23  }
0x17: {  	s17 =	sadd.s32 $0x1C0, s3;
	s4 =	sadd.s32 s4, s5;
	[dreg:$0xe] =	wrdreg s24  }
0x18: {  	s20 =	sadd.s32 $0x1E0, s3;
	s5 =	sadd.s32 $0x300, s3;
	[dreg:$0x8] =	wrdreg s4  }
0x19: {  	s25 =	smax.u32 s1, $0x1;
	s21 =	sadd.s32 $0x280, s19;
	[dreg:$0xb] =	wrdreg s5  }
0x1a: {  	s28 =	sadd.s32 $0x240, s3;
	s23 =	sadd.s32 $0x300, s19;
	[dreg:$0x10] =	wrdreg s21  }
0x1b: {  	s29 =	sadd.s32 $0x260, s3;
	s24 =	sadd.s32 $0x380, s19;
	[dreg:$0x11] =	wrdreg s23  }
0x1c: {  	s30 =	sadd.s32 $0x280, s3;
	s5 =	sadd.s32 $0x200, s19;
	[dreg:$0x12] =	wrdreg s24  }
0x1d: {  	s31 =	sadd.s32 $0x2A0, s3;
	s21 =	sadd.s32 $0x480, s19;
	[dreg:$0xf] =	wrdreg s5  }
0x1e: {  	s1 =	sadd.s32 $0x2C0, s3;
	s23 =	sadd.s32 $0x500, s19;
	[dreg:$0x14] =	wrdreg s21  }
0x1f: {  	s22 =	sadd.s32 $0x200, s3;
	s24 =	sadd.s32 $0x580, s19;
	[dreg:$0x15] =	wrdreg s23  }
0x20: {  	s26 =	sadd.s32 $0x220, s3;
	s5 =	sadd.s32 $0x400, s19;
	[dreg:$0x16] =	wrdreg s24  }
.Ltmp0:
0x21: {  	s21 =	sadd.s32 $0x680, s19;
	[dreg:$0x13] =	wrdreg s5;
	(pc) =	sbr.rel .LBB2_1-.Ltmp0, $4  }
0x22: {  	s0 =	sadd.s32 $0x2E0, s3;
	s23 =	sadd.s32 $0x700, s19;
	[dreg:$0x18] =	wrdreg s21  }
0x23: {  	s24 =	sadd.s32 $0x780, s19;
	s5 =	sadd.s32 $0x600, s19;
	[dreg:$0x19] =	wrdreg s23  }
0x24: {  	v1 =	vlaneseq.u32;
	[dreg:$0x1a] =	wrdreg s24;
	s24 =	simm.s32 $0x1;
	s21 =	simm.s32 $0x1D00  }
0x25: {  	v0 =	vimm.s32 $0x0;
	v2 =	vimm.s32 $0x1;
	v1 =	vmul.u32 $0x80, v1;
	s23 =	simm.s32 $0x2;
	s19 =	simm.s32 $0x0;
	[dreg:$0x17] =	wrdreg s5  }
.LBB2_12:
0x26: {  	s19 =	sadd.s32 $0x1, s19  }
0x27: {  	p3 =	sne.s32 s19, s25  }
.Ltmp1:
0x28: {  	_ = 	snop;
	(pc) =	sbr.rel @!p3 .LBB2_13-.Ltmp1, $1  }
0x29: {  	_ =	sdelay $0x3  }
.LBB2_1:
0x2a: {  	[dreg:$0x1b] =	wrdreg s19  }
0x2b: {  	[tilespmem:s2], [sflag:$0x1] =	stream.linear.gather [hbm4b:s3+s2], $0x100, $0x38;
	[tilespmem:$0x2E80] =	vst v63  }
0x2c: {  	s4 =	rddreg [dreg:$0x5];
	s5 =	simm.s32 $0x100  }
0x2d: {  	[tilespmem:s5], [sflag:$0x1] =	stream.linear.gather [hbm4b:s4+s2], $0x100, $0x38;
	[tilespmem:$0x2E80] =	vst v63  }
0x2e: {  	s19 =	simm.s32 $0x200;
	s5 =	rddreg [dreg:$0x6]  }
0x2f: {  	[tilespmem:s19], [sflag:$0x1] =	stream.linear.gather [hbm4b:s5+s2], $0x100, $0x38;
	[tilespmem:$0x2E80] =	vst v63  }
0x30: {  	s19 =	simm.s32 $0x300  }
0x31: {  	[tilespmem:s19], [sflag:$0x1] =	stream.linear.gather [hbm4b:s6+s2], $0x100, $0x38;
	[tilespmem:$0x2E80] =	vst v63  }
0x32: {  	s5 =	simm.s32 $0x400  }
0x33: {  	[tilespmem:s5], [sflag:$0x1] =	stream.linear.gather [hbm4b:s7+s2], $0x100, $0x38;
	[tilespmem:$0x2E80] =	vst v63  }
0x34: {  	s19 =	simm.s32 $0x500  }
0x35: {  	[tilespmem:s19], [sflag:$0x1] =	stream.linear.gather [hbm4b:s8+s2], $0x100, $0x38;
	[tilespmem:$0x2E80] =	vst v63  }
0x36: {  	s5 =	simm.s32 $0x600  }
0x37: {  	[tilespmem:s5], [sflag:$0x1] =	stream.linear.gather [hbm4b:s9+s2], $0x100, $0x38;
	[tilespmem:$0x2E80] =	vst v63  }
0x38: {  	s19 =	simm.s32 $0x700  }
0x39: {  	[tilespmem:s19], [sflag:$0x1] =	stream.linear.gather [hbm4b:s10+s2], $0x100, $0x38;
	[tilespmem:$0x2E80] =	vst v63  }
0x3a: {  	s5 =	simm.s32 $0x800  }
0x3b: {  	[tilespmem:s5], [sflag:$0x1] =	stream.linear.gather [hbm4b:s11+s2], $0x100, $0x38;
	[tilespmem:$0x2E80] =	vst v63  }
0x3c: {  	s19 =	simm.s32 $0x900  }
0x3d: {  	[tilespmem:s19], [sflag:$0x1] =	stream.linear.gather [hbm4b:s12+s2], $0x100, $0x38;
	[tilespmem:$0x2E80] =	vst v63  }
0x3e: {  	s5 =	simm.s32 $0xA00  }
0x3f: {  	[tilespmem:s5], [sflag:$0x1] =	stream.linear.gather [hbm4b:s13+s2], $0x100, $0x38;
	[tilespmem:$0x2E80] =	vst v63  }
0x40: {  	s19 =	simm.s32 $0xB00  }
0x41: {  	[tilespmem:s19], [sflag:$0x1] =	stream.linear.gather [hbm4b:s14+s2], $0x100, $0x38;
	[tilespmem:$0x2E80] =	vst v63  }
0x42: {  	s5 =	simm.s32 $0xC00  }
0x43: {  	[tilespmem:s5], [sflag:$0x1] =	stream.linear.gather [hbm4b:s15+s2], $0x100, $0x38;
	[tilespmem:$0x2E80] =	vst v63  }
0x44: {  	s19 =	simm.s32 $0xD00  }
0x45: {  	[tilespmem:s19], [sflag:$0x1] =	stream.linear.gather [hbm4b:s16+s2], $0x100, $0x38;
	[tilespmem:$0x2E80] =	vst v63  }
0x46: {  	s5 =	simm.s32 $0xE00  }
0x47: {  	[tilespmem:s5], [sflag:$0x1] =	stream.linear.gather [hbm4b:s17+s2], $0x100, $0x38;
	[tilespmem:$0x2E80] =	vst v63  }
0x48: {  	s19 =	simm.s32 $0xF00  }
0x49: {  	[tilespmem:s19], [sflag:$0x1] =	stream.linear.gather [hbm4b:s20+s2], $0x100, $0x38;
	[tilespmem:$0x2E80] =	vst v63  }
0x4a: {  	s5 =	simm.s32 $0x1000  }
0x4b: {  	[tilespmem:s5], [sflag:$0x1] =	stream.linear.gather [hbm4b:s22+s2], $0x100, $0x38;
	[tilespmem:$0x2E80] =	vst v63  }
0x4c: {  	s19 =	simm.s32 $0x1100  }
0x4d: {  	[tilespmem:s19], [sflag:$0x1] =	stream.linear.gather [hbm4b:s26+s2], $0x100, $0x38;
	[tilespmem:$0x2E80] =	vst v63  }
0x4e: {  	s5 =	simm.s32 $0x1200  }
0x4f: {  	[tilespmem:s5], [sflag:$0x1] =	stream.linear.gather [hbm4b:s28+s2], $0x100, $0x38;
	[tilespmem:$0x2E80] =	vst v63  }
0x50: {  	s19 =	simm.s32 $0x1300  }
0x51: {  	[tilespmem:s19], [sflag:$0x1] =	stream.linear.gather [hbm4b:s29+s2], $0x100, $0x38;
	[tilespmem:$0x2E80] =	vst v63  }
0x52: {  	s5 =	simm.s32 $0x1400  }
0x53: {  	[tilespmem:s5], [sflag:$0x1] =	stream.linear.gather [hbm4b:s30+s2], $0x100, $0x38;
	[tilespmem:$0x2E80] =	vst v63  }
0x54: {  	s19 =	simm.s32 $0x1500  }
0x55: {  	[tilespmem:s19], [sflag:$0x1] =	stream.linear.gather [hbm4b:s31+s2], $0x100, $0x38;
	[tilespmem:$0x2E80] =	vst v63  }
0x56: {  	s5 =	simm.s32 $0x1600  }
0x57: {  	[tilespmem:s5], [sflag:$0x1] =	stream.linear.gather [hbm4b:s1+s2], $0x100, $0x38;
	[tilespmem:$0x2E80] =	vst v63  }
0x58: {  	s4 =	simm.s32 $0x40;
	s19 =	simm.s32 $0x1700;
	s5 =	simm.s32 $0x0  }
0x59: {  	[tilespmem:s19], [sflag:$0x1] =	stream.linear.gather [hbm4b:s0+s2], $0x100, $0x38;
	[tilespmem:$0x2E80] =	vst v63  }
.LBB2_2:
0x5a: {  	p3 =	sne.s32 s4, $0x1FC0;
	[tilespmem:s5+$0x1D00] =	vst v0;
	s5 =	smov.u32 s4;
	s4 =	sadd.s32 $0x40, s4  }
.Ltmp2:
0x5b: {  	(pc) =	sbr.rel @p3 .LBB2_2-.Ltmp2, $2  }
0x5c: {  	_ =	sdelay $0x2  }
0x5d: {  	s5 =	sshra.s32 s5, $0x2  }
0x5e: {  	[tilespmem:s5+$0x1D00] =	vst v0  }
0x5f: {  	_ =	swait.ge [sflag:s24], $0x100  }
0x60: {  	[sflag:s24] =	ssyncset.done $0x0  }
0x61: {  	[sflag:s24] =	ssyncadd.s32 $0xFFFFFF00  }
0x62: {  	_ =	swait.ge [sflag:s24], $0x100  }
0x63: {  	[sflag:s24] =	ssyncset.done $0x0  }
0x64: {  	[sflag:s24] =	ssyncadd.s32 $0xFFFFFF00  }
0x65: {  	_ =	swait.ge [sflag:s24], $0x100  }
0x66: {  	[sflag:s24] =	ssyncset.done $0x0  }
0x67: {  	[sflag:s24] =	ssyncadd.s32 $0xFFFFFF00  }
0x68: {  	_ =	swait.ge [sflag:s24], $0x100  }
0x69: {  	[sflag:s24] =	ssyncset.done $0x0  }
0x6a: {  	[sflag:s24] =	ssyncadd.s32 $0xFFFFFF00  }
0x6b: {  	_ =	swait.ge [sflag:s24], $0x100  }
0x6c: {  	[sflag:s24] =	ssyncset.done $0x0  }
0x6d: {  	[sflag:s24] =	ssyncadd.s32 $0xFFFFFF00  }
0x6e: {  	_ =	swait.ge [sflag:s24], $0x100  }
0x6f: {  	[sflag:s24] =	ssyncset.done $0x0  }
0x70: {  	[sflag:s24] =	ssyncadd.s32 $0xFFFFFF00  }
0x71: {  	_ =	swait.ge [sflag:s24], $0x100  }
0x72: {  	[sflag:s24] =	ssyncset.done $0x0  }
0x73: {  	[sflag:s24] =	ssyncadd.s32 $0xFFFFFF00  }
0x74: {  	_ =	swait.ge [sflag:s24], $0x100  }
0x75: {  	[sflag:s24] =	ssyncset.done $0x0  }
0x76: {  	[sflag:s24] =	ssyncadd.s32 $0xFFFFFF00  }
0x77: {  	_ =	swait.ge [sflag:s24], $0x100  }
0x78: {  	[sflag:s24] =	ssyncset.done $0x0  }
0x79: {  	[sflag:s24] =	ssyncadd.s32 $0xFFFFFF00  }
0x7a: {  	_ =	swait.ge [sflag:s24], $0x100  }
0x7b: {  	[sflag:s24] =	ssyncset.done $0x0  }
0x7c: {  	[sflag:s24] =	ssyncadd.s32 $0xFFFFFF00  }
0x7d: {  	_ =	swait.ge [sflag:s24], $0x100  }
0x7e: {  	[sflag:s24] =	ssyncset.done $0x0  }
0x7f: {  	[sflag:s24] =	ssyncadd.s32 $0xFFFFFF00  }
0x80: {  	_ =	swait.ge [sflag:s24], $0x100  }
0x81: {  	[sflag:s24] =	ssyncset.done $0x0  }
0x82: {  	[sflag:s24] =	ssyncadd.s32 $0xFFFFFF00  }
0x83: {  	_ =	swait.ge [sflag:s24], $0x100  }
0x84: {  	[sflag:s24] =	ssyncset.done $0x0  }
0x85: {  	[sflag:s24] =	ssyncadd.s32 $0xFFFFFF00  }
0x86: {  	_ =	swait.ge [sflag:s24], $0x100  }
0x87: {  	[sflag:s24] =	ssyncset.done $0x0  }
0x88: {  	[sflag:s24] =	ssyncadd.s32 $0xFFFFFF00  }
0x89: {  	_ =	swait.ge [sflag:s24], $0x100  }
0x8a: {  	[sflag:s24] =	ssyncset.done $0x0  }
0x8b: {  	[sflag:s24] =	ssyncadd.s32 $0xFFFFFF00  }
0x8c: {  	_ =	swait.ge [sflag:s24], $0x100  }
0x8d: {  	[sflag:s24] =	ssyncset.done $0x0  }
0x8e: {  	[sflag:s24] =	ssyncadd.s32 $0xFFFFFF00  }
0x8f: {  	_ =	swait.ge [sflag:s24], $0x100  }
0x90: {  	[sflag:s24] =	ssyncset.done $0x0  }
0x91: {  	[sflag:s24] =	ssyncadd.s32 $0xFFFFFF00  }
0x92: {  	_ =	swait.ge [sflag:s24], $0x100  }
0x93: {  	[sflag:s24] =	ssyncset.done $0x0  }
0x94: {  	[sflag:s24] =	ssyncadd.s32 $0xFFFFFF00  }
0x95: {  	_ =	swait.ge [sflag:s24], $0x100  }
0x96: {  	[sflag:s24] =	ssyncset.done $0x0  }
0x97: {  	[sflag:s24] =	ssyncadd.s32 $0xFFFFFF00  }
0x98: {  	_ =	swait.ge [sflag:s24], $0x100  }
0x99: {  	[sflag:s24] =	ssyncset.done $0x0  }
0x9a: {  	[sflag:s24] =	ssyncadd.s32 $0xFFFFFF00  }
0x9b: {  	_ =	swait.ge [sflag:s24], $0x100  }
0x9c: {  	[sflag:s24] =	ssyncset.done $0x0  }
0x9d: {  	[sflag:s24] =	ssyncadd.s32 $0xFFFFFF00  }
0x9e: {  	_ =	swait.ge [sflag:s24], $0x100  }
0x9f: {  	[sflag:s24] =	ssyncset.done $0x0  }
0xa0: {  	[sflag:s24] =	ssyncadd.s32 $0xFFFFFF00  }
0xa1: {  	_ =	swait.ge [sflag:s24], $0x100  }
0xa2: {  	[sflag:s24] =	ssyncset.done $0x0  }
0xa3: {  	[sflag:s24] =	ssyncadd.s32 $0xFFFFFF00  }
0xa4: {  	_ =	swait.ge [sflag:s24], $0x100  }
0xa5: {  	[sflag:s24] =	ssyncset.done $0x0  }
0xa6: {  	s4 =	simm.s32 $0x80;
	[sflag:s24] =	ssyncadd.s32 $0xFFFFFF00  }
0xa7: {  	v3 =	vld [tilespmem:s4+$0xFFFFFFF0]  }
0xa8: {  	v4 =	vld [tilespmem:s4+$0x70]  }
0xa9: {  	v5 =	vld [tilespmem:s4+$0xFFFFFF90]  }
0xaa: {  	v6 =	vld [tilespmem:s4+$0xFFFFFFA0]  }
0xab: {  	v7 =	vld [tilespmem:s4+$0xFFFFFFB0]  }
0xac: {  	v8 =	vld [tilespmem:s4+$0xFFFFFFC0]  }
0xad: {  	v9 =	vld [tilespmem:s4+$0xFFFFFFD0]  }
0xae: {  	v10 =	vld [tilespmem:s4+$0xFFFFFFE0]  }
0xaf: {  	v11 =	vld [tilespmem:s4+$0xFFFFFF80]  }
0xb0: {  	v12 =	vld [tilespmem:s4+$0x0]  }
0xb1: {  	v13 =	vld [tilespmem:s4+$0x10]  }
0xb2: {  	v14 =	vld [tilespmem:s4+$0x20]  }
0xb3: {  	v15 =	vld [tilespmem:s4+$0x30];
	v3 =	vmul.f32 $1.600000000e+01, v3  }
0xb4: {  	s19 =	simm.s32 $0x180;
	v16 =	vld [tilespmem:s4+$0x40];
	v4 =	vmul.f32 $8.000000000e+00, v4;
	v5 =	vmul.f32 $1.600000000e+01, v5  }
0xb5: {  	v19 =	vld [tilespmem:s19+$0x70];
	v6 =	vmul.f32 $1.600000000e+01, v6;
	v7 =	vmul.f32 $1.600000000e+01, v7  }
0xb6: {  	v21 =	vld [tilespmem:s19+$0xFFFFFFA0];
	v8 =	vmul.f32 $1.600000000e+01, v8;
	v9 =	vmul.f32 $1.600000000e+01, v9  }
0xb7: {  	v10 =	vmul.f32 $1.600000000e+01, v10;
	v11 =	vmul.f32 $1.600000000e+01, v11  }
0xb8: {  	v12 =	vmul.f32 $8.000000000e+00, v12;
	v13 =	vmul.f32 $8.000000000e+00, v13  }
0xb9: {  	v14 =	vmul.f32 $8.000000000e+00, v14;
	v15 =	vmul.f32 $8.000000000e+00, v15  }
0xba: {  	v16 =	vmul.f32 $8.000000000e+00, v16;
	v19 =	vmul.f32 $8.000000000e+00, v19  }
0xbb: {  	v21 =	vmul.f32 $1.600000000e+01, v21;
	v3 =	vtrunc.f32 v3  }
0xbc: {  	v4 =	vtrunc.f32 v4;
	v5 =	vtrunc.f32 v5  }
0xbd: {  	v6 =	vtrunc.f32 v6;
	v7 =	vtrunc.f32 v7  }
0xbe: {  	v8 =	vtrunc.f32 v8;
	v11 =	vtrunc.f32 v11  }
0xbf: {  	v9 =	vtrunc.f32 v9;
	v10 =	vtrunc.f32 v10  }
0xc0: {  	v12 =	vtrunc.f32 v12;
	v13 =	vtrunc.f32 v13  }
0xc1: {  	v14 =	vtrunc.f32 v14;
	v15 =	vtrunc.f32 v15  }
0xc2: {  	v16 =	vtrunc.f32 v16;
	v19 =	vtrunc.f32 v19  }
0xc3: {  	v3 =	vcvt.f32.s32 v3;
	v4 =	vcvt.f32.s32 v4  }
0xc4: {  	v11 =	vcvt.f32.s32 v11;
	v6 =	vcvt.f32.s32 v6  }
0xc5: {  	v17 =	vld [tilespmem:s4+$0x50];
	v7 =	vcvt.f32.s32 v7;
	v8 =	vcvt.f32.s32 v8  }
0xc6: {  	v18 =	vld [tilespmem:s4+$0x60];
	v9 =	vcvt.f32.s32 v9;
	v10 =	vcvt.f32.s32 v10  }
0xc7: {  	v12 =	vcvt.f32.s32 v12;
	v13 =	vcvt.f32.s32 v13  }
0xc8: {  	v14 =	vcvt.f32.s32 v14;
	v19 =	vcvt.f32.s32 v19  }
0xc9: {  	v3 =	vshll.u32 v3, $0x3;
	v11 =	vshll.u32 v11, $0x3;
	v6 =	vshll.u32 v6, $0x3  }
0xca: {  	v20 =	vld [tilespmem:s19+$0xFFFFFF90];
	v7 =	vshll.u32 v7, $0x3;
	v3 =	vadd.s32 v3, v4;
	v4 =	vcvt.f32.s32 v5  }
0xcb: {  	v8 =	vshll.u32 v8, $0x3;
	v5 =	vmul.f32 $8.000000000e+00, v17;
	v17 =	vmul.f32 $8.000000000e+00, v18;
	v18 =	vld [tilespmem:s19+$0xFFFFFFF0]  }
0xcc: {  	v22 =	vld [tilespmem:s19+$0xFFFFFFB0];
	v9 =	vshll.u32 v9, $0x3;
	v10 =	vshll.u32 v10, $0x3;
	v11 =	vadd.s32 v11, v12  }
0xcd: {  	v12 =	vcvt.f32.s32 v15;
	v15 =	vcvt.f32.s32 v16;
	v16 =	vld [tilespmem:s19+$0xFFFFFFC0];
	v6 =	vadd.s32 v6, v14  }
0xce: {  	v4 =	vshll.u32 v4, $0x3;
	v5 =	vtrunc.f32 v5;
	v17 =	vtrunc.f32 v17  }
0xcf: {  	v8 =	vadd.s32 v8, v15;
	v15 =	vld [tilespmem:s19+$0x0];
	v13 =	vadd.s32 v4, v13;
	v4 =	vcvt.f32.s32 v5  }
0xd0: {  	v3 =	vadd.s32 v1, v3;
	v5 =	vld [tilespmem:s19+$0xFFFFFFD0];
	v14 =	vcvt.f32.s32 v17;
	v18 =	vmul.f32 $1.600000000e+01, v18  }
0xd1: {  	v17 =	vmul.f32 $1.600000000e+01, v20;
	v20 =	vld [tilespmem:s19+$0xFFFFFFE0];
	v23 =	vadd.s32 v9, v4;
	v4 =	vmul.f32 $1.600000000e+01, v22  }
0xd2: {  	v61 =	vadd.s32 v1, v6;
	v9 =	vld [tilespmem:s19+$0x10];
	v16 =	vmul.f32 $1.600000000e+01, v16;
	v18 =	vtrunc.f32 v18  }
0xd3: {  	v7 =	vadd.s32 v7, v12;
	v17 =	vtrunc.f32 v17;
	v18 =	vcvt.f32.s32 v18  }
0xd4: {  	v12 =	vld [tilespmem:s19+$0xFFFFFF80];
	v25 =	vtrunc.f32 v4;
	v4 =	vadd.s32 v10, v14;
	v10 =	vmul.f32 $8.000000000e+00, v15  }
0xd5: {  	v58 =	vld [tilespmem:s19+$0x20];
	v15 =	vtrunc.f32 v16;
	v16 =	vadd.s32 v1, v11;
	v18 =	vshll.u32 v18, $0x3  }
0xd6: {  	v24 =	vmul.f32 $1.600000000e+01, v5;
	v20 =	vmul.f32 $1.600000000e+01, v20;
	v5 =	vadd.s32 v18, v19;
	v19 =	vld [tilespmem:s19+$0x30]  }
0xd7: {  	v27 =	vld [tilespmem:s19+$0x60];
	v62 =	vadd.s32 v1, v8;
	v63 =	vcvt.f32.s32 v25;
	v26 =	vmul.f32 $8.000000000e+00, v9  }
0xd8: {  	v13 =	vadd.s32 v1, v13;
	v14 =	vld [tilespmem:s19+$0x50];
	v60 =	vtrunc.f32 v24;
	v18 =	vtrunc.f32 v21  }
0xd9: {  	v59 =	vadd.s32 v1, v5;
	v5 =	vmul.f32 $1.600000000e+01, v12;
	v12 =	vld [tilespmem:s19+$0x40];
	v8 =	vcvt.f32.s32 v18  }
0xda: {  	[tilespmem:v16+s21+$0x0] =	vst.idx.add.s32.msk $0xffff, v2;
	v18 =	vtrunc.f32 v10;
	v16 =	vtrunc.f32 v26  }
0xdb: {  	[tilespmem:v3+s21+$0x0] =	vst.idx.add.s32.msk $0xffff, v2;
	v9 =	vmul.f32 $8.000000000e+00, v19;
	v19 =	vtrunc.f32 v20;
	v20 =	vadd.s32 v1, v7  }
0xdc: {  	v3 =	vadd.s32 v1, v23;
	[tilespmem:v61+s21+$0x0] =	vst.idx.add.s32.msk $0xffff, v2;
	v11 =	vtrunc.f32 v5;
	v5 =	vmul.f32 $8.000000000e+00, v58  }
0xdd: {  	[tilespmem:v62+s21+$0x0] =	vst.idx.add.s32.msk $0xffff, v2;
	v10 =	vshll.u32 v63, $0x3;
	v6 =	vcvt.f32.s32 v11;
	v7 =	vcvt.f32.s32 v17  }
0xde: {  	[tilespmem:v13+s21+$0x0] =	vst.idx.add.s32.msk $0xffff, v2;
	v8 =	vshll.u32 v8, $0x3;
	v17 =	vcvt.f32.s32 v15;
	v15 =	vcvt.f32.s32 v60  }
0xdf: {  	[tilespmem:v59+s21+$0x0] =	vst.idx.add.s32.msk $0xffff, v2;
	v11 =	vmul.f32 $8.000000000e+00, v12;
	v12 =	vmul.f32 $8.000000000e+00, v14;
	v6 =	vshll.u32 v6, $0x3  }
0xe0: {  	s5 =	simm.s32 $0x280;
	s4 =	simm.s32 $0x8;
	v14 =	vmul.f32 $8.000000000e+00, v27;
	v13 =	vcvt.f32.s32 v19;
	v7 =	vshll.u32 v7, $0x3;
	[tilespmem:v20+s21+$0x0] =	vst.idx.add.s32.msk $0xffff, v2  }
.LBB2_4:
0xe1: {  	v19 =	vld [tilespmem:s5+$0xFFFFFFF0];
	s4 =	sadd.s32 $0x8, s4;
	v5 =	vtrunc.f32 v5;
	v9 =	vtrunc.f32 v9;
	v17 =	vshll.u32 v17, $0x3  }
0xe2: {  	v11 =	vtrunc.f32 v11;
	v12 =	vtrunc.f32 v12;
	v15 =	vshll.u32 v15, $0x3;
	v20 =	vld [tilespmem:s5+$0x70];
	p3 =	slt.u32 s4, $0xB8  }
0xe3: {  	v18 =	vcvt.f32.s32 v18;
	v14 =	vtrunc.f32 v14;
	v13 =	vshll.u32 v13, $0x3;
	v21 =	vld [tilespmem:s5+$0xFFFFFF90]  }
0xe4: {  	v16 =	vcvt.f32.s32 v16;
	v23 =	vadd.s32 v1, v4;
	v5 =	vcvt.f32.s32 v5;
	v22 =	vld [tilespmem:s5+$0xFFFFFFA0]  }
0xe5: {  	v9 =	vcvt.f32.s32 v9;
	v11 =	vcvt.f32.s32 v11;
	v6 =	vadd.s32 v6, v18;
	v4 =	vld [tilespmem:s5+$0xFFFFFFB0]  }
0xe6: {  	v12 =	vcvt.f32.s32 v12;
	v7 =	vadd.s32 v7, v16;
	v18 =	vld [tilespmem:s5+$0xFFFFFFC0];
	v19 =	vmul.f32 $1.600000000e+01, v19  }
0xe7: {  	v8 =	vadd.s32 v8, v5;
	v5 =	vcvt.f32.s32 v14;
	v16 =	vld [tilespmem:s5+$0xFFFFFFD0];
	v20 =	vmul.f32 $8.000000000e+00, v20  }
0xe8: {  	v10 =	vadd.s32 v10, v9;
	v14 =	vmul.f32 $1.600000000e+01, v21;
	v21 =	vld [tilespmem:s5+$0xFFFFFFE0];
	v19 =	vtrunc.f32 v19  }
0xe9: {  	v17 =	vadd.s32 v17, v11;
	v9 =	vld [tilespmem:s5+$0xFFFFFF80];
	v19 =	vcvt.f32.s32 v19;
	v20 =	vtrunc.f32 v20  }
0xea: {  	v15 =	vadd.s32 v15, v12;
	v22 =	vmul.f32 $1.600000000e+01, v22;
	v11 =	vld [tilespmem:s5+$0x0];
	v20 =	vcvt.f32.s32 v20  }
0xeb: {  	v4 =	vmul.f32 $1.600000000e+01, v4;
	v12 =	vld [tilespmem:s5+$0x10];
	v18 =	vmul.f32 $1.600000000e+01, v18;
	v19 =	vshll.u32 v19, $0x3  }
0xec: {  	v14 =	vtrunc.f32 v14;
	v24 =	vld [tilespmem:s5+$0x20];
	v16 =	vmul.f32 $1.600000000e+01, v16;
	v19 =	vadd.s32 v19, v20  }
0xed: {  	v20 =	vtrunc.f32 v22;
	v22 =	vld [tilespmem:s5+$0x30];
	v21 =	vmul.f32 $1.600000000e+01, v21;
	v19 =	vadd.s32 v1, v19  }
0xee: {  	v25 =	vtrunc.f32 v4;
	v4 =	vadd.s32 v13, v5;
	v9 =	vmul.f32 $1.600000000e+01, v9;
	v26 =	vld [tilespmem:s5+$0x40]  }
0xef: {  	v6 =	vadd.s32 v1, v6;
	v13 =	vtrunc.f32 v18;
	v27 =	vmul.f32 $8.000000000e+00, v11;
	v18 =	vld [tilespmem:s5+$0x50]  }
0xf0: {  	v7 =	vadd.s32 v1, v7;
	v11 =	vtrunc.f32 v9;
	v28 =	vmul.f32 $8.000000000e+00, v12;
	v29 =	vld [tilespmem:s5+$0x60]  }
0xf1: {  	v8 =	vadd.s32 v1, v8;
	v16 =	vtrunc.f32 v16;
	v5 =	vmul.f32 $8.000000000e+00, v24;
	[tilespmem:v3+s21+$0x0] =	vst.idx.add.s32.msk $0xffff, v2  }
0xf2: {  	v10 =	vadd.s32 v1, v10;
	v21 =	vtrunc.f32 v21;
	v9 =	vmul.f32 $8.000000000e+00, v22;
	[tilespmem:v19+s21+$0x0] =	vst.idx.add.s32.msk $0xffff, v2  }
0xf3: {  	v19 =	vcvt.f32.s32 v11;
	v22 =	vadd.s32 v1, v17;
	v11 =	vmul.f32 $8.000000000e+00, v26;
	[tilespmem:v23+s21+$0x0] =	vst.idx.add.s32.msk $0xffff, v2  }
.Ltmp3:
0xf4: {  	v3 =	vadd.s32 v1, v15;
	v17 =	vcvt.f32.s32 v14;
	v12 =	vmul.f32 $8.000000000e+00, v18;
	[tilespmem:v6+s21+$0x0] =	vst.idx.add.s32.msk $0xffff, v2;
	(pc) =	sbr.rel @p3 .LBB2_4-.Ltmp3, $4  }
0xf5: {  	v15 =	vcvt.f32.s32 v20;
	v6 =	vshll.u32 v19, $0x3;
	v14 =	vmul.f32 $8.000000000e+00, v29;
	[tilespmem:v7+s21+$0x0] =	vst.idx.add.s32.msk $0xffff, v2  }
0xf6: {  	v19 =	vcvt.f32.s32 v25;
	v7 =	vshll.u32 v17, $0x3;
	v17 =	vcvt.f32.s32 v13;
	[tilespmem:v8+s21+$0x0] =	vst.idx.add.s32.msk $0xffff, v2  }
0xf7: {  	v13 =	vcvt.f32.s32 v21;
	v8 =	vshll.u32 v15, $0x3;
	v15 =	vcvt.f32.s32 v16;
	[tilespmem:v10+s21+$0x0] =	vst.idx.add.s32.msk $0xffff, v2  }
0xf8: {  	s5 =	sadd.s32 $0x100, s5;
	v18 =	vtrunc.f32 v27;
	v16 =	vtrunc.f32 v28;
	v10 =	vshll.u32 v19, $0x3;
	[tilespmem:v22+s21+$0x0] =	vst.idx.add.s32.msk $0xffff, v2  }
0xf9: {  	v5 =	vtrunc.f32 v5  }
0xfa: {  	v9 =	vtrunc.f32 v9;
	v11 =	vtrunc.f32 v11  }
0xfb: {  	v17 =	vshll.u32 v17, $0x3;
	v12 =	vtrunc.f32 v12;
	v18 =	vcvt.f32.s32 v18  }
0xfc: {  	v15 =	vshll.u32 v15, $0x3;
	v14 =	vtrunc.f32 v14;
	v16 =	vcvt.f32.s32 v16  }
0xfd: {  	v4 =	vadd.s32 v1, v4;
	v5 =	vcvt.f32.s32 v5;
	v6 =	vadd.s32 v6, v18  }
0xfe: {  	v9 =	vcvt.f32.s32 v9;
	v7 =	vadd.s32 v7, v16;
	v6 =	vadd.s32 v1, v6  }
0xff: {  	v11 =	vcvt.f32.s32 v11;
	v5 =	vadd.s32 v8, v5;
	v7 =	vadd.s32 v1, v7  }
0x100: {  	v59 =	vcvt.f32.s32 v12;
	v9 =	vadd.s32 v10, v9;
	v5 =	vadd.s32 v1, v5  }
0x101: {  	[tilespmem:v3+s21+$0x0] =	vst.idx.add.s32.msk $0xffff, v2;
	v60 =	vcvt.f32.s32 v14;
	v11 =	vadd.s32 v17, v11;
	v3 =	vadd.s32 v1, v9  }
0x102: {  	v61 =	vshll.u32 v13, $0x3;
	v8 =	vadd.s32 v15, v59;
	v11 =	vadd.s32 v1, v11;
	[tilespmem:v4+s21+$0x0] =	vst.idx.add.s32.msk $0xffff, v2  }
0x103: {  	v62 =	vadd.s32 v61, v60;
	v63 =	vadd.s32 v1, v8;
	[tilespmem:v6+s21+$0x0] =	vst.idx.add.s32.msk $0xffff, v2  }
0x104: {  	v4 =	vadd.s32 v1, v62;
	[tilespmem:v7+s21+$0x0] =	vst.idx.add.s32.msk $0xffff, v2  }
.Ltmp4:
0x105: {  	[tilespmem:v5+s21+$0x0] =	vst.idx.add.s32.msk $0xffff, v2;
	(pc) =	sbr.rel @p0 .LBB2_7-.Ltmp4, $4  }
0x106: {  	[tilespmem:v3+s21+$0x0] =	vst.idx.add.s32.msk $0xffff, v2  }
0x107: {  	[tilespmem:v11+s21+$0x0] =	vst.idx.add.s32.msk $0xffff, v2  }
0x108: {  	[tilespmem:v63+s21+$0x0] =	vst.idx.add.s32.msk $0xffff, v2  }
0x109: {  	[tilespmem:v4+s21+$0x0] =	vst.idx.add.s32.msk $0xffff, v2  }
0x10a: {  	s4 =	rddreg [dreg:$0xb];
	s5 =	simm.s32 $0x1800  }
0x10b: {  	[tilespmem:s5], [sflag:$0x2] =	stream.linear.gather [hbm4b:s4+s2], $0x100, $0x38;
	[tilespmem:$0x2E80] =	vst v63  }
0x10c: {  	_ =	swait.ge [sflag:s23], $0x100  }
0x10d: {  	[sflag:s23] =	ssyncset.done $0x0  }
0x10e: {  	[sflag:s23] =	ssyncadd.s32 $0xFFFFFF00  }
0x10f: {  	v3 =	vld [tilespmem:$0x1800]  }
0x110: {  	v4 =	vld [tilespmem:$0x1880];
	_ =	sdelay $0x3  }
0x111: {  	v3 =	vmul.f32 $1.600000000e+01, v3  }
0x112: {  	v4 =	vmul.f32 $8.000000000e+00, v4  }
0x113: {  	v3 =	vtrunc.f32 v3  }
0x114: {  	v4 =	vtrunc.f32 v4;
	v3 =	vcvt.f32.s32 v3  }
0x115: {  	v4 =	vcvt.f32.s32 v4  }
0x116: {  	v3 =	vshll.u32 v3, $0x3  }
0x117: {  	v3 =	vadd.s32 v3, v4  }
0x118: {  	v3 =	vadd.s32 v1, v3;
	_ =	sdelay $0x4  }
0x119: {  	[tilespmem:v3+s21+$0x0] =	vst.idx.add.s32.msk $0xffff, v2  }
0x11a: {  	v3 =	vld [tilespmem:$0x1810]  }
0x11b: {  	v58 =	vld [tilespmem:$0x1890];
	_ =	sdelay $0x3  }
0x11c: {  	v3 =	vmul.f32 $1.600000000e+01, v3  }
0x11d: {  	v4 =	vmul.f32 $8.000000000e+00, v58  }
0x11e: {  	v3 =	vtrunc.f32 v3  }
0x11f: {  	v4 =	vtrunc.f32 v4;
	v3 =	vcvt.f32.s32 v3  }
0x120: {  	v4 =	vcvt.f32.s32 v4  }
0x121: {  	v3 =	vshll.u32 v3, $0x3  }
0x122: {  	v3 =	vadd.s32 v3, v4  }
0x123: {  	v3 =	vadd.s32 v1, v3;
	_ =	sdelay $0x4  }
0x124: {  	[tilespmem:v3+s21+$0x0] =	vst.idx.add.s32.msk $0xffff, v2  }
0x125: {  	v3 =	vld [tilespmem:$0x1820]  }
0x126: {  	v59 =	vld [tilespmem:$0x18A0];
	_ =	sdelay $0x3  }
0x127: {  	v3 =	vmul.f32 $1.600000000e+01, v3  }
0x128: {  	v4 =	vmul.f32 $8.000000000e+00, v59  }
0x129: {  	v3 =	vtrunc.f32 v3  }
0x12a: {  	v4 =	vtrunc.f32 v4;
	v3 =	vcvt.f32.s32 v3  }
0x12b: {  	v4 =	vcvt.f32.s32 v4  }
0x12c: {  	v3 =	vshll.u32 v3, $0x3  }
0x12d: {  	v3 =	vadd.s32 v3, v4  }
0x12e: {  	v3 =	vadd.s32 v1, v3;
	_ =	sdelay $0x4  }
0x12f: {  	[tilespmem:v3+s21+$0x0] =	vst.idx.add.s32.msk $0xffff, v2  }
0x130: {  	v3 =	vld [tilespmem:$0x1830]  }
0x131: {  	v60 =	vld [tilespmem:$0x18B0];
	_ =	sdelay $0x3  }
0x132: {  	v3 =	vmul.f32 $1.600000000e+01, v3  }
0x133: {  	v4 =	vmul.f32 $8.000000000e+00, v60  }
0x134: {  	v3 =	vtrunc.f32 v3  }
0x135: {  	v4 =	vtrunc.f32 v4;
	v3 =	vcvt.f32.s32 v3  }
0x136: {  	v4 =	vcvt.f32.s32 v4  }
0x137: {  	v3 =	vshll.u32 v3, $0x3  }
0x138: {  	v3 =	vadd.s32 v3, v4  }
0x139: {  	v3 =	vadd.s32 v1, v3;
	_ =	sdelay $0x4  }
0x13a: {  	[tilespmem:v3+s21+$0x0] =	vst.idx.add.s32.msk $0xffff, v2  }
0x13b: {  	v3 =	vld [tilespmem:$0x1840]  }
0x13c: {  	v61 =	vld [tilespmem:$0x18C0];
	_ =	sdelay $0x3  }
0x13d: {  	v3 =	vmul.f32 $1.600000000e+01, v3  }
0x13e: {  	v4 =	vmul.f32 $8.000000000e+00, v61  }
0x13f: {  	v3 =	vtrunc.f32 v3  }
0x140: {  	v4 =	vtrunc.f32 v4;
	v3 =	vcvt.f32.s32 v3  }
0x141: {  	v4 =	vcvt.f32.s32 v4  }
0x142: {  	v3 =	vshll.u32 v3, $0x3  }
0x143: {  	v3 =	vadd.s32 v3, v4  }
0x144: {  	v3 =	vadd.s32 v1, v3;
	_ =	sdelay $0x4  }
0x145: {  	[tilespmem:v3+s21+$0x0] =	vst.idx.add.s32.msk $0xffff, v2  }
0x146: {  	v3 =	vld [tilespmem:$0x1850]  }
0x147: {  	v62 =	vld [tilespmem:$0x18D0];
	_ =	sdelay $0x3  }
0x148: {  	v3 =	vmul.f32 $1.600000000e+01, v3  }
0x149: {  	v4 =	vmul.f32 $8.000000000e+00, v62  }
0x14a: {  	v3 =	vtrunc.f32 v3  }
0x14b: {  	v4 =	vtrunc.f32 v4;
	v3 =	vcvt.f32.s32 v3  }
0x14c: {  	v4 =	vcvt.f32.s32 v4  }
0x14d: {  	v3 =	vshll.u32 v3, $0x3  }
0x14e: {  	v3 =	vadd.s32 v3, v4  }
0x14f: {  	v3 =	vadd.s32 v1, v3;
	_ =	sdelay $0x4  }
0x150: {  	[tilespmem:v3+s21+$0x0] =	vst.idx.add.s32.msk $0xffff, v2  }
0x151: {  	v3 =	vld [tilespmem:$0x1860]  }
0x152: {  	v63 =	vld [tilespmem:$0x18E0];
	_ =	sdelay $0x3  }
0x153: {  	v3 =	vmul.f32 $1.600000000e+01, v3  }
0x154: {  	v4 =	vmul.f32 $8.000000000e+00, v63  }
0x155: {  	v3 =	vtrunc.f32 v3  }
0x156: {  	v4 =	vtrunc.f32 v4;
	v3 =	vcvt.f32.s32 v3  }
0x157: {  	v4 =	vcvt.f32.s32 v4  }
0x158: {  	v3 =	vshll.u32 v3, $0x3  }
0x159: {  	v3 =	vadd.s32 v3, v4  }
0x15a: {  	v3 =	vadd.s32 v1, v3  }
.Ltmp5:
0x15b: {  	_ = 	snop;
	(pc) =	sbr.rel .LBB2_9-.Ltmp5, $2  }
0x15c: {  	_ =	sdelay $0x2  }
0x15d: {  	s5 =	simm.s32 $0x18F0;
	s4 =	simm.s32 $0x1870;
	[tilespmem:v3+s21+$0x0] =	vst.idx.add.s32.msk $0xffff, v2  }
.LBB2_7:
.Ltmp6:
0x15e: {  	(pc) =	sbr.rel @p1 .LBB2_10-.Ltmp6, $1  }
0x15f: {  	_ =	sdelay $0x3  }
0x160: {  	s4 =	simm.s32 $0x1C00  }
0x161: {  	s5 =	rddreg [dreg:$0x9];
	s19 =	smov.u32 s3;
	s3 =	smov.u32 s0  }
0x162: {  	s0 =	smov.u32 s1;
	s1 =	smov.u32 s31;
	s31 =	smov.u32 s30  }
0x163: {  	s30 =	smov.u32 s29;
	s29 =	smov.u32 s28;
	s28 =	smov.u32 s26  }
0x164: {  	s26 =	smov.u32 s25;
	s25 =	smov.u32 s22;
	s22 =	smov.u32 s20  }
0x165: {  	s20 =	smov.u32 s18;
	s18 =	smov.u32 s17;
	s17 =	smov.u32 s16  }
0x166: {  	s16 =	smov.u32 s15;
	s15 =	smov.u32 s14;
	s14 =	smov.u32 s13  }
0x167: {  	s13 =	smov.u32 s12;
	s12 =	smov.u32 s11;
	s11 =	smov.u32 s10  }
0x168: {  	[tilespmem:s4], [sflag:$0x2] =	stream.linear.gather [hbm4b:s5+s2], $0x10, $0x38;
	[tilespmem:$0x2E80] =	vst v63  }
0x169: {  	s10 =	smov.u32 s9;
	s9 =	smov.u32 s8;
	_ =	swait.ge [sflag:s23], $0x10  }
0x16a: {  	s8 =	smov.u32 s7;
	s7 =	smov.u32 s6;
	[sflag:s23] =	ssyncset.done $0x0  }
0x16b: {  	s5 =	simm.s32 $0x1C80;
	s6 =	rddreg [dreg:$0xa];
	[sflag:s23] =	ssyncadd.s32 $0xFFFFFFF0  }
0x16c: {  	[tilespmem:s5], [sflag:$0x2] =	stream.linear.gather [hbm4b:s6+s2], $0x10, $0x38;
	[tilespmem:$0x2E80] =	vst v63  }
0x16d: {  	s6 =	smov.u32 s7;
	s7 =	smov.u32 s8;
	s8 =	smov.u32 s9  }
0x16e: {  	s9 =	smov.u32 s10;
	s10 =	smov.u32 s11;
	s11 =	smov.u32 s12  }
0x16f: {  	s12 =	smov.u32 s13;
	s13 =	smov.u32 s14;
	s14 =	smov.u32 s15  }
0x170: {  	s15 =	smov.u32 s16;
	s16 =	smov.u32 s17;
	s17 =	smov.u32 s18  }
0x171: {  	s18 =	smov.u32 s20;
	s20 =	smov.u32 s22;
	s22 =	smov.u32 s25  }
0x172: {  	s25 =	smov.u32 s26;
	s26 =	smov.u32 s28;
	s28 =	smov.u32 s29  }
0x173: {  	s29 =	smov.u32 s30;
	s30 =	smov.u32 s31;
	_ =	swait.ge [sflag:s23], $0x10  }
0x174: {  	s31 =	smov.u32 s1;
	s1 =	smov.u32 s0;
	[sflag:s23] =	ssyncset.done $0x0  }
0x175: {  	s0 =	smov.u32 s3;
	s3 =	smov.u32 s19;
	[sflag:s23] =	ssyncadd.s32 $0xFFFFFFF0  }
.LBB2_9:
0x176: {  	v3 =	vld [tilespmem:s4+$0x0]  }
0x177: {  	v4 =	vld [tilespmem:s5+$0x0];
	_ =	sdelay $0x3  }
0x178: {  	v3 =	vmul.f32 $1.600000000e+01, v3  }
0x179: {  	v4 =	vmul.f32 $8.000000000e+00, v4  }
0x17a: {  	v3 =	vtrunc.f32 v3  }
0x17b: {  	v4 =	vtrunc.f32 v4;
	v3 =	vcvt.f32.s32 v3  }
0x17c: {  	v4 =	vcvt.f32.s32 v4  }
0x17d: {  	v3 =	vshll.u32 v3, $0x3  }
0x17e: {  	v3 =	vadd.s32 v3, v4  }
0x17f: {  	v3 =	vadd.s32 v1, v3;
	_ =	sdelay $0x4  }
0x180: {  	[tilespmem:v3+s21+$0x0] =	vst.idx.add.s32.msk $0xffff, v2  }
.LBB2_10:
0x181: {  	v10 =	vld [tilespmem:$0x1D00]  }
0x182: {  	v9 =	vld [tilespmem:$0x1D80]  }
0x183: {  	v11 =	vld [tilespmem:$0x1E00]  }
0x184: {  	v13 =	vld [tilespmem:$0x1E80]  }
0x185: {  	v14 =	vld [tilespmem:$0x1F00]  }
0x186: {  	v16 =	vld [tilespmem:$0x1F80]  }
0x187: {  	v18 =	vld [tilespmem:$0x2000]  }
0x188: {  	v19 =	vld [tilespmem:$0x2080]  }
0x189: {  	v21 =	vld [tilespmem:$0x2100]  }
0x18a: {  	v42 =	vld [tilespmem:$0x2180]  }
0x18b: {  	v44 =	vld [tilespmem:$0x2200]  }
0x18c: {  	v47 =	vld [tilespmem:$0x2280]  }
0x18d: {  	v50 =	vld [tilespmem:$0x2300]  }
0x18e: {  	v3 =	vld [tilespmem:$0x2380]  }
0x18f: {  	v22 =	vld [tilespmem:$0x1D10]  }
0x190: {  	v23 =	vld [tilespmem:$0x1D90]  }
0x191: {  	v24 =	vld [tilespmem:$0x1E10]  }
0x192: {  	v25 =	vld [tilespmem:$0x1E90]  }
0x193: {  	v26 =	vld [tilespmem:$0x1F10]  }
0x194: {  	v27 =	vld [tilespmem:$0x1F90]  }
0x195: {  	v28 =	vld [tilespmem:$0x2010]  }
0x196: {  	v29 =	vld [tilespmem:$0x2090]  }
0x197: {  	v30 =	vld [tilespmem:$0x2110]  }
0x198: {  	v31 =	vld [tilespmem:$0x2190]  }
0x199: {  	v32 =	vld [tilespmem:$0x2210]  }
0x19a: {  	v33 =	vld [tilespmem:$0x2290]  }
0x19b: {  	v34 =	vld [tilespmem:$0x2310]  }
0x19c: {  	v35 =	vld [tilespmem:$0x2390]  }
0x19d: {  	v36 =	vld [tilespmem:$0x2410]  }
0x19e: {  	v43 =	vld [tilespmem:$0x2490]  }
0x19f: {  	v38 =	vld [tilespmem:$0x1D20]  }
0x1a0: {  	v39 =	vld [tilespmem:$0x1DA0]  }
0x1a1: {  	v40 =	vld [tilespmem:$0x1E20]  }
0x1a2: {  	v41 =	vld [tilespmem:$0x1EA0]  }
0x1a3: {  	v46 =	vld [tilespmem:$0x1F20]  }
0x1a4: {  	v49 =	vld [tilespmem:$0x1FA0]  }
0x1a5: {  	v51 =	vld [tilespmem:$0x1D30]  }
0x1a6: {  	v52 =	vld [tilespmem:$0x1DB0]  }
0x1a7: {  	v53 =	vld [tilespmem:$0x1E30]  }
0x1a8: {  	[tilespmem:$0x1FE50] =	vst v3;
	v3 =	vld [tilespmem:$0x2400]  }
0x1a9: {  	v61 =	vld [tilespmem:$0x2440]  }
0x1aa: {  	v54 =	vld [tilespmem:$0x1EB0]  }
0x1ab: {  	v55 =	vld [tilespmem:$0x1F30]  }
0x1ac: {  	v56 =	vld [tilespmem:$0x1FB0]  }
0x1ad: {  	[tilespmem:$0x1FE60] =	vst v3;
	v3 =	vld [tilespmem:$0x2480]  }
0x1ae: {  	[tilespmem:$0x1FF80] =	vst v61;
	v61 =	vld [tilespmem:$0x24C0]  }
0x1af: {  	v57 =	vld [tilespmem:$0x2030]  }
0x1b0: {  	v58 =	vld [tilespmem:$0x20B0]  }
0x1b1: {  	v59 =	vld [tilespmem:$0x2130]  }
0x1b2: {  	[tilespmem:$0x1FE70] =	vst v3;
	v3 =	vld [tilespmem:$0x2020]  }
0x1b3: {  	[tilespmem:$0x1FFA0] =	vst v61;
	v61 =	vld [tilespmem:$0x1D50]  }
0x1b4: {  	v60 =	vld [tilespmem:$0x21B0]  }
0x1b5: {  	v4 =	vld [tilespmem:$0x1D40]  }
0x1b6: {  	v5 =	vld [tilespmem:$0x1E40]  }
0x1b7: {  	[tilespmem:$0x1FE80] =	vst v3;
	v3 =	vld [tilespmem:$0x20A0]  }
0x1b8: {  	[tilespmem:$0x1FF90] =	vst v61;
	v61 =	vld [tilespmem:$0x1E50]  }
0x1b9: {  	v6 =	vld [tilespmem:$0x1EC0]  }
0x1ba: {  	v7 =	vld [tilespmem:$0x1F40]  }
0x1bb: {  	v8 =	vld [tilespmem:$0x1FC0]  }
0x1bc: {  	[tilespmem:$0x1FE90] =	vst v3;
	v3 =	vld [tilespmem:$0x2120]  }
0x1bd: {  	[tilespmem:$0x1FFB0] =	vst v61;
	v61 =	vld [tilespmem:$0x1ED0]  }
0x1be: {  	v12 =	vld [tilespmem:$0x2040]  }
0x1bf: {  	v15 =	vld [tilespmem:$0x20C0]  }
0x1c0: {  	v17 =	vld [tilespmem:$0x2140]  }
0x1c1: {  	[tilespmem:$0x1FEA0] =	vst v3;
	v3 =	vld [tilespmem:$0x21A0]  }
0x1c2: {  	[tilespmem:$0x1FFC0] =	vst v61;
	v61 =	vld [tilespmem:$0x1F50]  }
0x1c3: {  	v20 =	vld [tilespmem:$0x21C0]  }
0x1c4: {  	v37 =	vld [tilespmem:$0x2240]  }
0x1c5: {  	v45 =	vld [tilespmem:$0x22C0]  }
0x1c6: {  	[tilespmem:$0x1FEB0] =	vst v3;
	v3 =	vld [tilespmem:$0x2220]  }
0x1c7: {  	[tilespmem:$0x1FFD0] =	vst v61;
	v61 =	vld [tilespmem:$0x1FD0]  }
0x1c8: {  	v48 =	vld [tilespmem:$0x2340]  }
0x1c9: {  	v62 =	vld [tilespmem:$0x23C0]  }
0x1ca: {  	v63 =	vld [tilespmem:$0x1DD0]  }
0x1cb: {  	v9 =	vadd.s32 v10, v9;
	[tilespmem:$0x1FEC0] =	vst v3;
	v3 =	vld [tilespmem:$0x22A0]  }
0x1cc: {  	v9 =	vadd.s32 v11, v9;
	[tilespmem:$0x1FFE0] =	vst v61;
	v61 =	vld [tilespmem:$0x2050]  }
0x1cd: {  	v10 =	vld [tilespmem:$0x20D0];
	v9 =	vadd.s32 v13, v9  }
0x1ce: {  	v9 =	vadd.s32 v14, v9;
	v14 =	vld [tilespmem:$0x23D0]  }
0x1cf: {  	v9 =	vadd.s32 v16, v9;
	v16 =	vld [tilespmem:$0x22D0]  }
0x1d0: {  	[tilespmem:$0x1FED0] =	vst v3;
	v3 =	vld [tilespmem:$0x2320]  }
0x1d1: {  	[tilespmem:$0x1FFF0] =	vst v61;
	v61 =	vadd.s32 v22, v23;
	v22 =	vld [tilespmem:$0x2150]  }
0x1d2: {  	v23 =	vld [tilespmem:$0x21D0]  }
0x1d3: {  	v11 =	vadd.s32 v24, v61;
	v24 =	vld [tilespmem:$0x2250]  }
0x1d4: {  	v61 =	vld [tilespmem:$0x1EF0]  }
0x1d5: {  	[tilespmem:$0x1FEF0] =	vst v3;
	v3 =	vld [tilespmem:$0x23A0]  }
0x1d6: {  	v11 =	vadd.s32 v25, v11;
	v25 =	vld [tilespmem:$0x1DE0]  }
0x1d7: {  	v11 =	vadd.s32 v26, v11;
	v26 =	vadd.s32 v18, v9;
	v9 =	vld [tilespmem:$0x2350]  }
0x1d8: {  	v13 =	vadd.s32 v19, v26;
	v26 =	vld [tilespmem:$0x1E60]  }
0x1d9: {  	v11 =	vadd.s32 v27, v11;
	v27 =	vld [tilespmem:$0x1EE0]  }
0x1da: {  	[tilespmem:$0x1FF10] =	vst v3;
	v3 =	vld [tilespmem:$0x2420]  }
0x1db: {  	v11 =	vadd.s32 v28, v11;
	v28 =	vadd.s32 v21, v13;
	v13 =	vld [tilespmem:$0x2450]  }
0x1dc: {  	v21 =	vld [tilespmem:$0x1D60]  }
0x1dd: {  	v18 =	vadd.s32 v42, v28;
	v28 =	vld [tilespmem:$0x1F60]  }
0x1de: {  	v42 =	vld [tilespmem:$0x1FE90]  }
0x1df: {  	v39 =	vadd.s32 v38, v39;
	[tilespmem:$0x1FF30] =	vst v3;
	v3 =	vld [tilespmem:$0x24A0]  }
0x1e0: {  	v11 =	vadd.s32 v29, v11;
	v29 =	vadd.s32 v40, v39;
	v40 =	vadd.s32 v51, v52;
	v52 =	vld [tilespmem:$0x1D70]  }
0x1e1: {  	v30 =	vadd.s32 v30, v11;
	v11 =	vld [tilespmem:$0x24D0]  }
0x1e2: {  	v29 =	vadd.s32 v41, v29;
	v41 =	vld [tilespmem:$0x1FE80]  }
0x1e3: {  	v18 =	vadd.s32 v44, v18;
	v44 =	vld [tilespmem:$0x1FEB0]  }
0x1e4: {  	[tilespmem:$0x1FF50] =	vst v3;
	v3 =	vld [tilespmem:$0x2230]  }
0x1e5: {  	v19 =	vadd.s32 v31, v30;
	v30 =	vld [tilespmem:$0x1FE0]  }
0x1e6: {  	v29 =	vadd.s32 v46, v29;
	v46 =	vld [tilespmem:$0x1FEC0]  }
0x1e7: {  	v18 =	vadd.s32 v47, v18;
	v47 =	vld [tilespmem:$0x1FED0]  }
0x1e8: {  	v31 =	vadd.s32 v53, v40;
	v40 =	vld [tilespmem:$0x1FF80]  }
0x1e9: {  	[tilespmem:$0x1FEE0] =	vst v3;
	v3 =	vld [tilespmem:$0x22B0]  }
0x1ea: {  	v19 =	vadd.s32 v32, v19;
	v32 =	vld [tilespmem:$0x2060]  }
0x1eb: {  	v31 =	vadd.s32 v54, v31;
	v19 =	vadd.s32 v33, v19;
	v33 =	vld [tilespmem:$0x1FE50]  }
0x1ec: {  	v31 =	vadd.s32 v55, v31;
	v55 =	vld [tilespmem:$0x1DF0]  }
0x1ed: {  	v19 =	vadd.s32 v34, v19;
	v34 =	vld [tilespmem:$0x1FE60]  }
0x1ee: {  	[tilespmem:$0x1FF00] =	vst v3;
	v3 =	vld [tilespmem:$0x2330]  }
0x1ef: {  	v18 =	vadd.s32 v50, v18;
	v50 =	vld [tilespmem:$0x1FEF0]  }
0x1f0: {  	v29 =	vadd.s32 v49, v29;
	v19 =	vadd.s32 v35, v19;
	v35 =	vld [tilespmem:$0x1FE70]  }
0x1f1: {  	v29 =	vadd.s32 v41, v29;
	v41 =	vld [tilespmem:$0x1FF90];
	v19 =	vadd.s32 v36, v19  }
0x1f2: {  	v31 =	vadd.s32 v56, v31;
	v19 =	vadd.s32 v43, v19;
	v43 =	vld [tilespmem:$0x1FEA0]  }
0x1f3: {  	v31 =	vadd.s32 v57, v31;
	[tilespmem:$0x1FF20] =	vst v3;
	v3 =	vld [tilespmem:$0x23B0]  }
0x1f4: {  	v31 =	vadd.s32 v58, v31;
	v58 =	vld [tilespmem:$0x1E70]  }
0x1f5: {  	v29 =	vadd.s32 v42, v29;
	v42 =	vld [tilespmem:$0x1F70]  }
0x1f6: {  	v53 =	vld [tilespmem:$0x1FF10]  }
0x1f7: {  	v29 =	vadd.s32 v43, v29;
	v43 =	vld [tilespmem:$0x1FFA0]  }
0x1f8: {  	[tilespmem:$0x1FF40] =	vst v3;
	v3 =	vld [tilespmem:$0x2430]  }
0x1f9: {  	v29 =	vadd.s32 v44, v29;
	v44 =	vld [tilespmem:$0x1FFB0]  }
0x1fa: {  	v56 =	vld [tilespmem:$0x1FF30]  }
0x1fb: {  	v29 =	vadd.s32 v46, v29;
	v46 =	vld [tilespmem:$0x1FFC0]  }
0x1fc: {  	v29 =	vadd.s32 v47, v29;
	v47 =	vadd.s32 v52, v55;
	v52 =	vld [tilespmem:$0x2170]  }
0x1fd: {  	[tilespmem:$0x1FF60] =	vst v3;
	v3 =	vld [tilespmem:$0x24B0]  }
0x1fe: {  	v55 =	vld [tilespmem:$0x2270]  }
0x1ff: {  	v29 =	vadd.s32 v50, v29;
	v50 =	vld [tilespmem:$0x20F0]  }
0x200: {  	v29 =	vadd.s32 v53, v29;
	v53 =	vld [tilespmem:$0x1FFF0]  }
0x201: {  	v31 =	vadd.s32 v59, v31;
	v59 =	vld [tilespmem:$0x1FF50]  }
0x202: {  	[tilespmem:$0x1FF70] =	vst v3;
	v3 =	vld [tilespmem:$0x1DC0]  }
0x203: {  	v21 =	vadd.s32 v21, v25;
	v49 =	vld [tilespmem:$0x1FEE0]  }
0x204: {  	v21 =	vadd.s32 v26, v21;
	v26 =	vadd.s32 v58, v47;
	v51 =	vld [tilespmem:$0x1FF00]  }
0x205: {  	v26 =	vadd.s32 v61, v26;
	v61 =	vld [tilespmem:$0x2470]  }
0x206: {  	v29 =	vadd.s32 v56, v29;
	v54 =	vld [tilespmem:$0x1FF20]  }
0x207: {  	v31 =	vadd.s32 v60, v31;
	v29 =	vadd.s32 v59, v29;
	v59 =	vld [tilespmem:$0x2370];
	v3 =	vadd.s32 v4, v3  }
0x208: {  	v31 =	vadd.s32 v49, v31;
	v49 =	vld [tilespmem:$0x1FFD0];
	v3 =	vadd.s32 v5, v3  }
0x209: {  	v31 =	vadd.s32 v51, v31;
	v51 =	vld [tilespmem:$0x1FFE0];
	v3 =	vadd.s32 v6, v3  }
0x20a: {  	v57 =	vld [tilespmem:$0x1FF40];
	v3 =	vadd.s32 v7, v3  }
0x20b: {  	v31 =	vadd.s32 v54, v31;
	v54 =	vld [tilespmem:$0x21F0];
	v3 =	vadd.s32 v8, v3  }
0x20c: {  	v60 =	vld [tilespmem:$0x1FF60];
	v3 =	vadd.s32 v12, v3  }
0x20d: {  	v21 =	vadd.s32 v27, v21;
	v4 =	vld [tilespmem:$0x20E0];
	v3 =	vadd.s32 v15, v3  }
0x20e: {  	v21 =	vadd.s32 v28, v21;
	v5 =	vld [tilespmem:$0x2160];
	v3 =	vadd.s32 v17, v3  }
0x20f: {  	v21 =	vadd.s32 v30, v21;
	v18 =	vadd.s32 v33, v18;
	v6 =	vld [tilespmem:$0x21E0];
	v3 =	vadd.s32 v20, v3  }
0x210: {  	v21 =	vadd.s32 v32, v21;
	v7 =	vld [tilespmem:$0x2260];
	v3 =	vadd.s32 v37, v3;
	v37 =	vadd.s32 v41, v63  }
0x211: {  	v18 =	vadd.s32 v34, v18;
	v3 =	vadd.s32 v45, v3;
	v37 =	vadd.s32 v44, v37;
	v45 =	vld [tilespmem:$0x1FF0]  }
0x212: {  	v18 =	vadd.s32 v35, v18;
	v3 =	vadd.s32 v48, v3;
	v37 =	vadd.s32 v46, v37;
	v48 =	vld [tilespmem:$0x2070]  }
0x213: {  	v26 =	vadd.s32 v42, v26;
	v8 =	vld [tilespmem:$0x22E0];
	v4 =	vadd.s32 v4, v21;
	v34 =	vadd.s32 v49, v37  }
0x214: {  	v31 =	vadd.s32 v57, v31;
	v12 =	vld [tilespmem:$0x2360];
	v4 =	vadd.s32 v5, v4;
	v34 =	vadd.s32 v51, v34  }
0x215: {  	v57 =	vld [tilespmem:$0x22F0];
	v31 =	vadd.s32 v60, v31;
	v4 =	vadd.s32 v6, v4;
	v34 =	vadd.s32 v53, v34  }
0x216: {  	v3 =	vadd.s32 v62, v3;
	v62 =	vld [tilespmem:$0x1FF70];
	v10 =	vadd.s32 v10, v34;
	v25 =	vadd.s32 v45, v26  }
0x217: {  	v60 =	vld [tilespmem:$0x23F0];
	v4 =	vadd.s32 v7, v4;
	v10 =	vadd.s32 v22, v10;
	v56 =	vadd.s32 v48, v25  }
0x218: {  	v15 =	vld [tilespmem:$0x23E0];
	v4 =	vadd.s32 v8, v4;
	v10 =	vadd.s32 v23, v10;
	v58 =	vadd.s32 v50, v56  }
0x219: {  	v17 =	vld [tilespmem:$0x2460];
	v4 =	vadd.s32 v12, v4;
	v10 =	vadd.s32 v24, v10;
	v5 =	vadd.s32 v52, v58  }
0x21a: {  	[tilespmem:$0x2510] =	vst v19;
	v20 =	vld [tilespmem:$0x24E0];
	v3 =	vadd.s32 v40, v3;
	v10 =	vadd.s32 v16, v10;
	v5 =	vadd.s32 v54, v5  }
0x21b: {  	[tilespmem:$0x2500] =	vst v18;
	v31 =	vadd.s32 v62, v31;
	v62 =	vld [tilespmem:$0x24F0];
	v9 =	vadd.s32 v9, v10;
	v5 =	vadd.s32 v55, v5  }
0x21c: {  	[tilespmem:$0x2520] =	vst v29;
	v3 =	vadd.s32 v43, v3;
	v9 =	vadd.s32 v14, v9;
	v5 =	vadd.s32 v57, v5  }
0x21d: {  	v4 =	vadd.s32 v15, v4;
	[tilespmem:$0x2540] =	vst v3;
	v9 =	vadd.s32 v13, v9;
	v5 =	vadd.s32 v59, v5  }
0x21e: {  	v4 =	vadd.s32 v17, v4;
	[tilespmem:$0x2530] =	vst v31;
	v3 =	vadd.s32 v11, v9;
	v5 =	vadd.s32 v60, v5  }
0x21f: {  	[tilespmem:$0x2550] =	vst v3;
	v3 =	vadd.s32 v20, v4;
	v63 =	vadd.s32 v61, v5  }
0x220: {  	[tilespmem:$0x2560] =	vst v3;
	v3 =	vadd.s32 v62, v63  }
0x221: {  	s4 =	simm.s32 $0x2500;
	[tilespmem:$0x2570] =	vst v3  }
0x222: {  	[spmem:s18] =	stream.linear.scatter [tilespmem:s4], [sflag:$0x2], $0x80, $0x38;
	[tilespmem:$0x2E80] =	vst v63  }
.Ltmp7:
0x223: {  	_ =	swait.ge [sflag:s23], $0x80;
	(pc) =	sbr.rel @p2 .LBB2_12-.Ltmp7, $4  }
0x224: {  	[sflag:s23] =	ssyncset.done $0x0  }
0x225: {  	[sflag:s23] =	ssyncadd.s32 $0xFFFFFF80  }
0x226: {  	[bflag:$0x0] =	sbarrier.arrive $0xFFFF  }
0x227: {  	s19 =	rddreg [dreg:$0x1b]  }
0x228: {  	s4 =	rddreg [dreg:$0x7];
	s5 =	simm.s32 $0x2580  }
0x229: {  	[tilespmem:s5], [sflag:$0x2] =	stream.linear.gather [spmem:s4], $0x10, $0x38;
	[tilespmem:$0x2E80] =	vst v63  }
0x22a: {  	_ =	swait.ge [sflag:s23], $0x10  }
0x22b: {  	[sflag:s23] =	ssyncset.done $0x0  }
0x22c: {  	s5 =	simm.s32 $0x2600;
	s4 =	rddreg [dreg:$0xc];
	[sflag:s23] =	ssyncadd.s32 $0xFFFFFFF0  }
0x22d: {  	[tilespmem:s5], [sflag:$0x2] =	stream.linear.gather [spmem:s4], $0x10, $0x38;
	[tilespmem:$0x2E80] =	vst v63  }
0x22e: {  	_ =	swait.ge [sflag:s23], $0x10  }
0x22f: {  	[sflag:s23] =	ssyncset.done $0x0  }
0x230: {  	s5 =	simm.s32 $0x2680;
	s4 =	rddreg [dreg:$0xd];
	[sflag:s23] =	ssyncadd.s32 $0xFFFFFFF0  }
0x231: {  	[tilespmem:s5], [sflag:$0x2] =	stream.linear.gather [spmem:s4], $0x10, $0x38;
	[tilespmem:$0x2E80] =	vst v63  }
0x232: {  	_ =	swait.ge [sflag:s23], $0x10  }
0x233: {  	[sflag:s23] =	ssyncset.done $0x0  }
0x234: {  	s5 =	simm.s32 $0x2700;
	s4 =	rddreg [dreg:$0xe];
	[sflag:s23] =	ssyncadd.s32 $0xFFFFFFF0  }
0x235: {  	[tilespmem:s5], [sflag:$0x2] =	stream.linear.gather [spmem:s4], $0x10, $0x38;
	[tilespmem:$0x2E80] =	vst v63  }
0x236: {  	_ =	swait.ge [sflag:s23], $0x10  }
0x237: {  	[sflag:s23] =	ssyncset.done $0x0  }
0x238: {  	s5 =	simm.s32 $0x2780;
	s4 =	rddreg [dreg:$0xf];
	[sflag:s23] =	ssyncadd.s32 $0xFFFFFFF0  }
0x239: {  	[tilespmem:s5], [sflag:$0x2] =	stream.linear.gather [spmem:s4], $0x10, $0x38;
	[tilespmem:$0x2E80] =	vst v63  }
0x23a: {  	_ =	swait.ge [sflag:s23], $0x10  }
0x23b: {  	[sflag:s23] =	ssyncset.done $0x0  }
0x23c: {  	s5 =	simm.s32 $0x2800;
	s4 =	rddreg [dreg:$0x10];
	[sflag:s23] =	ssyncadd.s32 $0xFFFFFFF0  }
0x23d: {  	[tilespmem:s5], [sflag:$0x2] =	stream.linear.gather [spmem:s4], $0x10, $0x38;
	[tilespmem:$0x2E80] =	vst v63  }
0x23e: {  	_ =	swait.ge [sflag:s23], $0x10  }
0x23f: {  	[sflag:s23] =	ssyncset.done $0x0  }
0x240: {  	s5 =	simm.s32 $0x2880;
	s4 =	rddreg [dreg:$0x11];
	[sflag:s23] =	ssyncadd.s32 $0xFFFFFFF0  }
0x241: {  	[tilespmem:s5], [sflag:$0x2] =	stream.linear.gather [spmem:s4], $0x10, $0x38;
	[tilespmem:$0x2E80] =	vst v63  }
0x242: {  	_ =	swait.ge [sflag:s23], $0x10  }
0x243: {  	[sflag:s23] =	ssyncset.done $0x0  }
0x244: {  	s5 =	simm.s32 $0x2900;
	s4 =	rddreg [dreg:$0x12];
	[sflag:s23] =	ssyncadd.s32 $0xFFFFFFF0  }
0x245: {  	[tilespmem:s5], [sflag:$0x2] =	stream.linear.gather [spmem:s4], $0x10, $0x38;
	[tilespmem:$0x2E80] =	vst v63  }
0x246: {  	_ =	swait.ge [sflag:s23], $0x10  }
0x247: {  	[sflag:s23] =	ssyncset.done $0x0  }
0x248: {  	s5 =	simm.s32 $0x2980;
	s4 =	rddreg [dreg:$0x13];
	[sflag:s23] =	ssyncadd.s32 $0xFFFFFFF0  }
0x249: {  	[tilespmem:s5], [sflag:$0x2] =	stream.linear.gather [spmem:s4], $0x10, $0x38;
	[tilespmem:$0x2E80] =	vst v63  }
0x24a: {  	_ =	swait.ge [sflag:s23], $0x10  }
0x24b: {  	[sflag:s23] =	ssyncset.done $0x0  }
0x24c: {  	s5 =	simm.s32 $0x2A00;
	s4 =	rddreg [dreg:$0x14];
	[sflag:s23] =	ssyncadd.s32 $0xFFFFFFF0  }
0x24d: {  	[tilespmem:s5], [sflag:$0x2] =	stream.linear.gather [spmem:s4], $0x10, $0x38;
	[tilespmem:$0x2E80] =	vst v63  }
0x24e: {  	_ =	swait.ge [sflag:s23], $0x10  }
0x24f: {  	[sflag:s23] =	ssyncset.done $0x0  }
0x250: {  	s5 =	simm.s32 $0x2A80;
	s4 =	rddreg [dreg:$0x15];
	[sflag:s23] =	ssyncadd.s32 $0xFFFFFFF0  }
0x251: {  	[tilespmem:s5], [sflag:$0x2] =	stream.linear.gather [spmem:s4], $0x10, $0x38;
	[tilespmem:$0x2E80] =	vst v63  }
0x252: {  	_ =	swait.ge [sflag:s23], $0x10  }
0x253: {  	[sflag:s23] =	ssyncset.done $0x0  }
0x254: {  	s5 =	simm.s32 $0x2B00;
	s4 =	rddreg [dreg:$0x16];
	[sflag:s23] =	ssyncadd.s32 $0xFFFFFFF0  }
0x255: {  	[tilespmem:s5], [sflag:$0x2] =	stream.linear.gather [spmem:s4], $0x10, $0x38;
	[tilespmem:$0x2E80] =	vst v63  }
0x256: {  	_ =	swait.ge [sflag:s23], $0x10  }
0x257: {  	[sflag:s23] =	ssyncset.done $0x0  }
0x258: {  	s5 =	simm.s32 $0x2B80;
	s4 =	rddreg [dreg:$0x17];
	[sflag:s23] =	ssyncadd.s32 $0xFFFFFFF0  }
0x259: {  	[tilespmem:s5], [sflag:$0x2] =	stream.linear.gather [spmem:s4], $0x10, $0x38;
	[tilespmem:$0x2E80] =	vst v63  }
0x25a: {  	_ =	swait.ge [sflag:s23], $0x10  }
0x25b: {  	[sflag:s23] =	ssyncset.done $0x0  }
0x25c: {  	s5 =	simm.s32 $0x2C00;
	s4 =	rddreg [dreg:$0x18];
	[sflag:s23] =	ssyncadd.s32 $0xFFFFFFF0  }
0x25d: {  	[tilespmem:s5], [sflag:$0x2] =	stream.linear.gather [spmem:s4], $0x10, $0x38;
	[tilespmem:$0x2E80] =	vst v63  }
0x25e: {  	_ =	swait.ge [sflag:s23], $0x10  }
0x25f: {  	[sflag:s23] =	ssyncset.done $0x0  }
0x260: {  	s5 =	simm.s32 $0x2C80;
	s4 =	rddreg [dreg:$0x19];
	[sflag:s23] =	ssyncadd.s32 $0xFFFFFFF0  }
0x261: {  	[tilespmem:s5], [sflag:$0x2] =	stream.linear.gather [spmem:s4], $0x10, $0x38;
	[tilespmem:$0x2E80] =	vst v63  }
0x262: {  	_ =	swait.ge [sflag:s23], $0x10  }
0x263: {  	[sflag:s23] =	ssyncset.done $0x0  }
0x264: {  	s4 =	simm.s32 $0x2D00;
	s5 =	rddreg [dreg:$0x1a];
	[sflag:s23] =	ssyncadd.s32 $0xFFFFFFF0  }
0x265: {  	[tilespmem:s4], [sflag:$0x2] =	stream.linear.gather [spmem:s5], $0x10, $0x38;
	[tilespmem:$0x2E80] =	vst v63  }
0x266: {  	_ =	swait.ge [sflag:s23], $0x10  }
0x267: {  	[sflag:s23] =	ssyncset.done $0x0  }
0x268: {  	[sflag:s23] =	ssyncadd.s32 $0xFFFFFFF0  }
0x269: {  	v3 =	vld [tilespmem:$0x2580]  }
0x26a: {  	v4 =	vld [tilespmem:$0x2600]  }
0x26b: {  	v5 =	vld [tilespmem:$0x2680]  }
0x26c: {  	v6 =	vld [tilespmem:$0x2700]  }
0x26d: {  	v7 =	vld [tilespmem:$0x2780]  }
0x26e: {  	v8 =	vld [tilespmem:$0x2800]  }
0x26f: {  	v54 =	vld [tilespmem:$0x2880];
	v3 =	vadd.s32 v3, v4  }
0x270: {  	v55 =	vld [tilespmem:$0x2900];
	v3 =	vadd.s32 v5, v3  }
0x271: {  	v56 =	vld [tilespmem:$0x2980];
	v3 =	vadd.s32 v6, v3  }
0x272: {  	v57 =	vld [tilespmem:$0x2A00];
	v3 =	vadd.s32 v7, v3  }
0x273: {  	v58 =	vld [tilespmem:$0x2A80];
	v3 =	vadd.s32 v8, v3  }
0x274: {  	v59 =	vld [tilespmem:$0x2B00];
	v3 =	vadd.s32 v54, v3  }
0x275: {  	v60 =	vld [tilespmem:$0x2B80];
	v3 =	vadd.s32 v55, v3  }
0x276: {  	v61 =	vld [tilespmem:$0x2C00];
	v3 =	vadd.s32 v56, v3  }
0x277: {  	v62 =	vld [tilespmem:$0x2C80];
	v3 =	vadd.s32 v57, v3  }
0x278: {  	v63 =	vld [tilespmem:$0x2D00];
	v3 =	vadd.s32 v58, v3  }
0x279: {  	v3 =	vadd.s32 v59, v3  }
0x27a: {  	v3 =	vadd.s32 v60, v3  }
0x27b: {  	v3 =	vadd.s32 v61, v3  }
0x27c: {  	v3 =	vadd.s32 v62, v3  }
0x27d: {  	v3 =	vadd.s32 v63, v3  }
.Ltmp8:
0x27e: {  	s5 =	simm.s32 $0x2D80;
	s4 =	rddreg [dreg:$0x8];
	[tilespmem:$0x2D80] =	vst v3;
	(pc) =	sbr.rel .LBB2_12-.Ltmp8, $4  }
0x27f: {  	[hbm4b:s4+s2] =	stream.linear.scatter [tilespmem:s5], [sflag:$0x2], $0x10, $0x38;
	[tilespmem:$0x2E80] =	vst v63  }
0x280: {  	_ =	swait.ge [sflag:s23], $0x10  }
0x281: {  	[sflag:s23] =	ssyncset.done $0x0  }
0x282: {  	[sflag:s23] =	ssyncadd.s32 $0xFFFFFFF0  }
.LBB2_13:
0x283: {  	_ =	sfence.sel $0x180000  }
0x284: {  	[bflag:$0x0] =	sbarrier.arrive $0xFFFF  }
0x285: {  	_ =	strace $0x90000047  }
0x286: {  	s0 =	stileid.u32;
	[bflag:$0x2] =	sbarrier.arrive $0xFFFF  }
0x287: {  	p0 =	sne.s32 s0, $0x0;
	s0 =	rddreg [dreg:$0x4]  }
0x288: {  	s0 =	sadd.s32 @!p0 $0x100000, s0  }
0x289: {  	[sflag:s0] =	ssyncadd.tile.s32 @!p0 $0x1;
	_ =	shalt  }
.Lfunc_end2:
_tile_overlayer_lowered:
.L_overlay_start_2:
0x28a: {  	(tag) =	ssettag $0x2  }
0x28b: {  	s0 =	rddreg [dreg:$0x0];
	s2 =	stileid.u32  }
0x28c: {  	s1 =	rddreg [dreg:$0x1];
	p0 =	sne.s32 s2, $0x0  }
0x28d: {  	s3 =	rddreg [dreg:$0x2];
	[bflag:$0x3] =	sbarrier.arrive $0xFFFF;
	s2 =	simm.s32 @!p0 $0x1C02  }
0x28e: {  	[timem:s3], [sflag:s2] =	dma.local @!p0 [hbm:s0], s1  }
0x28f: {  	s0 =	simm.s32 @!p0 $0x2  }
0x290: {  	_ =	swait.ge @!p0 [sflag:s0], s1  }
0x291: {  	s1 =	ssub.s32 @!p0 $0x0, s1;
	[sflag:s0] =	ssyncset.done @!p0 $0x0  }
0x292: {  	[sflag:s0] =	ssyncadd.s32 @!p0 s1  }
0x293: {  	[bflag:$0x3] =	sbarrier.arrive $0xFFFF  }
0x294: {  	_ =	shalt  }

</sc_bundles>
